<compile_context>
chip_gen: v7x
topology: tpu7x:2x2x1
jax: 0.10.2.dev20260603
libtpu: 0.0.44.dev20260713+nightly
codegen_flags: <defaults>
</compile_context>

<pallas_src>
import functools

import jax
import jax.numpy as jnp
from jax import lax
from jax.experimental import pallas as pl
from jax.experimental.pallas import tpu as pltpu
from jax.experimental.pallas import tpu_sc as plsc

D = 64
L = 16
NC = 2
NS = 16
NW = NC * NS
CHUNK = 1024
IDXW = 128
EPS = 1e-12


def _rsqrt(x):
    i = lax.bitcast_convert_type(x, jnp.int32)
    i = jnp.int32(0x5F3759DF) - (i >> 1)
    y = lax.bitcast_convert_type(i, jnp.float32)
    for _ in range(3):
        y = y * (1.5 - (0.5 * x) * y * y)
    return y


@functools.partial(jax.jit, static_argnames=("n",))
def _sc_fused(table, x2d, w, b, *, n):
    per_w = n // NW
    n_chunks = per_w // CHUNK
    mesh = plsc.VectorSubcoreMesh(core_axis_name="c", subcore_axis_name="s")

    @functools.partial(
        pl.kernel,
        mesh=mesh,
        compiler_params=pltpu.CompilerParams(
            use_tc_tiling_on_sc=False, needs_layout_passes=False
        ),
        out_type=jax.ShapeDtypeStruct((n, D), jnp.float32),
        scratch_types=[
            pltpu.VMEM((CHUNK // IDXW, IDXW), jnp.int32),
            pltpu.VMEM((CHUNK, D), jnp.float32),
            pltpu.VMEM((D,), jnp.float32),
            pltpu.VMEM((D,), jnp.float32),
            pltpu.SemaphoreType.DMA,
        ],
    )
    def k(table_hbm, x2d_hbm, w_hbm, b_hbm, out_hbm, idx_v, rows_v, w_v, b_v, sem):
        wid = lax.axis_index("s") * NC + lax.axis_index("c")
        pltpu.sync_copy(w_hbm, w_v)
        pltpu.sync_copy(b_hbm, b_v)
        wv = [w_v[pl.ds(L * j, L)] for j in range(D // L)]
        bv = [b_v[pl.ds(L * j, L)] for j in range(D // L)]

        def chunk_body(g, carry):
            base = wid * per_w + g * CHUNK
            row0 = pl.multiple_of(base // IDXW, 8)
            pltpu.sync_copy(x2d_hbm.at[pl.ds(row0, CHUNK // IDXW)], idx_v)
            cps = [
                pltpu.async_copy(
                    table_hbm.at[idx_v.at[j]],
                    rows_v.at[pl.ds(j * IDXW, IDXW)],
                    sem,
                )
                for j in range(CHUNK // IDXW)
            ]
            for c in cps:
                c.wait()

            def group_body(g16, carry2):
                rvec = g16 * L + lax.iota(jnp.int32, L)
                cols = [jnp.full((L,), j, jnp.int32) for j in range(D)]
                s = jnp.zeros((L,), jnp.float32)
                q = jnp.zeros((L,), jnp.float32)
                for j in range(D):
                    t = plsc.load_gather(rows_v, [rvec, cols[j]])
                    s = s + t
                    q = q + t * t
                mu = s * (1.0 / D)
                var = q * (1.0 / D) - mu * mu
                rs = _rsqrt(jnp.maximum(var, 0.0) + EPS)
                r0 = g16 * L
                for r in range(L):
                    mu_r = mu[r]
                    a_r = rs[r]
                    v = [rows_v[r0 + r, pl.ds(L * jj, L)] for jj in range(D // L)]
                    for jj in range(D // L):
                        rows_v[r0 + r, pl.ds(L * jj, L)] = (
                            (v[jj] - mu_r) * a_r * wv[jj] + bv[jj]
                        )
                return carry2

            lax.fori_loop(0, CHUNK // L, group_body, 0)
            pltpu.sync_copy(rows_v, out_hbm.at[pl.ds(base, CHUNK)])
            return carry

        lax.fori_loop(0, n_chunks, chunk_body, 0)

    return k(table, x2d, w, b)


def kernel(x, table, ln_weight, ln_bias):
    batch, seq = x.shape
    n = batch * seq
    x2d = x.reshape(n // IDXW, IDXW).astype(jnp.int32)
    out = _sc_fused(table, x2d, ln_weight, ln_bias, n=n)
    return out.reshape(batch, seq, D)

# --- scband reference (transcript-rebuilt; emitter-appended) ---
"""Pipeline reference for scband-promt-embeddings-88708254532107 (READ-ONLY COPY).

The authoritative reference and input builder live on the scoring server;
editing this copy changes nothing except your own understanding.
"""

import jax, jax.numpy as jnp
import numpy as np

PROMPT_SIZE = 100000
HIDDEN_DIM = 128
EMBED_DIM = HIDDEN_DIM // 2  # 64
PAD_IDX = 0
EPS = 1e-12
BATCH = 4096
SEQ = 200


def setup_inputs(seed: int = 0) -> dict:
    key = jax.random.key(seed)
    k_idx, k_tab, k_w, k_b = jax.random.split(key, 4)
    x = jax.random.randint(k_idx, (BATCH, SEQ), 0, PROMPT_SIZE, dtype=jnp.int64 if jax.config.jax_enable_x64 else jnp.int32)
    table = jax.random.normal(k_tab, (PROMPT_SIZE, EMBED_DIM), dtype=jnp.float32)
    # nn.Embedding with padding_idx zeroes the padding row at init
    table = table.at[PAD_IDX].set(0.0)
    ln_weight = jnp.ones((EMBED_DIM,), dtype=jnp.float32)
    ln_bias = jnp.zeros((EMBED_DIM,), dtype=jnp.float32)
    return {"x": x, "table": table, "ln_weight": ln_weight, "ln_bias": ln_bias}


def _layer_norm(h, w, b, eps):
    mu = jnp.mean(h, axis=-1, keepdims=True)
    var = jnp.mean(jnp.square(h - mu), axis=-1, keepdims=True)
    return (h - mu) / jnp.sqrt(var + eps) * w + b


def reference(x, table, ln_weight, ln_bias):
    # position_ids are computed in the original forward but never used; keep for fidelity
    seq_length = x.shape[1]
    position_ids = jnp.broadcast_to(jnp.arange(seq_length)[None, :], x.shape)
    del position_ids
    input_embeds = jnp.take(table, x, axis=0)  # embedding gather
    embeddings = _layer_norm(input_embeds, ln_weight, ln_bias, EPS)
    # dropout is identity in eval mode
    return embeddings

if __name__ == "__main__":
    import jax
    _d = setup_inputs()
    print(jax.jit(kernel)(*tuple(_d.values())))

</pallas_src>

<mosaic_0001>
#map = affine_map<(d0, d1) -> (0, 0)>
#map1 = affine_map<(d0, d1) -> (0)>
module attributes {stable_mosaic.version = 14 : i64} {
  func.func @k(%arg0: i32, %arg1: i32, %arg2: memref<100000x64xf32, #tpu.memory_space<hbm>>, %arg3: memref<6400x128xi32, #tpu.memory_space<hbm>>, %arg4: memref<64xf32, #tpu.memory_space<hbm>>, %arg5: memref<64xf32, #tpu.memory_space<hbm>>, %arg6: memref<819200x64xf32, #tpu.memory_space<hbm>>, %arg7: memref<8x128xi32, #tpu.memory_space<vmem>>, %arg8: memref<1024x64xf32, #tpu.memory_space<vmem>>, %arg9: memref<64xf32, #tpu.memory_space<vmem>>, %arg10: memref<64xf32, #tpu.memory_space<vmem>>, %arg11: memref<!tpu.dma_semaphore, #tpu.memory_space<semaphore_mem>>) attributes {dimension_semantics = [#tpu.dimension_semantics<core_parallel>, #tpu.dimension_semantics<subcore_parallel>], iteration_bounds = array<i64: 2, 16>, scalar_prefetch = 0 : i64, scratch_operands = 5 : i64, tpu.core_type = #tpu.core_type<sc_vector_subcore>, window_params = [{transform_indices = #map}, {transform_indices = #map}, {transform_indices = #map1}, {transform_indices = #map1}, {transform_indices = #map}]} {
    %mul3A = arith.constant 2 : i32
    %mul3A_0 = arith.muli %arg1, %mul3A : i32
    %add3A = arith.addi %mul3A_0, %arg0 : i32
    "tpu.region"() ({
      %run_scoped3A = tpu.sem_alloc : memref<!tpu.dma_semaphore, #tpu.memory_space<semaphore_mem>>
      tpu.enqueue_dma source(%arg4 : memref<64xf32, #tpu.memory_space<hbm>>) target(%arg9 : memref<64xf32, #tpu.memory_space<vmem>>) target_semaphore(%run_scoped3A : memref<!tpu.dma_semaphore, #tpu.memory_space<semaphore_mem>>)
      tpu.wait_dma2 semaphore(%run_scoped3A : memref<!tpu.dma_semaphore, #tpu.memory_space<semaphore_mem>>) src(%arg4 : memref<64xf32, #tpu.memory_space<hbm>>) dst(%arg9 : memref<64xf32, #tpu.memory_space<vmem>>)
      tpu.yield
    }) : () -> ()
    "tpu.region"() ({
      %run_scoped3A = tpu.sem_alloc : memref<!tpu.dma_semaphore, #tpu.memory_space<semaphore_mem>>
      tpu.enqueue_dma source(%arg5 : memref<64xf32, #tpu.memory_space<hbm>>) target(%arg10 : memref<64xf32, #tpu.memory_space<vmem>>) target_semaphore(%run_scoped3A : memref<!tpu.dma_semaphore, #tpu.memory_space<semaphore_mem>>)
      tpu.wait_dma2 semaphore(%run_scoped3A : memref<!tpu.dma_semaphore, #tpu.memory_space<semaphore_mem>>) src(%arg5 : memref<64xf32, #tpu.memory_space<hbm>>) dst(%arg10 : memref<64xf32, #tpu.memory_space<vmem>>)
      tpu.yield
    }) : () -> ()
    %get3A = arith.constant 0 : index
    %get3A_1 = tpu.vector_load %arg9[%get3A] {strides = array<i32>} : memref<64xf32, #tpu.memory_space<vmem>>, vector<16xf32>,
    %get3A_2 = arith.constant 16 : index
    %get3A_3 = tpu.vector_load %arg9[%get3A_2] {strides = array<i32>} : memref<64xf32, #tpu.memory_space<vmem>>, vector<16xf32>,
    %get3A_4 = arith.constant 32 : index
    %get3A_5 = tpu.vector_load %arg9[%get3A_4] {strides = array<i32>} : memref<64xf32, #tpu.memory_space<vmem>>, vector<16xf32>,
    %get3A_6 = arith.constant 48 : index
    %get3A_7 = tpu.vector_load %arg9[%get3A_6] {strides = array<i32>} : memref<64xf32, #tpu.memory_space<vmem>>, vector<16xf32>,
    %get3A_8 = arith.constant 0 : index
    %get3A_9 = tpu.vector_load %arg10[%get3A_8] {strides = array<i32>} : memref<64xf32, #tpu.memory_space<vmem>>, vector<16xf32>,
    %get3A_10 = arith.constant 16 : index
    %get3A_11 = tpu.vector_load %arg10[%get3A_10] {strides = array<i32>} : memref<64xf32, #tpu.memory_space<vmem>>, vector<16xf32>,
    %get3A_12 = arith.constant 32 : index
    %get3A_13 = tpu.vector_load %arg10[%get3A_12] {strides = array<i32>} : memref<64xf32, #tpu.memory_space<vmem>>, vector<16xf32>,
    %get3A_14 = arith.constant 48 : index
    %get3A_15 = tpu.vector_load %arg10[%get3A_14] {strides = array<i32>} : memref<64xf32, #tpu.memory_space<vmem>>, vector<16xf32>,
    %scan3A = arith.constant 0 : i32
    %scan3A_16 = arith.constant 0 : i32
    %scan3A_17 = arith.constant 25 : i32
    %scan3A_18 = arith.addi %scan3A_16, %scan3A_17 : i32
    %scan3A_19 = arith.constant 1 : i32
    scf.for %scan3A_21 = %scan3A_16 to %scan3A_18 step %scan3A_19  : i32 {
      %mul3A_22 = arith.constant 25600 : i32
      %mul3A_23 = arith.muli %add3A, %mul3A_22 : i32
      %mul3A_24 = arith.constant 1024 : i32
      %mul3A_25 = arith.muli %scan3A_21, %mul3A_24 : i32
      %add3A_26 = arith.addi %mul3A_23, %mul3A_25 : i32
      %jit3A = arith.constant 128 : i32
      %div3A = arith.divsi %add3A_26, %jit3A : i32
      %sign3A = arith.constant 0 : i32
      %sign3A_27 = arith.cmpi sgt, %add3A_26, %sign3A : i32
      %sign3A_28 = arith.extui %sign3A_27 : i1 to i32
      %sign3A_29 = arith.constant 0 : i32
      %sign3A_30 = arith.cmpi slt, %add3A_26, %sign3A_29 : i32
      %sign3A_31 = arith.extui %sign3A_30 : i1 to i32
      %sign3A_32 = arith.subi %sign3A_28, %sign3A_31 : i32
      %sign3A_33 = arith.constant 0 : i32
      %sign3A_34 = arith.cmpi sgt, %jit3A, %sign3A_33 : i32
      %sign3A_35 = arith.extui %sign3A_34 : i1 to i32
      %sign3A_36 = arith.constant 0 : i32
      %sign3A_37 = arith.cmpi slt, %jit3A, %sign3A_36 : i32
      %sign3A_38 = arith.extui %sign3A_37 : i1 to i32
      %sign3A_39 = arith.subi %sign3A_35, %sign3A_38 : i32
      %ne3A = arith.cmpi ne, %sign3A_32, %sign3A_39 : i32
      %rem3A = arith.remsi %add3A_26, %jit3A : i32
      %ne3A_40 = arith.constant 0 : i32
      %ne3A_41 = arith.cmpi ne, %rem3A, %ne3A_40 : i32
      %and3A = arith.andi %ne3A, %ne3A_41 : i1
      %sub3A = arith.constant 1 : i32
      %sub3A_42 = arith.subi %div3A, %sub3A : i32
      %select_n3A = arith.select %and3A, %sub3A_42, %div3A : i32
      %multiple_of3A = tpu.assume_multiple %select_n3A, 8 : i32
      "tpu.region"() ({
        %run_scoped3A = tpu.sem_alloc : memref<!tpu.dma_semaphore, #tpu.memory_space<semaphore_mem>>
        %dma_start3A_207 = arith.constant 0 : i32
        %dma_start3A_208 = tpu.memref_slice %arg3[%multiple_of3A, %dma_start3A_207] : memref<6400x128xi32, #tpu.memory_space<hbm>> -> memref<8x128xi32, #tpu.memory_space<hbm>>
        %dma_start3A_209 = arith.constant 0 : i32
        %dma_start3A_210 = tpu.memref_slice %arg3[%multiple_of3A, %dma_start3A_209] : memref<6400x128xi32, #tpu.memory_space<hbm>> -> memref<8x128xi32, #tpu.memory_space<hbm>>
        tpu.enqueue_dma source(%dma_start3A_210 : memref<8x128xi32, #tpu.memory_space<hbm>>) target(%arg7 : memref<8x128xi32, #tpu.memory_space<vmem>>) target_semaphore(%run_scoped3A : memref<!tpu.dma_semaphore, #tpu.memory_space<semaphore_mem>>)
        %dma_wait3A_211 = arith.constant 0 : i32
        %dma_wait3A_212 = tpu.memref_slice %arg3[%multiple_of3A, %dma_wait3A_211] : memref<6400x128xi32, #tpu.memory_space<hbm>> -> memref<8x128xi32, #tpu.memory_space<hbm>>
        %dma_wait3A_213 = arith.constant 0 : i32
        %dma_wait3A_214 = tpu.memref_slice %arg3[%multiple_of3A, %dma_wait3A_213] : memref<6400x128xi32, #tpu.memory_space<hbm>> -> memref<8x128xi32, #tpu.memory_space<hbm>>
        tpu.wait_dma2 semaphore(%run_scoped3A : memref<!tpu.dma_semaphore, #tpu.memory_space<semaphore_mem>>) src(%dma_wait3A_214 : memref<8x128xi32, #tpu.memory_space<hbm>>) dst(%arg7 : memref<8x128xi32, #tpu.memory_space<vmem>>)
        tpu.yield
      }) : () -> ()
      %dma_start3A = arith.constant 0 : i32
      %dma_start3A_43 = arith.constant 0 : i32
      %dma_start3A_44 = arith.constant 0 : i32
      %dma_start3A_45 = tpu.memref_slice %arg8[%dma_start3A_43, %dma_start3A_44] : memref<1024x64xf32, #tpu.memory_space<vmem>> -> memref<128x64xf32, #tpu.memory_space<vmem>>
      %dma_start3A_46 = arith.constant 0 : i32
      %dma_start3A_47 = tpu.memref_slice %arg7[%dma_start3A, %dma_start3A_46] : memref<8x128xi32, #tpu.memory_space<vmem>> -> memref<1x128xi32, #tpu.memory_space<vmem>>
      %dma_start3A_48 = tpu.memref_squeeze %dma_start3A_47 : memref<1x128xi32, #tpu.memory_space<vmem>> -> memref<128xi32, #tpu.memory_space<vmem>>
      %dma_start3A_49 = arith.constant 0 : i32
      %dma_start3A_50 = arith.constant 0 : i32
      %dma_start3A_51 = tpu.memref_slice %arg2[%dma_start3A_49, %dma_start3A_50] : memref<100000x64xf32, #tpu.memory_space<hbm>> -> memref<100000x64xf32, #tpu.memory_space<hbm>>
      tpu.enqueue_indirect_dma source(%dma_start3A_51 : memref<100000x64xf32, #tpu.memory_space<hbm>>) target(%dma_start3A_45 : memref<128x64xf32, #tpu.memory_space<vmem>>) offsets(%dma_start3A_48 : memref<128xi32, #tpu.memory_space<vmem>>) semaphore(%arg11 : memref<!tpu.dma_semaphore, #tpu.memory_space<semaphore_mem>>)
      %dma_start3A_52 = arith.constant 1 : i32
      %dma_start3A_53 = arith.constant 128 : i32
      %dma_start3A_54 = arith.constant 0 : i32
      %dma_start3A_55 = tpu.memref_slice %arg8[%dma_start3A_53, %dma_start3A_54] : memref<1024x64xf32, #tpu.memory_space<vmem>> -> memref<128x64xf32, #tpu.memory_space<vmem>>
      %dma_start3A_56 = arith.constant 0 : i32
      %dma_start3A_57 = tpu.memref_slice %arg7[%dma_start3A_52, %dma_start3A_56] : memref<8x128xi32, #tpu.memory_space<vmem>> -> memref<1x128xi32, #tpu.memory_space<vmem>>
      %dma_start3A_58 = tpu.memref_squeeze %dma_start3A_57 : memref<1x128xi32, #tpu.memory_space<vmem>> -> memref<128xi32, #tpu.memory_space<vmem>>
      %dma_start3A_59 = arith.constant 0 : i32
      %dma_start3A_60 = arith.constant 0 : i32
      %dma_start3A_61 = tpu.memref_slice %arg2[%dma_start3A_59, %dma_start3A_60] : memref<100000x64xf32, #tpu.memory_space<hbm>> -> memref<100000x64xf32, #tpu.memory_space<hbm>>
      tpu.enqueue_indirect_dma source(%dma_start3A_61 : memref<100000x64xf32, #tpu.memory_space<hbm>>) target(%dma_start3A_55 : memref<128x64xf32, #tpu.memory_space<vmem>>) offsets(%dma_start3A_58 : memref<128xi32, #tpu.memory_space<vmem>>) semaphore(%arg11 : memref<!tpu.dma_semaphore, #tpu.memory_space<semaphore_mem>>)
      %dma_start3A_62 = arith.constant 2 : i32
      %dma_start3A_63 = arith.constant 256 : i32
      %dma_start3A_64 = arith.constant 0 : i32
      %dma_start3A_65 = tpu.memref_slice %arg8[%dma_start3A_63, %dma_start3A_64] : memref<1024x64xf32, #tpu.memory_space<vmem>> -> memref<128x64xf32, #tpu.memory_space<vmem>>
      %dma_start3A_66 = arith.constant 0 : i32
      %dma_start3A_67 = tpu.memref_slice %arg7[%dma_start3A_62, %dma_start3A_66] : memref<8x128xi32, #tpu.memory_space<vmem>> -> memref<1x128xi32, #tpu.memory_space<vmem>>
      %dma_start3A_68 = tpu.memref_squeeze %dma_start3A_67 : memref<1x128xi32, #tpu.memory_space<vmem>> -> memref<128xi32, #tpu.memory_space<vmem>>
      %dma_start3A_69 = arith.constant 0 : i32
      %dma_start3A_70 = arith.constant 0 : i32
      %dma_start3A_71 = tpu.memref_slice %arg2[%dma_start3A_69, %dma_start3A_70] : memref<100000x64xf32, #tpu.memory_space<hbm>> -> memref<100000x64xf32, #tpu.memory_space<hbm>>
      tpu.enqueue_indirect_dma source(%dma_start3A_71 : memref<100000x64xf32, #tpu.memory_space<hbm>>) target(%dma_start3A_65 : memref<128x64xf32, #tpu.memory_space<vmem>>) offsets(%dma_start3A_68 : memref<128xi32, #tpu.memory_space<vmem>>) semaphore(%arg11 : memref<!tpu.dma_semaphore, #tpu.memory_space<semaphore_mem>>)
      %dma_start3A_72 = arith.constant 3 : i32
      %dma_start3A_73 = arith.constant 384 : i32
      %dma_start3A_74 = arith.constant 0 : i32
      %dma_start3A_75 = tpu.memref_slice %arg8[%dma_start3A_73, %dma_start3A_74] : memref<1024x64xf32, #tpu.memory_space<vmem>> -> memref<128x64xf32, #tpu.memory_space<vmem>>
      %dma_start3A_76 = arith.constant 0 : i32
      %dma_start3A_77 = tpu.memref_slice %arg7[%dma_start3A_72, %dma_start3A_76] : memref<8x128xi32, #tpu.memory_space<vmem>> -> memref<1x128xi32, #tpu.memory_space<vmem>>
      %dma_start3A_78 = tpu.memref_squeeze %dma_start3A_77 : memref<1x128xi32, #tpu.memory_space<vmem>> -> memref<128xi32, #tpu.memory_space<vmem>>
      %dma_start3A_79 = arith.constant 0 : i32
      %dma_start3A_80 = arith.constant 0 : i32
      %dma_start3A_81 = tpu.memref_slice %arg2[%dma_start3A_79, %dma_start3A_80] : memref<100000x64xf32, #tpu.memory_space<hbm>> -> memref<100000x64xf32, #tpu.memory_space<hbm>>
      tpu.enqueue_indirect_dma source(%dma_start3A_81 : memref<100000x64xf32, #tpu.memory_space<hbm>>) target(%dma_start3A_75 : memref<128x64xf32, #tpu.memory_space<vmem>>) offsets(%dma_start3A_78 : memref<128xi32, #tpu.memory_space<vmem>>) semaphore(%arg11 : memref<!tpu.dma_semaphore, #tpu.memory_space<semaphore_mem>>)
      %dma_start3A_82 = arith.constant 4 : i32
      %dma_start3A_83 = arith.constant 512 : i32
      %dma_start3A_84 = arith.constant 0 : i32
      %dma_start3A_85 = tpu.memref_slice %arg8[%dma_start3A_83, %dma_start3A_84] : memref<1024x64xf32, #tpu.memory_space<vmem>> -> memref<128x64xf32, #tpu.memory_space<vmem>>
      %dma_start3A_86 = arith.constant 0 : i32
      %dma_start3A_87 = tpu.memref_slice %arg7[%dma_start3A_82, %dma_start3A_86] : memref<8x128xi32, #tpu.memory_space<vmem>> -> memref<1x128xi32, #tpu.memory_space<vmem>>
      %dma_start3A_88 = tpu.memref_squeeze %dma_start3A_87 : memref<1x128xi32, #tpu.memory_space<vmem>> -> memref<128xi32, #tpu.memory_space<vmem>>
      %dma_start3A_89 = arith.constant 0 : i32
      %dma_start3A_90 = arith.constant 0 : i32
      %dma_start3A_91 = tpu.memref_slice %arg2[%dma_start3A_89, %dma_start3A_90] : memref<100000x64xf32, #tpu.memory_space<hbm>> -> memref<100000x64xf32, #tpu.memory_space<hbm>>
      tpu.enqueue_indirect_dma source(%dma_start3A_91 : memref<100000x64xf32, #tpu.memory_space<hbm>>) target(%dma_start3A_85 : memref<128x64xf32, #tpu.memory_space<vmem>>) offsets(%dma_start3A_88 : memref<128xi32, #tpu.memory_space<vmem>>) semaphore(%arg11 : memref<!tpu.dma_semaphore, #tpu.memory_space<semaphore_mem>>)
      %dma_start3A_92 = arith.constant 5 : i32
      %dma_start3A_93 = arith.constant 640 : i32
      %dma_start3A_94 = arith.constant 0 : i32
      %dma_start3A_95 = tpu.memref_slice %arg8[%dma_start3A_93, %dma_start3A_94] : memref<1024x64xf32, #tpu.memory_space<vmem>> -> memref<128x64xf32, #tpu.memory_space<vmem>>
      %dma_start3A_96 = arith.constant 0 : i32
      %dma_start3A_97 = tpu.memref_slice %arg7[%dma_start3A_92, %dma_start3A_96] : memref<8x128xi32, #tpu.memory_space<vmem>> -> memref<1x128xi32, #tpu.memory_space<vmem>>
      %dma_start3A_98 = tpu.memref_squeeze %dma_start3A_97 : memref<1x128xi32, #tpu.memory_space<vmem>> -> memref<128xi32, #tpu.memory_space<vmem>>
      %dma_start3A_99 = arith.constant 0 : i32
      %dma_start3A_100 = arith.constant 0 : i32
      %dma_start3A_101 = tpu.memref_slice %arg2[%dma_start3A_99, %dma_start3A_100] : memref<100000x64xf32, #tpu.memory_space<hbm>> -> memref<100000x64xf32, #tpu.memory_space<hbm>>
      tpu.enqueue_indirect_dma source(%dma_start3A_101 : memref<100000x64xf32, #tpu.memory_space<hbm>>) target(%dma_start3A_95 : memref<128x64xf32, #tpu.memory_space<vmem>>) offsets(%dma_start3A_98 : memref<128xi32, #tpu.memory_space<vmem>>) semaphore(%arg11 : memref<!tpu.dma_semaphore, #tpu.memory_space<semaphore_mem>>)
      %dma_start3A_102 = arith.constant 6 : i32
      %dma_start3A_103 = arith.constant 768 : i32
      %dma_start3A_104 = arith.constant 0 : i32
      %dma_start3A_105 = tpu.memref_slice %arg8[%dma_start3A_103, %dma_start3A_104] : memref<1024x64xf32, #tpu.memory_space<vmem>> -> memref<128x64xf32, #tpu.memory_space<vmem>>
      %dma_start3A_106 = arith.constant 0 : i32
      %dma_start3A_107 = tpu.memref_slice %arg7[%dma_start3A_102, %dma_start3A_106] : memref<8x128xi32, #tpu.memory_space<vmem>> -> memref<1x128xi32, #tpu.memory_space<vmem>>
      %dma_start3A_108 = tpu.memref_squeeze %dma_start3A_107 : memref<1x128xi32, #tpu.memory_space<vmem>> -> memref<128xi32, #tpu.memory_space<vmem>>
      %dma_start3A_109 = arith.constant 0 : i32
      %dma_start3A_110 = arith.constant 0 : i32
      %dma_start3A_111 = tpu.memref_slice %arg2[%dma_start3A_109, %dma_start3A_110] : memref<100000x64xf32, #tpu.memory_space<hbm>> -> memref<100000x64xf32, #tpu.memory_space<hbm>>
      tpu.enqueue_indirect_dma source(%dma_start3A_111 : memref<100000x64xf32, #tpu.memory_space<hbm>>) target(%dma_start3A_105 : memref<128x64xf32, #tpu.memory_space<vmem>>) offsets(%dma_start3A_108 : memref<128xi32, #tpu.memory_space<vmem>>) semaphore(%arg11 : memref<!tpu.dma_semaphore, #tpu.memory_space<semaphore_mem>>)
      %dma_start3A_112 = arith.constant 7 : i32
      %dma_start3A_113 = arith.constant 896 : i32
      %dma_start3A_114 = arith.constant 0 : i32
      %dma_start3A_115 = tpu.memref_slice %arg8[%dma_start3A_113, %dma_start3A_114] : memref<1024x64xf32, #tpu.memory_space<vmem>> -> memref<128x64xf32, #tpu.memory_space<vmem>>
      %dma_start3A_116 = arith.constant 0 : i32
      %dma_start3A_117 = tpu.memref_slice %arg7[%dma_start3A_112, %dma_start3A_116] : memref<8x128xi32, #tpu.memory_space<vmem>> -> memref<1x128xi32, #tpu.memory_space<vmem>>
      %dma_start3A_118 = tpu.memref_squeeze %dma_start3A_117 : memref<1x128xi32, #tpu.memory_space<vmem>> -> memref<128xi32, #tpu.memory_space<vmem>>
      %dma_start3A_119 = arith.constant 0 : i32
      %dma_start3A_120 = arith.constant 0 : i32
      %dma_start3A_121 = tpu.memref_slice %arg2[%dma_start3A_119, %dma_start3A_120] : memref<100000x64xf32, #tpu.memory_space<hbm>> -> memref<100000x64xf32, #tpu.memory_space<hbm>>
      tpu.enqueue_indirect_dma source(%dma_start3A_121 : memref<100000x64xf32, #tpu.memory_space<hbm>>) target(%dma_start3A_115 : memref<128x64xf32, #tpu.memory_space<vmem>>) offsets(%dma_start3A_118 : memref<128xi32, #tpu.memory_space<vmem>>) semaphore(%arg11 : memref<!tpu.dma_semaphore, #tpu.memory_space<semaphore_mem>>)
      %dma_wait3A = arith.constant 0 : i32
      %dma_wait3A_122 = arith.constant 0 : i32
      %dma_wait3A_123 = arith.constant 0 : i32
      %dma_wait3A_124 = tpu.memref_slice %arg8[%dma_wait3A_122, %dma_wait3A_123] : memref<1024x64xf32, #tpu.memory_space<vmem>> -> memref<128x64xf32, #tpu.memory_space<vmem>>
      %dma_wait3A_125 = arith.constant 0 : i32
      %dma_wait3A_126 = tpu.memref_slice %arg7[%dma_wait3A, %dma_wait3A_125] : memref<8x128xi32, #tpu.memory_space<vmem>> -> memref<1x128xi32, #tpu.memory_space<vmem>>
      %dma_wait3A_127 = tpu.memref_squeeze %dma_wait3A_126 : memref<1x128xi32, #tpu.memory_space<vmem>> -> memref<128xi32, #tpu.memory_space<vmem>>
      %dma_wait3A_128 = arith.constant 0 : i32
      %dma_wait3A_129 = arith.constant 0 : i32
      %dma_wait3A_130 = tpu.memref_slice %arg2[%dma_wait3A_128, %dma_wait3A_129] : memref<100000x64xf32, #tpu.memory_space<hbm>> -> memref<100000x64xf32, #tpu.memory_space<hbm>>
      tpu.wait_indirect_dma semaphore(%arg11 : memref<!tpu.dma_semaphore, #tpu.memory_space<semaphore_mem>>) src(%dma_wait3A_130 : memref<100000x64xf32, #tpu.memory_space<hbm>>) dst(%dma_wait3A_124 : memref<128x64xf32, #tpu.memory_space<vmem>>)
      %dma_wait3A_131 = arith.constant 1 : i32
      %dma_wait3A_132 = arith.constant 128 : i32
      %dma_wait3A_133 = arith.constant 0 : i32
      %dma_wait3A_134 = tpu.memref_slice %arg8[%dma_wait3A_132, %dma_wait3A_133] : memref<1024x64xf32, #tpu.memory_space<vmem>> -> memref<128x64xf32, #tpu.memory_space<vmem>>
      %dma_wait3A_135 = arith.constant 0 : i32
      %dma_wait3A_136 = tpu.memref_slice %arg7[%dma_wait3A_131, %dma_wait3A_135] : memref<8x128xi32, #tpu.memory_space<vmem>> -> memref<1x128xi32, #tpu.memory_space<vmem>>
      %dma_wait3A_137 = tpu.memref_squeeze %dma_wait3A_136 : memref<1x128xi32, #tpu.memory_space<vmem>> -> memref<128xi32, #tpu.memory_space<vmem>>
      %dma_wait3A_138 = arith.constant 0 : i32
      %dma_wait3A_139 = arith.constant 0 : i32
      %dma_wait3A_140 = tpu.memref_slice %arg2[%dma_wait3A_138, %dma_wait3A_139] : memref<100000x64xf32, #tpu.memory_space<hbm>> -> memref<100000x64xf32, #tpu.memory_space<hbm>>
      tpu.wait_indirect_dma semaphore(%arg11 : memref<!tpu.dma_semaphore, #tpu.memory_space<semaphore_mem>>) src(%dma_wait3A_140 : memref<100000x64xf32, #tpu.memory_space<hbm>>) dst(%dma_wait3A_134 : memref<128x64xf32, #tpu.memory_space<vmem>>)
      %dma_wait3A_141 = arith.constant 2 : i32
      %dma_wait3A_142 = arith.constant 256 : i32
      %dma_wait3A_143 = arith.constant 0 : i32
      %dma_wait3A_144 = tpu.memref_slice %arg8[%dma_wait3A_142, %dma_wait3A_143] : memref<1024x64xf32, #tpu.memory_space<vmem>> -> memref<128x64xf32, #tpu.memory_space<vmem>>
      %dma_wait3A_145 = arith.constant 0 : i32
      %dma_wait3A_146 = tpu.memref_slice %arg7[%dma_wait3A_141, %dma_wait3A_145] : memref<8x128xi32, #tpu.memory_space<vmem>> -> memref<1x128xi32, #tpu.memory_space<vmem>>
      %dma_wait3A_147 = tpu.memref_squeeze %dma_wait3A_146 : memref<1x128xi32, #tpu.memory_space<vmem>> -> memref<128xi32, #tpu.memory_space<vmem>>
      %dma_wait3A_148 = arith.constant 0 : i32
      %dma_wait3A_149 = arith.constant 0 : i32
      %dma_wait3A_150 = tpu.memref_slice %arg2[%dma_wait3A_148, %dma_wait3A_149] : memref<100000x64xf32, #tpu.memory_space<hbm>> -> memref<100000x64xf32, #tpu.memory_space<hbm>>
      tpu.wait_indirect_dma semaphore(%arg11 : memref<!tpu.dma_semaphore, #tpu.memory_space<semaphore_mem>>) src(%dma_wait3A_150 : memref<100000x64xf32, #tpu.memory_space<hbm>>) dst(%dma_wait3A_144 : memref<128x64xf32, #tpu.memory_space<vmem>>)
      %dma_wait3A_151 = arith.constant 3 : i32
      %dma_wait3A_152 = arith.constant 384 : i32
      %dma_wait3A_153 = arith.constant 0 : i32
      %dma_wait3A_154 = tpu.memref_slice %arg8[%dma_wait3A_152, %dma_wait3A_153] : memref<1024x64xf32, #tpu.memory_space<vmem>> -> memref<128x64xf32, #tpu.memory_space<vmem>>
      %dma_wait3A_155 = arith.constant 0 : i32
      %dma_wait3A_156 = tpu.memref_slice %arg7[%dma_wait3A_151, %dma_wait3A_155] : memref<8x128xi32, #tpu.memory_space<vmem>> -> memref<1x128xi32, #tpu.memory_space<vmem>>
      %dma_wait3A_157 = tpu.memref_squeeze %dma_wait3A_156 : memref<1x128xi32, #tpu.memory_space<vmem>> -> memref<128xi32, #tpu.memory_space<vmem>>
      %dma_wait3A_158 = arith.constant 0 : i32
      %dma_wait3A_159 = arith.constant 0 : i32
      %dma_wait3A_160 = tpu.memref_slice %arg2[%dma_wait3A_158, %dma_wait3A_159] : memref<100000x64xf32, #tpu.memory_space<hbm>> -> memref<100000x64xf32, #tpu.memory_space<hbm>>
      tpu.wait_indirect_dma semaphore(%arg11 : memref<!tpu.dma_semaphore, #tpu.memory_space<semaphore_mem>>) src(%dma_wait3A_160 : memref<100000x64xf32, #tpu.memory_space<hbm>>) dst(%dma_wait3A_154 : memref<128x64xf32, #tpu.memory_space<vmem>>)
      %dma_wait3A_161 = arith.constant 4 : i32
      %dma_wait3A_162 = arith.constant 512 : i32
      %dma_wait3A_163 = arith.constant 0 : i32
      %dma_wait3A_164 = tpu.memref_slice %arg8[%dma_wait3A_162, %dma_wait3A_163] : memref<1024x64xf32, #tpu.memory_space<vmem>> -> memref<128x64xf32, #tpu.memory_space<vmem>>
      %dma_wait3A_165 = arith.constant 0 : i32
      %dma_wait3A_166 = tpu.memref_slice %arg7[%dma_wait3A_161, %dma_wait3A_165] : memref<8x128xi32, #tpu.memory_space<vmem>> -> memref<1x128xi32, #tpu.memory_space<vmem>>
      %dma_wait3A_167 = tpu.memref_squeeze %dma_wait3A_166 : memref<1x128xi32, #tpu.memory_space<vmem>> -> memref<128xi32, #tpu.memory_space<vmem>>
      %dma_wait3A_168 = arith.constant 0 : i32
      %dma_wait3A_169 = arith.constant 0 : i32
      %dma_wait3A_170 = tpu.memref_slice %arg2[%dma_wait3A_168, %dma_wait3A_169] : memref<100000x64xf32, #tpu.memory_space<hbm>> -> memref<100000x64xf32, #tpu.memory_space<hbm>>
      tpu.wait_indirect_dma semaphore(%arg11 : memref<!tpu.dma_semaphore, #tpu.memory_space<semaphore_mem>>) src(%dma_wait3A_170 : memref<100000x64xf32, #tpu.memory_space<hbm>>) dst(%dma_wait3A_164 : memref<128x64xf32, #tpu.memory_space<vmem>>)
      %dma_wait3A_171 = arith.constant 5 : i32
      %dma_wait3A_172 = arith.constant 640 : i32
      %dma_wait3A_173 = arith.constant 0 : i32
      %dma_wait3A_174 = tpu.memref_slice %arg8[%dma_wait3A_172, %dma_wait3A_173] : memref<1024x64xf32, #tpu.memory_space<vmem>> -> memref<128x64xf32, #tpu.memory_space<vmem>>
      %dma_wait3A_175 = arith.constant 0 : i32
      %dma_wait3A_176 = tpu.memref_slice %arg7[%dma_wait3A_171, %dma_wait3A_175] : memref<8x128xi32, #tpu.memory_space<vmem>> -> memref<1x128xi32, #tpu.memory_space<vmem>>
      %dma_wait3A_177 = tpu.memref_squeeze %dma_wait3A_176 : memref<1x128xi32, #tpu.memory_space<vmem>> -> memref<128xi32, #tpu.memory_space<vmem>>
      %dma_wait3A_178 = arith.constant 0 : i32
      %dma_wait3A_179 = arith.constant 0 : i32
      %dma_wait3A_180 = tpu.memref_slice %arg2[%dma_wait3A_178, %dma_wait3A_179] : memref<100000x64xf32, #tpu.memory_space<hbm>> -> memref<100000x64xf32, #tpu.memory_space<hbm>>
      tpu.wait_indirect_dma semaphore(%arg11 : memref<!tpu.dma_semaphore, #tpu.memory_space<semaphore_mem>>) src(%dma_wait3A_180 : memref<100000x64xf32, #tpu.memory_space<hbm>>) dst(%dma_wait3A_174 : memref<128x64xf32, #tpu.memory_space<vmem>>)
      %dma_wait3A_181 = arith.constant 6 : i32
      %dma_wait3A_182 = arith.constant 768 : i32
      %dma_wait3A_183 = arith.constant 0 : i32
      %dma_wait3A_184 = tpu.memref_slice %arg8[%dma_wait3A_182, %dma_wait3A_183] : memref<1024x64xf32, #tpu.memory_space<vmem>> -> memref<128x64xf32, #tpu.memory_space<vmem>>
      %dma_wait3A_185 = arith.constant 0 : i32
      %dma_wait3A_186 = tpu.memref_slice %arg7[%dma_wait3A_181, %dma_wait3A_185] : memref<8x128xi32, #tpu.memory_space<vmem>> -> memref<1x128xi32, #tpu.memory_space<vmem>>
      %dma_wait3A_187 = tpu.memref_squeeze %dma_wait3A_186 : memref<1x128xi32, #tpu.memory_space<vmem>> -> memref<128xi32, #tpu.memory_space<vmem>>
      %dma_wait3A_188 = arith.constant 0 : i32
      %dma_wait3A_189 = arith.constant 0 : i32
      %dma_wait3A_190 = tpu.memref_slice %arg2[%dma_wait3A_188, %dma_wait3A_189] : memref<100000x64xf32, #tpu.memory_space<hbm>> -> memref<100000x64xf32, #tpu.memory_space<hbm>>
      tpu.wait_indirect_dma semaphore(%arg11 : memref<!tpu.dma_semaphore, #tpu.memory_space<semaphore_mem>>) src(%dma_wait3A_190 : memref<100000x64xf32, #tpu.memory_space<hbm>>) dst(%dma_wait3A_184 : memref<128x64xf32, #tpu.memory_space<vmem>>)
      %dma_wait3A_191 = arith.constant 7 : i32
      %dma_wait3A_192 = arith.constant 896 : i32
      %dma_wait3A_193 = arith.constant 0 : i32
      %dma_wait3A_194 = tpu.memref_slice %arg8[%dma_wait3A_192, %dma_wait3A_193] : memref<1024x64xf32, #tpu.memory_space<vmem>> -> memref<128x64xf32, #tpu.memory_space<vmem>>
      %dma_wait3A_195 = arith.constant 0 : i32
      %dma_wait3A_196 = tpu.memref_slice %arg7[%dma_wait3A_191, %dma_wait3A_195] : memref<8x128xi32, #tpu.memory_space<vmem>> -> memref<1x128xi32, #tpu.memory_space<vmem>>
      %dma_wait3A_197 = tpu.memref_squeeze %dma_wait3A_196 : memref<1x128xi32, #tpu.memory_space<vmem>> -> memref<128xi32, #tpu.memory_space<vmem>>
      %dma_wait3A_198 = arith.constant 0 : i32
      %dma_wait3A_199 = arith.constant 0 : i32
      %dma_wait3A_200 = tpu.memref_slice %arg2[%dma_wait3A_198, %dma_wait3A_199] : memref<100000x64xf32, #tpu.memory_space<hbm>> -> memref<100000x64xf32, #tpu.memory_space<hbm>>
      tpu.wait_indirect_dma semaphore(%arg11 : memref<!tpu.dma_semaphore, #tpu.memory_space<semaphore_mem>>) src(%dma_wait3A_200 : memref<100000x64xf32, #tpu.memory_space<hbm>>) dst(%dma_wait3A_194 : memref<128x64xf32, #tpu.memory_space<vmem>>)
      %scan3A_201 = arith.constant 0 : i32
      %scan3A_202 = arith.constant 0 : i32
      %scan3A_203 = arith.constant 64 : i32
      %scan3A_204 = arith.addi %scan3A_202, %scan3A_203 : i32
      %scan3A_205 = arith.constant 1 : i32
      scf.for %scan3A_207 = %scan3A_202 to %scan3A_204 step %scan3A_205  : i32 {
        %mul3A_208 = arith.constant 16 : i32
        %mul3A_209 = arith.muli %scan3A_207, %mul3A_208 : i32
        %iota3A = tpu.iota {dimensions = array<i32: 0>} : vector<16xi32>
        %add3A_210 = vector.broadcast %mul3A_209 : i32 to vector<16xi32>
        %add3A_211 = arith.addi %add3A_210, %iota3A : vector<16xi32>
        %broadcast_in_dim3A = arith.constant 0 : i32
        %broadcast_in_dim3A_212 = vector.broadcast %broadcast_in_dim3A : i32 to vector<16xi32>
        %broadcast_in_dim3A_213 = arith.constant 1 : i32
        %broadcast_in_dim3A_214 = vector.broadcast %broadcast_in_dim3A_213 : i32 to vector<16xi32>
        %broadcast_in_dim3A_215 = arith.constant 2 : i32
        %broadcast_in_dim3A_216 = vector.broadcast %broadcast_in_dim3A_215 : i32 to vector<16xi32>
        %broadcast_in_dim3A_217 = arith.constant 3 : i32
        %broadcast_in_dim3A_218 = vector.broadcast %broadcast_in_dim3A_217 : i32 to vector<16xi32>
        %broadcast_in_dim3A_219 = arith.constant 4 : i32
        %broadcast_in_dim3A_220 = vector.broadcast %broadcast_in_dim3A_219 : i32 to vector<16xi32>
        %broadcast_in_dim3A_221 = arith.constant 5 : i32
        %broadcast_in_dim3A_222 = vector.broadcast %broadcast_in_dim3A_221 : i32 to vector<16xi32>
        %broadcast_in_dim3A_223 = arith.constant 6 : i32
        %broadcast_in_dim3A_224 = vector.broadcast %broadcast_in_dim3A_223 : i32 to vector<16xi32>
        %broadcast_in_dim3A_225 = arith.constant 7 : i32
        %broadcast_in_dim3A_226 = vector.broadcast %broadcast_in_dim3A_225 : i32 to vector<16xi32>
        %broadcast_in_dim3A_227 = arith.constant 8 : i32
        %broadcast_in_dim3A_228 = vector.broadcast %broadcast_in_dim3A_227 : i32 to vector<16xi32>
        %broadcast_in_dim3A_229 = arith.constant 9 : i32
        %broadcast_in_dim3A_230 = vector.broadcast %broadcast_in_dim3A_229 : i32 to vector<16xi32>
        %broadcast_in_dim3A_231 = arith.constant 10 : i32
        %broadcast_in_dim3A_232 = vector.broadcast %broadcast_in_dim3A_231 : i32 to vector<16xi32>
        %broadcast_in_dim3A_233 = arith.constant 11 : i32
        %broadcast_in_dim3A_234 = vector.broadcast %broadcast_in_dim3A_233 : i32 to vector<16xi32>
        %broadcast_in_dim3A_235 = arith.constant 12 : i32
        %broadcast_in_dim3A_236 = vector.broadcast %broadcast_in_dim3A_235 : i32 to vector<16xi32>
        %broadcast_in_dim3A_237 = arith.constant 13 : i32
        %broadcast_in_dim3A_238 = vector.broadcast %broadcast_in_dim3A_237 : i32 to vector<16xi32>
        %broadcast_in_dim3A_239 = arith.constant 14 : i32
        %broadcast_in_dim3A_240 = vector.broadcast %broadcast_in_dim3A_239 : i32 to vector<16xi32>
        %broadcast_in_dim3A_241 = arith.constant 15 : i32
        %broadcast_in_dim3A_242 = vector.broadcast %broadcast_in_dim3A_241 : i32 to vector<16xi32>
        %broadcast_in_dim3A_243 = arith.constant 16 : i32
        %broadcast_in_dim3A_244 = vector.broadcast %broadcast_in_dim3A_243 : i32 to vector<16xi32>
        %broadcast_in_dim3A_245 = arith.constant 17 : i32
        %broadcast_in_dim3A_246 = vector.broadcast %broadcast_in_dim3A_245 : i32 to vector<16xi32>
        %broadcast_in_dim3A_247 = arith.constant 18 : i32
        %broadcast_in_dim3A_248 = vector.broadcast %broadcast_in_dim3A_247 : i32 to vector<16xi32>
        %broadcast_in_dim3A_249 = arith.constant 19 : i32
        %broadcast_in_dim3A_250 = vector.broadcast %broadcast_in_dim3A_249 : i32 to vector<16xi32>
        %broadcast_in_dim3A_251 = arith.constant 20 : i32
        %broadcast_in_dim3A_252 = vector.broadcast %broadcast_in_dim3A_251 : i32 to vector<16xi32>
        %broadcast_in_dim3A_253 = arith.constant 21 : i32
        %broadcast_in_dim3A_254 = vector.broadcast %broadcast_in_dim3A_253 : i32 to vector<16xi32>
        %broadcast_in_dim3A_255 = arith.constant 22 : i32
        %broadcast_in_dim3A_256 = vector.broadcast %broadcast_in_dim3A_255 : i32 to vector<16xi32>
        %broadcast_in_dim3A_257 = arith.constant 23 : i32
        %broadcast_in_dim3A_258 = vector.broadcast %broadcast_in_dim3A_257 : i32 to vector<16xi32>
        %broadcast_in_dim3A_259 = arith.constant 24 : i32
        %broadcast_in_dim3A_260 = vector.broadcast %broadcast_in_dim3A_259 : i32 to vector<16xi32>
        %broadcast_in_dim3A_261 = arith.constant 25 : i32
        %broadcast_in_dim3A_262 = vector.broadcast %broadcast_in_dim3A_261 : i32 to vector<16xi32>
        %broadcast_in_dim3A_263 = arith.constant 26 : i32
        %broadcast_in_dim3A_264 = vector.broadcast %broadcast_in_dim3A_263 : i32 to vector<16xi32>
        %broadcast_in_dim3A_265 = arith.constant 27 : i32
        %broadcast_in_dim3A_266 = vector.broadcast %broadcast_in_dim3A_265 : i32 to vector<16xi32>
        %broadcast_in_dim3A_267 = arith.constant 28 : i32
        %broadcast_in_dim3A_268 = vector.broadcast %broadcast_in_dim3A_267 : i32 to vector<16xi32>
        %broadcast_in_dim3A_269 = arith.constant 29 : i32
        %broadcast_in_dim3A_270 = vector.broadcast %broadcast_in_dim3A_269 : i32 to vector<16xi32>
        %broadcast_in_dim3A_271 = arith.constant 30 : i32
        %broadcast_in_dim3A_272 = vector.broadcast %broadcast_in_dim3A_271 : i32 to vector<16xi32>
        %broadcast_in_dim3A_273 = arith.constant 31 : i32
        %broadcast_in_dim3A_274 = vector.broadcast %broadcast_in_dim3A_273 : i32 to vector<16xi32>
        %broadcast_in_dim3A_275 = arith.constant 32 : i32
        %broadcast_in_dim3A_276 = vector.broadcast %broadcast_in_dim3A_275 : i32 to vector<16xi32>
        %broadcast_in_dim3A_277 = arith.constant 33 : i32
        %broadcast_in_dim3A_278 = vector.broadcast %broadcast_in_dim3A_277 : i32 to vector<16xi32>
        %broadcast_in_dim3A_279 = arith.constant 34 : i32
        %broadcast_in_dim3A_280 = vector.broadcast %broadcast_in_dim3A_279 : i32 to vector<16xi32>
        %broadcast_in_dim3A_281 = arith.constant 35 : i32
        %broadcast_in_dim3A_282 = vector.broadcast %broadcast_in_dim3A_281 : i32 to vector<16xi32>
        %broadcast_in_dim3A_283 = arith.constant 36 : i32
        %broadcast_in_dim3A_284 = vector.broadcast %broadcast_in_dim3A_283 : i32 to vector<16xi32>
        %broadcast_in_dim3A_285 = arith.constant 37 : i32
        %broadcast_in_dim3A_286 = vector.broadcast %broadcast_in_dim3A_285 : i32 to vector<16xi32>
        %broadcast_in_dim3A_287 = arith.constant 38 : i32
        %broadcast_in_dim3A_288 = vector.broadcast %broadcast_in_dim3A_287 : i32 to vector<16xi32>
        %broadcast_in_dim3A_289 = arith.constant 39 : i32
        %broadcast_in_dim3A_290 = vector.broadcast %broadcast_in_dim3A_289 : i32 to vector<16xi32>
        %broadcast_in_dim3A_291 = arith.constant 40 : i32
        %broadcast_in_dim3A_292 = vector.broadcast %broadcast_in_dim3A_291 : i32 to vector<16xi32>
        %broadcast_in_dim3A_293 = arith.constant 41 : i32
        %broadcast_in_dim3A_294 = vector.broadcast %broadcast_in_dim3A_293 : i32 to vector<16xi32>
        %broadcast_in_dim3A_295 = arith.constant 42 : i32
        %broadcast_in_dim3A_296 = vector.broadcast %broadcast_in_dim3A_295 : i32 to vector<16xi32>
        %broadcast_in_dim3A_297 = arith.constant 43 : i32
        %broadcast_in_dim3A_298 = vector.broadcast %broadcast_in_dim3A_297 : i32 to vector<16xi32>
        %broadcast_in_dim3A_299 = arith.constant 44 : i32
        %broadcast_in_dim3A_300 = vector.broadcast %broadcast_in_dim3A_299 : i32 to vector<16xi32>
        %broadcast_in_dim3A_301 = arith.constant 45 : i32
        %broadcast_in_dim3A_302 = vector.broadcast %broadcast_in_dim3A_301 : i32 to vector<16xi32>
        %broadcast_in_dim3A_303 = arith.constant 46 : i32
        %broadcast_in_dim3A_304 = vector.broadcast %broadcast_in_dim3A_303 : i32 to vector<16xi32>
        %broadcast_in_dim3A_305 = arith.constant 47 : i32
        %broadcast_in_dim3A_306 = vector.broadcast %broadcast_in_dim3A_305 : i32 to vector<16xi32>
        %broadcast_in_dim3A_307 = arith.constant 48 : i32
        %broadcast_in_dim3A_308 = vector.broadcast %broadcast_in_dim3A_307 : i32 to vector<16xi32>
        %broadcast_in_dim3A_309 = arith.constant 49 : i32
        %broadcast_in_dim3A_310 = vector.broadcast %broadcast_in_dim3A_309 : i32 to vector<16xi32>
        %broadcast_in_dim3A_311 = arith.constant 50 : i32
        %broadcast_in_dim3A_312 = vector.broadcast %broadcast_in_dim3A_311 : i32 to vector<16xi32>
        %broadcast_in_dim3A_313 = arith.constant 51 : i32
        %broadcast_in_dim3A_314 = vector.broadcast %broadcast_in_dim3A_313 : i32 to vector<16xi32>
        %broadcast_in_dim3A_315 = arith.constant 52 : i32
        %broadcast_in_dim3A_316 = vector.broadcast %broadcast_in_dim3A_315 : i32 to vector<16xi32>
        %broadcast_in_dim3A_317 = arith.constant 53 : i32
        %broadcast_in_dim3A_318 = vector.broadcast %broadcast_in_dim3A_317 : i32 to vector<16xi32>
        %broadcast_in_dim3A_319 = arith.constant 54 : i32
        %broadcast_in_dim3A_320 = vector.broadcast %broadcast_in_dim3A_319 : i32 to vector<16xi32>
        %broadcast_in_dim3A_321 = arith.constant 55 : i32
        %broadcast_in_dim3A_322 = vector.broadcast %broadcast_in_dim3A_321 : i32 to vector<16xi32>
        %broadcast_in_dim3A_323 = arith.constant 56 : i32
        %broadcast_in_dim3A_324 = vector.broadcast %broadcast_in_dim3A_323 : i32 to vector<16xi32>
        %broadcast_in_dim3A_325 = arith.constant 57 : i32
        %broadcast_in_dim3A_326 = vector.broadcast %broadcast_in_dim3A_325 : i32 to vector<16xi32>
        %broadcast_in_dim3A_327 = arith.constant 58 : i32
        %broadcast_in_dim3A_328 = vector.broadcast %broadcast_in_dim3A_327 : i32 to vector<16xi32>
        %broadcast_in_dim3A_329 = arith.constant 59 : i32
        %broadcast_in_dim3A_330 = vector.broadcast %broadcast_in_dim3A_329 : i32 to vector<16xi32>
        %broadcast_in_dim3A_331 = arith.constant 60 : i32
        %broadcast_in_dim3A_332 = vector.broadcast %broadcast_in_dim3A_331 : i32 to vector<16xi32>
        %broadcast_in_dim3A_333 = arith.constant 61 : i32
        %broadcast_in_dim3A_334 = vector.broadcast %broadcast_in_dim3A_333 : i32 to vector<16xi32>
        %broadcast_in_dim3A_335 = arith.constant 62 : i32
        %broadcast_in_dim3A_336 = vector.broadcast %broadcast_in_dim3A_335 : i32 to vector<16xi32>
        %broadcast_in_dim3A_337 = arith.constant 63 : i32
        %broadcast_in_dim3A_338 = vector.broadcast %broadcast_in_dim3A_337 : i32 to vector<16xi32>
        %broadcast_in_dim3A_339 = arith.constant 0.000000e+00 : f32
        %broadcast_in_dim3A_340 = vector.broadcast %broadcast_in_dim3A_339 : f32 to vector<16xf32>
        %broadcast_in_dim3A_341 = arith.constant 0.000000e+00 : f32
        %broadcast_in_dim3A_342 = vector.broadcast %broadcast_in_dim3A_341 : f32 to vector<16xf32>
        %gather3A = tpu.vector_load_idx %arg8[%add3A_211, %broadcast_in_dim3A_212] : memref<1024x64xf32, #tpu.memory_space<vmem>>[vector<16xi32>, vector<16xi32>], vector<16xf32>,
        %add3A_343 = arith.addf %broadcast_in_dim3A_340, %gather3A : vector<16xf32>
        %mul3A_344 = arith.mulf %gather3A, %gather3A : vector<16xf32>
        %add3A_345 = arith.addf %broadcast_in_dim3A_342, %mul3A_344 : vector<16xf32>
        %gather3A_346 = tpu.vector_load_idx %arg8[%add3A_211, %broadcast_in_dim3A_214] : memref<1024x64xf32, #tpu.memory_space<vmem>>[vector<16xi32>, vector<16xi32>], vector<16xf32>,
        %add3A_347 = arith.addf %add3A_343, %gather3A_346 : vector<16xf32>
        %mul3A_348 = arith.mulf %gather3A_346, %gather3A_346 : vector<16xf32>
        %add3A_349 = arith.addf %add3A_345, %mul3A_348 : vector<16xf32>
        %gather3A_350 = tpu.vector_load_idx %arg8[%add3A_211, %broadcast_in_dim3A_216] : memref<1024x64xf32, #tpu.memory_space<vmem>>[vector<16xi32>, vector<16xi32>], vector<16xf32>,
        %add3A_351 = arith.addf %add3A_347, %gather3A_350 : vector<16xf32>
        %mul3A_352 = arith.mulf %gather3A_350, %gather3A_350 : vector<16xf32>
        %add3A_353 = arith.addf %add3A_349, %mul3A_352 : vector<16xf32>
        %gather3A_354 = tpu.vector_load_idx %arg8[%add3A_211, %broadcast_in_dim3A_218] : memref<1024x64xf32, #tpu.memory_space<vmem>>[vector<16xi32>, vector<16xi32>], vector<16xf32>,
        %add3A_355 = arith.addf %add3A_351, %gather3A_354 : vector<16xf32>
        %mul3A_356 = arith.mulf %gather3A_354, %gather3A_354 : vector<16xf32>
        %add3A_357 = arith.addf %add3A_353, %mul3A_356 : vector<16xf32>
        %gather3A_358 = tpu.vector_load_idx %arg8[%add3A_211, %broadcast_in_dim3A_220] : memref<1024x64xf32, #tpu.memory_space<vmem>>[vector<16xi32>, vector<16xi32>], vector<16xf32>,
        %add3A_359 = arith.addf %add3A_355, %gather3A_358 : vector<16xf32>
        %mul3A_360 = arith.mulf %gather3A_358, %gather3A_358 : vector<16xf32>
        %add3A_361 = arith.addf %add3A_357, %mul3A_360 : vector<16xf32>
        %gather3A_362 = tpu.vector_load_idx %arg8[%add3A_211, %broadcast_in_dim3A_222] : memref<1024x64xf32, #tpu.memory_space<vmem>>[vector<16xi32>, vector<16xi32>], vector<16xf32>,
        %add3A_363 = arith.addf %add3A_359, %gather3A_362 : vector<16xf32>
        %mul3A_364 = arith.mulf %gather3A_362, %gather3A_362 : vector<16xf32>
        %add3A_365 = arith.addf %add3A_361, %mul3A_364 : vector<16xf32>
        %gather3A_366 = tpu.vector_load_idx %arg8[%add3A_211, %broadcast_in_dim3A_224] : memref<1024x64xf32, #tpu.memory_space<vmem>>[vector<16xi32>, vector<16xi32>], vector<16xf32>,
        %add3A_367 = arith.addf %add3A_363, %gather3A_366 : vector<16xf32>
        %mul3A_368 = arith.mulf %gather3A_366, %gather3A_366 : vector<16xf32>
        %add3A_369 = arith.addf %add3A_365, %mul3A_368 : vector<16xf32>
        %gather3A_370 = tpu.vector_load_idx %arg8[%add3A_211, %broadcast_in_dim3A_226] : memref<1024x64xf32, #tpu.memory_space<vmem>>[vector<16xi32>, vector<16xi32>], vector<16xf32>,
        %add3A_371 = arith.addf %add3A_367, %gather3A_370 : vector<16xf32>
        %mul3A_372 = arith.mulf %gather3A_370, %gather3A_370 : vector<16xf32>
        %add3A_373 = arith.addf %add3A_369, %mul3A_372 : vector<16xf32>
        %gather3A_374 = tpu.vector_load_idx %arg8[%add3A_211, %broadcast_in_dim3A_228] : memref<1024x64xf32, #tpu.memory_space<vmem>>[vector<16xi32>, vector<16xi32>], vector<16xf32>,
        %add3A_375 = arith.addf %add3A_371, %gather3A_374 : vector<16xf32>
        %mul3A_376 = arith.mulf %gather3A_374, %gather3A_374 : vector<16xf32>
        %add3A_377 = arith.addf %add3A_373, %mul3A_376 : vector<16xf32>
        %gather3A_378 = tpu.vector_load_idx %arg8[%add3A_211, %broadcast_in_dim3A_230] : memref<1024x64xf32, #tpu.memory_space<vmem>>[vector<16xi32>, vector<16xi32>], vector<16xf32>,
        %add3A_379 = arith.addf %add3A_375, %gather3A_378 : vector<16xf32>
        %mul3A_380 = arith.mulf %gather3A_378, %gather3A_378 : vector<16xf32>
        %add3A_381 = arith.addf %add3A_377, %mul3A_380 : vector<16xf32>
        %gather3A_382 = tpu.vector_load_idx %arg8[%add3A_211, %broadcast_in_dim3A_232] : memref<1024x64xf32, #tpu.memory_space<vmem>>[vector<16xi32>, vector<16xi32>], vector<16xf32>,
        %add3A_383 = arith.addf %add3A_379, %gather3A_382 : vector<16xf32>
        %mul3A_384 = arith.mulf %gather3A_382, %gather3A_382 : vector<16xf32>
        %add3A_385 = arith.addf %add3A_381, %mul3A_384 : vector<16xf32>
        %gather3A_386 = tpu.vector_load_idx %arg8[%add3A_211, %broadcast_in_dim3A_234] : memref<1024x64xf32, #tpu.memory_space<vmem>>[vector<16xi32>, vector<16xi32>], vector<16xf32>,
        %add3A_387 = arith.addf %add3A_383, %gather3A_386 : vector<16xf32>
        %mul3A_388 = arith.mulf %gather3A_386, %gather3A_386 : vector<16xf32>
        %add3A_389 = arith.addf %add3A_385, %mul3A_388 : vector<16xf32>
        %gather3A_390 = tpu.vector_load_idx %arg8[%add3A_211, %broadcast_in_dim3A_236] : memref<1024x64xf32, #tpu.memory_space<vmem>>[vector<16xi32>, vector<16xi32>], vector<16xf32>,
        %add3A_391 = arith.addf %add3A_387, %gather3A_390 : vector<16xf32>
        %mul3A_392 = arith.mulf %gather3A_390, %gather3A_390 : vector<16xf32>
        %add3A_393 = arith.addf %add3A_389, %mul3A_392 : vector<16xf32>
        %gather3A_394 = tpu.vector_load_idx %arg8[%add3A_211, %broadcast_in_dim3A_238] : memref<1024x64xf32, #tpu.memory_space<vmem>>[vector<16xi32>, vector<16xi32>], vector<16xf32>,
        %add3A_395 = arith.addf %add3A_391, %gather3A_394 : vector<16xf32>
        %mul3A_396 = arith.mulf %gather3A_394, %gather3A_394 : vector<16xf32>
        %add3A_397 = arith.addf %add3A_393, %mul3A_396 : vector<16xf32>
        %gather3A_398 = tpu.vector_load_idx %arg8[%add3A_211, %broadcast_in_dim3A_240] : memref<1024x64xf32, #tpu.memory_space<vmem>>[vector<16xi32>, vector<16xi32>], vector<16xf32>,
        %add3A_399 = arith.addf %add3A_395, %gather3A_398 : vector<16xf32>
        %mul3A_400 = arith.mulf %gather3A_398, %gather3A_398 : vector<16xf32>
        %add3A_401 = arith.addf %add3A_397, %mul3A_400 : vector<16xf32>
        %gather3A_402 = tpu.vector_load_idx %arg8[%add3A_211, %broadcast_in_dim3A_242] : memref<1024x64xf32, #tpu.memory_space<vmem>>[vector<16xi32>, vector<16xi32>], vector<16xf32>,
        %add3A_403 = arith.addf %add3A_399, %gather3A_402 : vector<16xf32>
        %mul3A_404 = arith.mulf %gather3A_402, %gather3A_402 : vector<16xf32>
        %add3A_405 = arith.addf %add3A_401, %mul3A_404 : vector<16xf32>
        %gather3A_406 = tpu.vector_load_idx %arg8[%add3A_211, %broadcast_in_dim3A_244] : memref<1024x64xf32, #tpu.memory_space<vmem>>[vector<16xi32>, vector<16xi32>], vector<16xf32>,
        %add3A_407 = arith.addf %add3A_403, %gather3A_406 : vector<16xf32>
        %mul3A_408 = arith.mulf %gather3A_406, %gather3A_406 : vector<16xf32>
        %add3A_409 = arith.addf %add3A_405, %mul3A_408 : vector<16xf32>
        %gather3A_410 = tpu.vector_load_idx %arg8[%add3A_211, %broadcast_in_dim3A_246] : memref<1024x64xf32, #tpu.memory_space<vmem>>[vector<16xi32>, vector<16xi32>], vector<16xf32>,
        %add3A_411 = arith.addf %add3A_407, %gather3A_410 : vector<16xf32>
        %mul3A_412 = arith.mulf %gather3A_410, %gather3A_410 : vector<16xf32>
        %add3A_413 = arith.addf %add3A_409, %mul3A_412 : vector<16xf32>
        %gather3A_414 = tpu.vector_load_idx %arg8[%add3A_211, %broadcast_in_dim3A_248] : memref<1024x64xf32, #tpu.memory_space<vmem>>[vector<16xi32>, vector<16xi32>], vector<16xf32>,
        %add3A_415 = arith.addf %add3A_411, %gather3A_414 : vector<16xf32>
        %mul3A_416 = arith.mulf %gather3A_414, %gather3A_414 : vector<16xf32>
        %add3A_417 = arith.addf %add3A_413, %mul3A_416 : vector<16xf32>
        %gather3A_418 = tpu.vector_load_idx %arg8[%add3A_211, %broadcast_in_dim3A_250] : memref<1024x64xf32, #tpu.memory_space<vmem>>[vector<16xi32>, vector<16xi32>], vector<16xf32>,
        %add3A_419 = arith.addf %add3A_415, %gather3A_418 : vector<16xf32>
        %mul3A_420 = arith.mulf %gather3A_418, %gather3A_418 : vector<16xf32>
        %add3A_421 = arith.addf %add3A_417, %mul3A_420 : vector<16xf32>
        %gather3A_422 = tpu.vector_load_idx %arg8[%add3A_211, %broadcast_in_dim3A_252] : memref<1024x64xf32, #tpu.memory_space<vmem>>[vector<16xi32>, vector<16xi32>], vector<16xf32>,
        %add3A_423 = arith.addf %add3A_419, %gather3A_422 : vector<16xf32>
        %mul3A_424 = arith.mulf %gather3A_422, %gather3A_422 : vector<16xf32>
        %add3A_425 = arith.addf %add3A_421, %mul3A_424 : vector<16xf32>
        %gather3A_426 = tpu.vector_load_idx %arg8[%add3A_211, %broadcast_in_dim3A_254] : memref<1024x64xf32, #tpu.memory_space<vmem>>[vector<16xi32>, vector<16xi32>], vector<16xf32>,
        %add3A_427 = arith.addf %add3A_423, %gather3A_426 : vector<16xf32>
        %mul3A_428 = arith.mulf %gather3A_426, %gather3A_426 : vector<16xf32>
        %add3A_429 = arith.addf %add3A_425, %mul3A_428 : vector<16xf32>
        %gather3A_430 = tpu.vector_load_idx %arg8[%add3A_211, %broadcast_in_dim3A_256] : memref<1024x64xf32, #tpu.memory_space<vmem>>[vector<16xi32>, vector<16xi32>], vector<16xf32>,
        %add3A_431 = arith.addf %add3A_427, %gather3A_430 : vector<16xf32>
        %mul3A_432 = arith.mulf %gather3A_430, %gather3A_430 : vector<16xf32>
        %add3A_433 = arith.addf %add3A_429, %mul3A_432 : vector<16xf32>
        %gather3A_434 = tpu.vector_load_idx %arg8[%add3A_211, %broadcast_in_dim3A_258] : memref<1024x64xf32, #tpu.memory_space<vmem>>[vector<16xi32>, vector<16xi32>], vector<16xf32>,
        %add3A_435 = arith.addf %add3A_431, %gather3A_434 : vector<16xf32>
        %mul3A_436 = arith.mulf %gather3A_434, %gather3A_434 : vector<16xf32>
        %add3A_437 = arith.addf %add3A_433, %mul3A_436 : vector<16xf32>
        %gather3A_438 = tpu.vector_load_idx %arg8[%add3A_211, %broadcast_in_dim3A_260] : memref<1024x64xf32, #tpu.memory_space<vmem>>[vector<16xi32>, vector<16xi32>], vector<16xf32>,
        %add3A_439 = arith.addf %add3A_435, %gather3A_438 : vector<16xf32>
        %mul3A_440 = arith.mulf %gather3A_438, %gather3A_438 : vector<16xf32>
        %add3A_441 = arith.addf %add3A_437, %mul3A_440 : vector<16xf32>
        %gather3A_442 = tpu.vector_load_idx %arg8[%add3A_211, %broadcast_in_dim3A_262] : memref<1024x64xf32, #tpu.memory_space<vmem>>[vector<16xi32>, vector<16xi32>], vector<16xf32>,
        %add3A_443 = arith.addf %add3A_439, %gather3A_442 : vector<16xf32>
        %mul3A_444 = arith.mulf %gather3A_442, %gather3A_442 : vector<16xf32>
        %add3A_445 = arith.addf %add3A_441, %mul3A_444 : vector<16xf32>
        %gather3A_446 = tpu.vector_load_idx %arg8[%add3A_211, %broadcast_in_dim3A_264] : memref<1024x64xf32, #tpu.memory_space<vmem>>[vector<16xi32>, vector<16xi32>], vector<16xf32>,
        %add3A_447 = arith.addf %add3A_443, %gather3A_446 : vector<16xf32>
        %mul3A_448 = arith.mulf %gather3A_446, %gather3A_446 : vector<16xf32>
        %add3A_449 = arith.addf %add3A_445, %mul3A_448 : vector<16xf32>
        %gather3A_450 = tpu.vector_load_idx %arg8[%add3A_211, %broadcast_in_dim3A_266] : memref<1024x64xf32, #tpu.memory_space<vmem>>[vector<16xi32>, vector<16xi32>], vector<16xf32>,
        %add3A_451 = arith.addf %add3A_447, %gather3A_450 : vector<16xf32>
        %mul3A_452 = arith.mulf %gather3A_450, %gather3A_450 : vector<16xf32>
        %add3A_453 = arith.addf %add3A_449, %mul3A_452 : vector<16xf32>
        %gather3A_454 = tpu.vector_load_idx %arg8[%add3A_211, %broadcast_in_dim3A_268] : memref<1024x64xf32, #tpu.memory_space<vmem>>[vector<16xi32>, vector<16xi32>], vector<16xf32>,
        %add3A_455 = arith.addf %add3A_451, %gather3A_454 : vector<16xf32>
        %mul3A_456 = arith.mulf %gather3A_454, %gather3A_454 : vector<16xf32>
        %add3A_457 = arith.addf %add3A_453, %mul3A_456 : vector<16xf32>
        %gather3A_458 = tpu.vector_load_idx %arg8[%add3A_211, %broadcast_in_dim3A_270] : memref<1024x64xf32, #tpu.memory_space<vmem>>[vector<16xi32>, vector<16xi32>], vector<16xf32>,
        %add3A_459 = arith.addf %add3A_455, %gather3A_458 : vector<16xf32>
        %mul3A_460 = arith.mulf %gather3A_458, %gather3A_458 : vector<16xf32>
        %add3A_461 = arith.addf %add3A_457, %mul3A_460 : vector<16xf32>
        %gather3A_462 = tpu.vector_load_idx %arg8[%add3A_211, %broadcast_in_dim3A_272] : memref<1024x64xf32, #tpu.memory_space<vmem>>[vector<16xi32>, vector<16xi32>], vector<16xf32>,
        %add3A_463 = arith.addf %add3A_459, %gather3A_462 : vector<16xf32>
        %mul3A_464 = arith.mulf %gather3A_462, %gather3A_462 : vector<16xf32>
        %add3A_465 = arith.addf %add3A_461, %mul3A_464 : vector<16xf32>
        %gather3A_466 = tpu.vector_load_idx %arg8[%add3A_211, %broadcast_in_dim3A_274] : memref<1024x64xf32, #tpu.memory_space<vmem>>[vector<16xi32>, vector<16xi32>], vector<16xf32>,
        %add3A_467 = arith.addf %add3A_463, %gather3A_466 : vector<16xf32>
        %mul3A_468 = arith.mulf %gather3A_466, %gather3A_466 : vector<16xf32>
        %add3A_469 = arith.addf %add3A_465, %mul3A_468 : vector<16xf32>
        %gather3A_470 = tpu.vector_load_idx %arg8[%add3A_211, %broadcast_in_dim3A_276] : memref<1024x64xf32, #tpu.memory_space<vmem>>[vector<16xi32>, vector<16xi32>], vector<16xf32>,
        %add3A_471 = arith.addf %add3A_467, %gather3A_470 : vector<16xf32>
        %mul3A_472 = arith.mulf %gather3A_470, %gather3A_470 : vector<16xf32>
        %add3A_473 = arith.addf %add3A_469, %mul3A_472 : vector<16xf32>
        %gather3A_474 = tpu.vector_load_idx %arg8[%add3A_211, %broadcast_in_dim3A_278] : memref<1024x64xf32, #tpu.memory_space<vmem>>[vector<16xi32>, vector<16xi32>], vector<16xf32>,
        %add3A_475 = arith.addf %add3A_471, %gather3A_474 : vector<16xf32>
        %mul3A_476 = arith.mulf %gather3A_474, %gather3A_474 : vector<16xf32>
        %add3A_477 = arith.addf %add3A_473, %mul3A_476 : vector<16xf32>
        %gather3A_478 = tpu.vector_load_idx %arg8[%add3A_211, %broadcast_in_dim3A_280] : memref<1024x64xf32, #tpu.memory_space<vmem>>[vector<16xi32>, vector<16xi32>], vector<16xf32>,
        %add3A_479 = arith.addf %add3A_475, %gather3A_478 : vector<16xf32>
        %mul3A_480 = arith.mulf %gather3A_478, %gather3A_478 : vector<16xf32>
        %add3A_481 = arith.addf %add3A_477, %mul3A_480 : vector<16xf32>
        %gather3A_482 = tpu.vector_load_idx %arg8[%add3A_211, %broadcast_in_dim3A_282] : memref<1024x64xf32, #tpu.memory_space<vmem>>[vector<16xi32>, vector<16xi32>], vector<16xf32>,
        %add3A_483 = arith.addf %add3A_479, %gather3A_482 : vector<16xf32>
        %mul3A_484 = arith.mulf %gather3A_482, %gather3A_482 : vector<16xf32>
        %add3A_485 = arith.addf %add3A_481, %mul3A_484 : vector<16xf32>
        %gather3A_486 = tpu.vector_load_idx %arg8[%add3A_211, %broadcast_in_dim3A_284] : memref<1024x64xf32, #tpu.memory_space<vmem>>[vector<16xi32>, vector<16xi32>], vector<16xf32>,
        %add3A_487 = arith.addf %add3A_483, %gather3A_486 : vector<16xf32>
        %mul3A_488 = arith.mulf %gather3A_486, %gather3A_486 : vector<16xf32>
        %add3A_489 = arith.addf %add3A_485, %mul3A_488 : vector<16xf32>
        %gather3A_490 = tpu.vector_load_idx %arg8[%add3A_211, %broadcast_in_dim3A_286] : memref<1024x64xf32, #tpu.memory_space<vmem>>[vector<16xi32>, vector<16xi32>], vector<16xf32>,
        %add3A_491 = arith.addf %add3A_487, %gather3A_490 : vector<16xf32>
        %mul3A_492 = arith.mulf %gather3A_490, %gather3A_490 : vector<16xf32>
        %add3A_493 = arith.addf %add3A_489, %mul3A_492 : vector<16xf32>
        %gather3A_494 = tpu.vector_load_idx %arg8[%add3A_211, %broadcast_in_dim3A_288] : memref<1024x64xf32, #tpu.memory_space<vmem>>[vector<16xi32>, vector<16xi32>], vector<16xf32>,
        %add3A_495 = arith.addf %add3A_491, %gather3A_494 : vector<16xf32>
        %mul3A_496 = arith.mulf %gather3A_494, %gather3A_494 : vector<16xf32>
        %add3A_497 = arith.addf %add3A_493, %mul3A_496 : vector<16xf32>
        %gather3A_498 = tpu.vector_load_idx %arg8[%add3A_211, %broadcast_in_dim3A_290] : memref<1024x64xf32, #tpu.memory_space<vmem>>[vector<16xi32>, vector<16xi32>], vector<16xf32>,
        %add3A_499 = arith.addf %add3A_495, %gather3A_498 : vector<16xf32>
        %mul3A_500 = arith.mulf %gather3A_498, %gather3A_498 : vector<16xf32>
        %add3A_501 = arith.addf %add3A_497, %mul3A_500 : vector<16xf32>
        %gather3A_502 = tpu.vector_load_idx %arg8[%add3A_211, %broadcast_in_dim3A_292] : memref<1024x64xf32, #tpu.memory_space<vmem>>[vector<16xi32>, vector<16xi32>], vector<16xf32>,
        %add3A_503 = arith.addf %add3A_499, %gather3A_502 : vector<16xf32>
        %mul3A_504 = arith.mulf %gather3A_502, %gather3A_502 : vector<16xf32>
        %add3A_505 = arith.addf %add3A_501, %mul3A_504 : vector<16xf32>
        %gather3A_506 = tpu.vector_load_idx %arg8[%add3A_211, %broadcast_in_dim3A_294] : memref<1024x64xf32, #tpu.memory_space<vmem>>[vector<16xi32>, vector<16xi32>], vector<16xf32>,
        %add3A_507 = arith.addf %add3A_503, %gather3A_506 : vector<16xf32>
        %mul3A_508 = arith.mulf %gather3A_506, %gather3A_506 : vector<16xf32>
        %add3A_509 = arith.addf %add3A_505, %mul3A_508 : vector<16xf32>
        %gather3A_510 = tpu.vector_load_idx %arg8[%add3A_211, %broadcast_in_dim3A_296] : memref<1024x64xf32, #tpu.memory_space<vmem>>[vector<16xi32>, vector<16xi32>], vector<16xf32>,
        %add3A_511 = arith.addf %add3A_507, %gather3A_510 : vector<16xf32>
        %mul3A_512 = arith.mulf %gather3A_510, %gather3A_510 : vector<16xf32>
        %add3A_513 = arith.addf %add3A_509, %mul3A_512 : vector<16xf32>
        %gather3A_514 = tpu.vector_load_idx %arg8[%add3A_211, %broadcast_in_dim3A_298] : memref<1024x64xf32, #tpu.memory_space<vmem>>[vector<16xi32>, vector<16xi32>], vector<16xf32>,
        %add3A_515 = arith.addf %add3A_511, %gather3A_514 : vector<16xf32>
        %mul3A_516 = arith.mulf %gather3A_514, %gather3A_514 : vector<16xf32>
        %add3A_517 = arith.addf %add3A_513, %mul3A_516 : vector<16xf32>
        %gather3A_518 = tpu.vector_load_idx %arg8[%add3A_211, %broadcast_in_dim3A_300] : memref<1024x64xf32, #tpu.memory_space<vmem>>[vector<16xi32>, vector<16xi32>], vector<16xf32>,
        %add3A_519 = arith.addf %add3A_515, %gather3A_518 : vector<16xf32>
        %mul3A_520 = arith.mulf %gather3A_518, %gather3A_518 : vector<16xf32>
        %add3A_521 = arith.addf %add3A_517, %mul3A_520 : vector<16xf32>
        %gather3A_522 = tpu.vector_load_idx %arg8[%add3A_211, %broadcast_in_dim3A_302] : memref<1024x64xf32, #tpu.memory_space<vmem>>[vector<16xi32>, vector<16xi32>], vector<16xf32>,
        %add3A_523 = arith.addf %add3A_519, %gather3A_522 : vector<16xf32>
        %mul3A_524 = arith.mulf %gather3A_522, %gather3A_522 : vector<16xf32>
        %add3A_525 = arith.addf %add3A_521, %mul3A_524 : vector<16xf32>
        %gather3A_526 = tpu.vector_load_idx %arg8[%add3A_211, %broadcast_in_dim3A_304] : memref<1024x64xf32, #tpu.memory_space<vmem>>[vector<16xi32>, vector<16xi32>], vector<16xf32>,
        %add3A_527 = arith.addf %add3A_523, %gather3A_526 : vector<16xf32>
        %mul3A_528 = arith.mulf %gather3A_526, %gather3A_526 : vector<16xf32>
        %add3A_529 = arith.addf %add3A_525, %mul3A_528 : vector<16xf32>
        %gather3A_530 = tpu.vector_load_idx %arg8[%add3A_211, %broadcast_in_dim3A_306] : memref<1024x64xf32, #tpu.memory_space<vmem>>[vector<16xi32>, vector<16xi32>], vector<16xf32>,
        %add3A_531 = arith.addf %add3A_527, %gather3A_530 : vector<16xf32>
        %mul3A_532 = arith.mulf %gather3A_530, %gather3A_530 : vector<16xf32>
        %add3A_533 = arith.addf %add3A_529, %mul3A_532 : vector<16xf32>
        %gather3A_534 = tpu.vector_load_idx %arg8[%add3A_211, %broadcast_in_dim3A_308] : memref<1024x64xf32, #tpu.memory_space<vmem>>[vector<16xi32>, vector<16xi32>], vector<16xf32>,
        %add3A_535 = arith.addf %add3A_531, %gather3A_534 : vector<16xf32>
        %mul3A_536 = arith.mulf %gather3A_534, %gather3A_534 : vector<16xf32>
        %add3A_537 = arith.addf %add3A_533, %mul3A_536 : vector<16xf32>
        %gather3A_538 = tpu.vector_load_idx %arg8[%add3A_211, %broadcast_in_dim3A_310] : memref<1024x64xf32, #tpu.memory_space<vmem>>[vector<16xi32>, vector<16xi32>], vector<16xf32>,
        %add3A_539 = arith.addf %add3A_535, %gather3A_538 : vector<16xf32>
        %mul3A_540 = arith.mulf %gather3A_538, %gather3A_538 : vector<16xf32>
        %add3A_541 = arith.addf %add3A_537, %mul3A_540 : vector<16xf32>
        %gather3A_542 = tpu.vector_load_idx %arg8[%add3A_211, %broadcast_in_dim3A_312] : memref<1024x64xf32, #tpu.memory_space<vmem>>[vector<16xi32>, vector<16xi32>], vector<16xf32>,
        %add3A_543 = arith.addf %add3A_539, %gather3A_542 : vector<16xf32>
        %mul3A_544 = arith.mulf %gather3A_542, %gather3A_542 : vector<16xf32>
        %add3A_545 = arith.addf %add3A_541, %mul3A_544 : vector<16xf32>
        %gather3A_546 = tpu.vector_load_idx %arg8[%add3A_211, %broadcast_in_dim3A_314] : memref<1024x64xf32, #tpu.memory_space<vmem>>[vector<16xi32>, vector<16xi32>], vector<16xf32>,
        %add3A_547 = arith.addf %add3A_543, %gather3A_546 : vector<16xf32>
        %mul3A_548 = arith.mulf %gather3A_546, %gather3A_546 : vector<16xf32>
        %add3A_549 = arith.addf %add3A_545, %mul3A_548 : vector<16xf32>
        %gather3A_550 = tpu.vector_load_idx %arg8[%add3A_211, %broadcast_in_dim3A_316] : memref<1024x64xf32, #tpu.memory_space<vmem>>[vector<16xi32>, vector<16xi32>], vector<16xf32>,
        %add3A_551 = arith.addf %add3A_547, %gather3A_550 : vector<16xf32>
        %mul3A_552 = arith.mulf %gather3A_550, %gather3A_550 : vector<16xf32>
        %add3A_553 = arith.addf %add3A_549, %mul3A_552 : vector<16xf32>
        %gather3A_554 = tpu.vector_load_idx %arg8[%add3A_211, %broadcast_in_dim3A_318] : memref<1024x64xf32, #tpu.memory_space<vmem>>[vector<16xi32>, vector<16xi32>], vector<16xf32>,
        %add3A_555 = arith.addf %add3A_551, %gather3A_554 : vector<16xf32>
        %mul3A_556 = arith.mulf %gather3A_554, %gather3A_554 : vector<16xf32>
        %add3A_557 = arith.addf %add3A_553, %mul3A_556 : vector<16xf32>
        %gather3A_558 = tpu.vector_load_idx %arg8[%add3A_211, %broadcast_in_dim3A_320] : memref<1024x64xf32, #tpu.memory_space<vmem>>[vector<16xi32>, vector<16xi32>], vector<16xf32>,
        %add3A_559 = arith.addf %add3A_555, %gather3A_558 : vector<16xf32>
        %mul3A_560 = arith.mulf %gather3A_558, %gather3A_558 : vector<16xf32>
        %add3A_561 = arith.addf %add3A_557, %mul3A_560 : vector<16xf32>
        %gather3A_562 = tpu.vector_load_idx %arg8[%add3A_211, %broadcast_in_dim3A_322] : memref<1024x64xf32, #tpu.memory_space<vmem>>[vector<16xi32>, vector<16xi32>], vector<16xf32>,
        %add3A_563 = arith.addf %add3A_559, %gather3A_562 : vector<16xf32>
        %mul3A_564 = arith.mulf %gather3A_562, %gather3A_562 : vector<16xf32>
        %add3A_565 = arith.addf %add3A_561, %mul3A_564 : vector<16xf32>
        %gather3A_566 = tpu.vector_load_idx %arg8[%add3A_211, %broadcast_in_dim3A_324] : memref<1024x64xf32, #tpu.memory_space<vmem>>[vector<16xi32>, vector<16xi32>], vector<16xf32>,
        %add3A_567 = arith.addf %add3A_563, %gather3A_566 : vector<16xf32>
        %mul3A_568 = arith.mulf %gather3A_566, %gather3A_566 : vector<16xf32>
        %add3A_569 = arith.addf %add3A_565, %mul3A_568 : vector<16xf32>
        %gather3A_570 = tpu.vector_load_idx %arg8[%add3A_211, %broadcast_in_dim3A_326] : memref<1024x64xf32, #tpu.memory_space<vmem>>[vector<16xi32>, vector<16xi32>], vector<16xf32>,
        %add3A_571 = arith.addf %add3A_567, %gather3A_570 : vector<16xf32>
        %mul3A_572 = arith.mulf %gather3A_570, %gather3A_570 : vector<16xf32>
        %add3A_573 = arith.addf %add3A_569, %mul3A_572 : vector<16xf32>
        %gather3A_574 = tpu.vector_load_idx %arg8[%add3A_211, %broadcast_in_dim3A_328] : memref<1024x64xf32, #tpu.memory_space<vmem>>[vector<16xi32>, vector<16xi32>], vector<16xf32>,
        %add3A_575 = arith.addf %add3A_571, %gather3A_574 : vector<16xf32>
        %mul3A_576 = arith.mulf %gather3A_574, %gather3A_574 : vector<16xf32>
        %add3A_577 = arith.addf %add3A_573, %mul3A_576 : vector<16xf32>
        %gather3A_578 = tpu.vector_load_idx %arg8[%add3A_211, %broadcast_in_dim3A_330] : memref<1024x64xf32, #tpu.memory_space<vmem>>[vector<16xi32>, vector<16xi32>], vector<16xf32>,
        %add3A_579 = arith.addf %add3A_575, %gather3A_578 : vector<16xf32>
        %mul3A_580 = arith.mulf %gather3A_578, %gather3A_578 : vector<16xf32>
        %add3A_581 = arith.addf %add3A_577, %mul3A_580 : vector<16xf32>
        %gather3A_582 = tpu.vector_load_idx %arg8[%add3A_211, %broadcast_in_dim3A_332] : memref<1024x64xf32, #tpu.memory_space<vmem>>[vector<16xi32>, vector<16xi32>], vector<16xf32>,
        %add3A_583 = arith.addf %add3A_579, %gather3A_582 : vector<16xf32>
        %mul3A_584 = arith.mulf %gather3A_582, %gather3A_582 : vector<16xf32>
        %add3A_585 = arith.addf %add3A_581, %mul3A_584 : vector<16xf32>
        %gather3A_586 = tpu.vector_load_idx %arg8[%add3A_211, %broadcast_in_dim3A_334] : memref<1024x64xf32, #tpu.memory_space<vmem>>[vector<16xi32>, vector<16xi32>], vector<16xf32>,
        %add3A_587 = arith.addf %add3A_583, %gather3A_586 : vector<16xf32>
        %mul3A_588 = arith.mulf %gather3A_586, %gather3A_586 : vector<16xf32>
        %add3A_589 = arith.addf %add3A_585, %mul3A_588 : vector<16xf32>
        %gather3A_590 = tpu.vector_load_idx %arg8[%add3A_211, %broadcast_in_dim3A_336] : memref<1024x64xf32, #tpu.memory_space<vmem>>[vector<16xi32>, vector<16xi32>], vector<16xf32>,
        %add3A_591 = arith.addf %add3A_587, %gather3A_590 : vector<16xf32>
        %mul3A_592 = arith.mulf %gather3A_590, %gather3A_590 : vector<16xf32>
        %add3A_593 = arith.addf %add3A_589, %mul3A_592 : vector<16xf32>
        %gather3A_594 = tpu.vector_load_idx %arg8[%add3A_211, %broadcast_in_dim3A_338] : memref<1024x64xf32, #tpu.memory_space<vmem>>[vector<16xi32>, vector<16xi32>], vector<16xf32>,
        %add3A_595 = arith.addf %add3A_591, %gather3A_594 : vector<16xf32>
        %mul3A_596 = arith.mulf %gather3A_594, %gather3A_594 : vector<16xf32>
        %add3A_597 = arith.addf %add3A_593, %mul3A_596 : vector<16xf32>
        %mul3A_598 = arith.constant 1.562500e-02 : f32
        %mul3A_599 = vector.broadcast %mul3A_598 : f32 to vector<16xf32>
        %mul3A_600 = arith.mulf %add3A_595, %mul3A_599 : vector<16xf32>
        %mul3A_601 = arith.constant 1.562500e-02 : f32
        %mul3A_602 = vector.broadcast %mul3A_601 : f32 to vector<16xf32>
        %mul3A_603 = arith.mulf %add3A_597, %mul3A_602 : vector<16xf32>
        %mul3A_604 = arith.mulf %mul3A_600, %mul3A_600 : vector<16xf32>
        %sub3A_605 = arith.subf %mul3A_603, %mul3A_604 : vector<16xf32>
        %max3A = arith.constant 0.000000e+00 : f32
        %max3A_606 = vector.broadcast %max3A : f32 to vector<16xf32>
        %max3A_607 = arith.maximumf %sub3A_605, %max3A_606 : vector<16xf32>
        %add3A_608 = arith.constant 9.99999996E-13 : f32
        %add3A_609 = vector.broadcast %add3A_608 : f32 to vector<16xf32>
        %add3A_610 = arith.addf %max3A_607, %add3A_609 : vector<16xf32>
        %bitcast_convert_type3A = tpu.bitcast %add3A_610 : vector<16xf32> -> vector<16xi32>
        %shift_right_arithmetic3A = arith.constant 1 : i32
        %shift_right_arithmetic3A_611 = vector.broadcast %shift_right_arithmetic3A : i32 to vector<16xi32>
        %shift_right_arithmetic3A_612 = arith.shrsi %bitcast_convert_type3A, %shift_right_arithmetic3A_611 : vector<16xi32>
        %sub3A_613 = arith.constant 1597463007 : i32
        %sub3A_614 = vector.broadcast %sub3A_613 : i32 to vector<16xi32>
        %sub3A_615 = arith.subi %sub3A_614, %shift_right_arithmetic3A_612 : vector<16xi32>
        %bitcast_convert_type3A_616 = tpu.bitcast %sub3A_615 : vector<16xi32> -> vector<16xf32>
        %mul3A_617 = arith.constant 5.000000e-01 : f32
        %mul3A_618 = vector.broadcast %mul3A_617 : f32 to vector<16xf32>
        %mul3A_619 = arith.mulf %mul3A_618, %add3A_610 : vector<16xf32>
        %mul3A_620 = arith.mulf %mul3A_619, %bitcast_convert_type3A_616 : vector<16xf32>
        %mul3A_621 = arith.mulf %mul3A_620, %bitcast_convert_type3A_616 : vector<16xf32>
        %sub3A_622 = arith.constant 1.500000e+00 : f32
        %sub3A_623 = vector.broadcast %sub3A_622 : f32 to vector<16xf32>
        %sub3A_624 = arith.subf %sub3A_623, %mul3A_621 : vector<16xf32>
        %mul3A_625 = arith.mulf %bitcast_convert_type3A_616, %sub3A_624 : vector<16xf32>
        %mul3A_626 = arith.constant 5.000000e-01 : f32
        %mul3A_627 = vector.broadcast %mul3A_626 : f32 to vector<16xf32>
        %mul3A_628 = arith.mulf %mul3A_627, %add3A_610 : vector<16xf32>
        %mul3A_629 = arith.mulf %mul3A_628, %mul3A_625 : vector<16xf32>
        %mul3A_630 = arith.mulf %mul3A_629, %mul3A_625 : vector<16xf32>
        %sub3A_631 = arith.constant 1.500000e+00 : f32
        %sub3A_632 = vector.broadcast %sub3A_631 : f32 to vector<16xf32>
        %sub3A_633 = arith.subf %sub3A_632, %mul3A_630 : vector<16xf32>
        %mul3A_634 = arith.mulf %mul3A_625, %sub3A_633 : vector<16xf32>
        %mul3A_635 = arith.constant 5.000000e-01 : f32
        %mul3A_636 = vector.broadcast %mul3A_635 : f32 to vector<16xf32>
        %mul3A_637 = arith.mulf %mul3A_636, %add3A_610 : vector<16xf32>
        %mul3A_638 = arith.mulf %mul3A_637, %mul3A_634 : vector<16xf32>
        %mul3A_639 = arith.mulf %mul3A_638, %mul3A_634 : vector<16xf32>
        %sub3A_640 = arith.constant 1.500000e+00 : f32
        %sub3A_641 = vector.broadcast %sub3A_640 : f32 to vector<16xf32>
        %sub3A_642 = arith.subf %sub3A_641, %mul3A_639 : vector<16xf32>
        %mul3A_643 = arith.mulf %mul3A_634, %sub3A_642 : vector<16xf32>
        %mul3A_644 = arith.constant 16 : i32
        %mul3A_645 = arith.muli %scan3A_207, %mul3A_644 : i32
        %slice3A = vector.extract_strided_slice %mul3A_600 {offsets = [0], sizes = [1], strides = [1]} : vector<16xf32> to vector<1xf32>
        %squeeze3A = vector.extract %slice3A[0] : f32 from vector<1xf32>
        %slice3A_646 = vector.extract_strided_slice %mul3A_643 {offsets = [0], sizes = [1], strides = [1]} : vector<16xf32> to vector<1xf32>
        %squeeze3A_647 = vector.extract %slice3A_646[0] : f32 from vector<1xf32>
        %add3A_648 = arith.constant 0 : i32
        %add3A_649 = arith.addi %mul3A_645, %add3A_648 : i32
        %get3A_650 = arith.index_cast %add3A_649 : i32 to index
        %get3A_651 = arith.constant 0 : index
        %get3A_652 = tpu.vector_load %arg8[%get3A_650, %get3A_651] {strides = array<i32>} : memref<1024x64xf32, #tpu.memory_space<vmem>>, vector<16xf32>,
        %add3A_653 = arith.constant 0 : i32
        %add3A_654 = arith.addi %mul3A_645, %add3A_653 : i32
        %get3A_655 = arith.index_cast %add3A_654 : i32 to index
        %get3A_656 = arith.constant 16 : index
        %get3A_657 = tpu.vector_load %arg8[%get3A_655, %get3A_656] {strides = array<i32>} : memref<1024x64xf32, #tpu.memory_space<vmem>>, vector<16xf32>,
        %add3A_658 = arith.constant 0 : i32
        %add3A_659 = arith.addi %mul3A_645, %add3A_658 : i32
        %get3A_660 = arith.index_cast %add3A_659 : i32 to index
        %get3A_661 = arith.constant 32 : index
        %get3A_662 = tpu.vector_load %arg8[%get3A_660, %get3A_661] {strides = array<i32>} : memref<1024x64xf32, #tpu.memory_space<vmem>>, vector<16xf32>,
        %add3A_663 = arith.constant 0 : i32
        %add3A_664 = arith.addi %mul3A_645, %add3A_663 : i32
        %get3A_665 = arith.index_cast %add3A_664 : i32 to index
        %get3A_666 = arith.constant 48 : index
        %get3A_667 = tpu.vector_load %arg8[%get3A_665, %get3A_666] {strides = array<i32>} : memref<1024x64xf32, #tpu.memory_space<vmem>>, vector<16xf32>,
        %sub3A_668 = vector.broadcast %squeeze3A : f32 to vector<16xf32>
        %sub3A_669 = arith.subf %get3A_652, %sub3A_668 : vector<16xf32>
        %mul3A_670 = vector.broadcast %squeeze3A_647 : f32 to vector<16xf32>
        %mul3A_671 = arith.mulf %sub3A_669, %mul3A_670 : vector<16xf32>
        %mul3A_672 = arith.mulf %mul3A_671, %get3A_1 : vector<16xf32>
        %add3A_673 = arith.addf %mul3A_672, %get3A_9 : vector<16xf32>
        %add3A_674 = arith.constant 0 : i32
        %add3A_675 = arith.addi %mul3A_645, %add3A_674 : i32
        %swap3A = arith.index_cast %add3A_675 : i32 to index
        %swap3A_676 = arith.constant 0 : index
        %swap3A_677 = tpu.vector_load %arg8[%swap3A, %swap3A_676] {strides = array<i32>} : memref<1024x64xf32, #tpu.memory_space<vmem>>, vector<16xf32>,
        tpu.vector_store %arg8[%swap3A, %swap3A_676], %add3A_673 {strides = array<i32>} : memref<1024x64xf32, #tpu.memory_space<vmem>>, vector<16xf32>,
        %sub3A_678 = vector.broadcast %squeeze3A : f32 to vector<16xf32>
        %sub3A_679 = arith.subf %get3A_657, %sub3A_678 : vector<16xf32>
        %mul3A_680 = vector.broadcast %squeeze3A_647 : f32 to vector<16xf32>
        %mul3A_681 = arith.mulf %sub3A_679, %mul3A_680 : vector<16xf32>
        %mul3A_682 = arith.mulf %mul3A_681, %get3A_3 : vector<16xf32>
        %add3A_683 = arith.addf %mul3A_682, %get3A_11 : vector<16xf32>
        %add3A_684 = arith.constant 0 : i32
        %add3A_685 = arith.addi %mul3A_645, %add3A_684 : i32
        %swap3A_686 = arith.index_cast %add3A_685 : i32 to index
        %swap3A_687 = arith.constant 16 : index
        %swap3A_688 = tpu.vector_load %arg8[%swap3A_686, %swap3A_687] {strides = array<i32>} : memref<1024x64xf32, #tpu.memory_space<vmem>>, vector<16xf32>,
        tpu.vector_store %arg8[%swap3A_686, %swap3A_687], %add3A_683 {strides = array<i32>} : memref<1024x64xf32, #tpu.memory_space<vmem>>, vector<16xf32>,
        %sub3A_689 = vector.broadcast %squeeze3A : f32 to vector<16xf32>
        %sub3A_690 = arith.subf %get3A_662, %sub3A_689 : vector<16xf32>
        %mul3A_691 = vector.broadcast %squeeze3A_647 : f32 to vector<16xf32>
        %mul3A_692 = arith.mulf %sub3A_690, %mul3A_691 : vector<16xf32>
        %mul3A_693 = arith.mulf %mul3A_692, %get3A_5 : vector<16xf32>
        %add3A_694 = arith.addf %mul3A_693, %get3A_13 : vector<16xf32>
        %add3A_695 = arith.constant 0 : i32
        %add3A_696 = arith.addi %mul3A_645, %add3A_695 : i32
        %swap3A_697 = arith.index_cast %add3A_696 : i32 to index
        %swap3A_698 = arith.constant 32 : index
        %swap3A_699 = tpu.vector_load %arg8[%swap3A_697, %swap3A_698] {strides = array<i32>} : memref<1024x64xf32, #tpu.memory_space<vmem>>, vector<16xf32>,
        tpu.vector_store %arg8[%swap3A_697, %swap3A_698], %add3A_694 {strides = array<i32>} : memref<1024x64xf32, #tpu.memory_space<vmem>>, vector<16xf32>,
        %sub3A_700 = vector.broadcast %squeeze3A : f32 to vector<16xf32>
        %sub3A_701 = arith.subf %get3A_667, %sub3A_700 : vector<16xf32>
        %mul3A_702 = vector.broadcast %squeeze3A_647 : f32 to vector<16xf32>
        %mul3A_703 = arith.mulf %sub3A_701, %mul3A_702 : vector<16xf32>
        %mul3A_704 = arith.mulf %mul3A_703, %get3A_7 : vector<16xf32>
        %add3A_705 = arith.addf %mul3A_704, %get3A_15 : vector<16xf32>
        %add3A_706 = arith.constant 0 : i32
        %add3A_707 = arith.addi %mul3A_645, %add3A_706 : i32
        %swap3A_708 = arith.index_cast %add3A_707 : i32 to index
        %swap3A_709 = arith.constant 48 : index
        %swap3A_710 = tpu.vector_load %arg8[%swap3A_708, %swap3A_709] {strides = array<i32>} : memref<1024x64xf32, #tpu.memory_space<vmem>>, vector<16xf32>,
        tpu.vector_store %arg8[%swap3A_708, %swap3A_709], %add3A_705 {strides = array<i32>} : memref<1024x64xf32, #tpu.memory_space<vmem>>, vector<16xf32>,
        %slice3A_711 = vector.extract_strided_slice %mul3A_600 {offsets = [1], sizes = [1], strides = [1]} : vector<16xf32> to vector<1xf32>
        %squeeze3A_712 = vector.extract %slice3A_711[0] : f32 from vector<1xf32>
        %slice3A_713 = vector.extract_strided_slice %mul3A_643 {offsets = [1], sizes = [1], strides = [1]} : vector<16xf32> to vector<1xf32>
        %squeeze3A_714 = vector.extract %slice3A_713[0] : f32 from vector<1xf32>
        %add3A_715 = arith.constant 1 : i32
        %add3A_716 = arith.addi %mul3A_645, %add3A_715 : i32
        %get3A_717 = arith.index_cast %add3A_716 : i32 to index
        %get3A_718 = arith.constant 0 : index
        %get3A_719 = tpu.vector_load %arg8[%get3A_717, %get3A_718] {strides = array<i32>} : memref<1024x64xf32, #tpu.memory_space<vmem>>, vector<16xf32>,
        %add3A_720 = arith.constant 1 : i32
        %add3A_721 = arith.addi %mul3A_645, %add3A_720 : i32
        %get3A_722 = arith.index_cast %add3A_721 : i32 to index
        %get3A_723 = arith.constant 16 : index
        %get3A_724 = tpu.vector_load %arg8[%get3A_722, %get3A_723] {strides = array<i32>} : memref<1024x64xf32, #tpu.memory_space<vmem>>, vector<16xf32>,
        %add3A_725 = arith.constant 1 : i32
        %add3A_726 = arith.addi %mul3A_645, %add3A_725 : i32
        %get3A_727 = arith.index_cast %add3A_726 : i32 to index
        %get3A_728 = arith.constant 32 : index
        %get3A_729 = tpu.vector_load %arg8[%get3A_727, %get3A_728] {strides = array<i32>} : memref<1024x64xf32, #tpu.memory_space<vmem>>, vector<16xf32>,
        %add3A_730 = arith.constant 1 : i32
        %add3A_731 = arith.addi %mul3A_645, %add3A_730 : i32
        %get3A_732 = arith.index_cast %add3A_731 : i32 to index
        %get3A_733 = arith.constant 48 : index
        %get3A_734 = tpu.vector_load %arg8[%get3A_732, %get3A_733] {strides = array<i32>} : memref<1024x64xf32, #tpu.memory_space<vmem>>, vector<16xf32>,
        %sub3A_735 = vector.broadcast %squeeze3A_712 : f32 to vector<16xf32>
        %sub3A_736 = arith.subf %get3A_719, %sub3A_735 : vector<16xf32>
        %mul3A_737 = vector.broadcast %squeeze3A_714 : f32 to vector<16xf32>
        %mul3A_738 = arith.mulf %sub3A_736, %mul3A_737 : vector<16xf32>
        %mul3A_739 = arith.mulf %mul3A_738, %get3A_1 : vector<16xf32>
        %add3A_740 = arith.addf %mul3A_739, %get3A_9 : vector<16xf32>
        %add3A_741 = arith.constant 1 : i32
        %add3A_742 = arith.addi %mul3A_645, %add3A_741 : i32
        %swap3A_743 = arith.index_cast %add3A_742 : i32 to index
        %swap3A_744 = arith.constant 0 : index
        %swap3A_745 = tpu.vector_load %arg8[%swap3A_743, %swap3A_744] {strides = array<i32>} : memref<1024x64xf32, #tpu.memory_space<vmem>>, vector<16xf32>,
        tpu.vector_store %arg8[%swap3A_743, %swap3A_744], %add3A_740 {strides = array<i32>} : memref<1024x64xf32, #tpu.memory_space<vmem>>, vector<16xf32>,
        %sub3A_746 = vector.broadcast %squeeze3A_712 : f32 to vector<16xf32>
        %sub3A_747 = arith.subf %get3A_724, %sub3A_746 : vector<16xf32>
        %mul3A_748 = vector.broadcast %squeeze3A_714 : f32 to vector<16xf32>
        %mul3A_749 = arith.mulf %sub3A_747, %mul3A_748 : vector<16xf32>
        %mul3A_750 = arith.mulf %mul3A_749, %get3A_3 : vector<16xf32>
        %add3A_751 = arith.addf %mul3A_750, %get3A_11 : vector<16xf32>
        %add3A_752 = arith.constant 1 : i32
        %add3A_753 = arith.addi %mul3A_645, %add3A_752 : i32
        %swap3A_754 = arith.index_cast %add3A_753 : i32 to index
        %swap3A_755 = arith.constant 16 : index
        %swap3A_756 = tpu.vector_load %arg8[%swap3A_754, %swap3A_755] {strides = array<i32>} : memref<1024x64xf32, #tpu.memory_space<vmem>>, vector<16xf32>,
        tpu.vector_store %arg8[%swap3A_754, %swap3A_755], %add3A_751 {strides = array<i32>} : memref<1024x64xf32, #tpu.memory_space<vmem>>, vector<16xf32>,
        %sub3A_757 = vector.broadcast %squeeze3A_712 : f32 to vector<16xf32>
        %sub3A_758 = arith.subf %get3A_729, %sub3A_757 : vector<16xf32>
        %mul3A_759 = vector.broadcast %squeeze3A_714 : f32 to vector<16xf32>
        %mul3A_760 = arith.mulf %sub3A_758, %mul3A_759 : vector<16xf32>
        %mul3A_761 = arith.mulf %mul3A_760, %get3A_5 : vector<16xf32>
        %add3A_762 = arith.addf %mul3A_761, %get3A_13 : vector<16xf32>
        %add3A_763 = arith.constant 1 : i32
        %add3A_764 = arith.addi %mul3A_645, %add3A_763 : i32
        %swap3A_765 = arith.index_cast %add3A_764 : i32 to index
        %swap3A_766 = arith.constant 32 : index
        %swap3A_767 = tpu.vector_load %arg8[%swap3A_765, %swap3A_766] {strides = array<i32>} : memref<1024x64xf32, #tpu.memory_space<vmem>>, vector<16xf32>,
        tpu.vector_store %arg8[%swap3A_765, %swap3A_766], %add3A_762 {strides = array<i32>} : memref<1024x64xf32, #tpu.memory_space<vmem>>, vector<16xf32>,
        %sub3A_768 = vector.broadcast %squeeze3A_712 : f32 to vector<16xf32>
        %sub3A_769 = arith.subf %get3A_734, %sub3A_768 : vector<16xf32>
        %mul3A_770 = vector.broadcast %squeeze3A_714 : f32 to vector<16xf32>
        %mul3A_771 = arith.mulf %sub3A_769, %mul3A_770 : vector<16xf32>
        %mul3A_772 = arith.mulf %mul3A_771, %get3A_7 : vector<16xf32>
        %add3A_773 = arith.addf %mul3A_772, %get3A_15 : vector<16xf32>
        %add3A_774 = arith.constant 1 : i32
        %add3A_775 = arith.addi %mul3A_645, %add3A_774 : i32
        %swap3A_776 = arith.index_cast %add3A_775 : i32 to index
        %swap3A_777 = arith.constant 48 : index
        %swap3A_778 = tpu.vector_load %arg8[%swap3A_776, %swap3A_777] {strides = array<i32>} : memref<1024x64xf32, #tpu.memory_space<vmem>>, vector<16xf32>,
        tpu.vector_store %arg8[%swap3A_776, %swap3A_777], %add3A_773 {strides = array<i32>} : memref<1024x64xf32, #tpu.memory_space<vmem>>, vector<16xf32>,
        %slice3A_779 = vector.extract_strided_slice %mul3A_600 {offsets = [2], sizes = [1], strides = [1]} : vector<16xf32> to vector<1xf32>
        %squeeze3A_780 = vector.extract %slice3A_779[0] : f32 from vector<1xf32>
        %slice3A_781 = vector.extract_strided_slice %mul3A_643 {offsets = [2], sizes = [1], strides = [1]} : vector<16xf32> to vector<1xf32>
        %squeeze3A_782 = vector.extract %slice3A_781[0] : f32 from vector<1xf32>
        %add3A_783 = arith.constant 2 : i32
        %add3A_784 = arith.addi %mul3A_645, %add3A_783 : i32
        %get3A_785 = arith.index_cast %add3A_784 : i32 to index
        %get3A_786 = arith.constant 0 : index
        %get3A_787 = tpu.vector_load %arg8[%get3A_785, %get3A_786] {strides = array<i32>} : memref<1024x64xf32, #tpu.memory_space<vmem>>, vector<16xf32>,
        %add3A_788 = arith.constant 2 : i32
        %add3A_789 = arith.addi %mul3A_645, %add3A_788 : i32
        %get3A_790 = arith.index_cast %add3A_789 : i32 to index
        %get3A_791 = arith.constant 16 : index
        %get3A_792 = tpu.vector_load %arg8[%get3A_790, %get3A_791] {strides = array<i32>} : memref<1024x64xf32, #tpu.memory_space<vmem>>, vector<16xf32>,
        %add3A_793 = arith.constant 2 : i32
        %add3A_794 = arith.addi %mul3A_645, %add3A_793 : i32
        %get3A_795 = arith.index_cast %add3A_794 : i32 to index
        %get3A_796 = arith.constant 32 : index
        %get3A_797 = tpu.vector_load %arg8[%get3A_795, %get3A_796] {strides = array<i32>} : memref<1024x64xf32, #tpu.memory_space<vmem>>, vector<16xf32>,
        %add3A_798 = arith.constant 2 : i32
        %add3A_799 = arith.addi %mul3A_645, %add3A_798 : i32
        %get3A_800 = arith.index_cast %add3A_799 : i32 to index
        %get3A_801 = arith.constant 48 : index
        %get3A_802 = tpu.vector_load %arg8[%get3A_800, %get3A_801] {strides = array<i32>} : memref<1024x64xf32, #tpu.memory_space<vmem>>, vector<16xf32>,
        %sub3A_803 = vector.broadcast %squeeze3A_780 : f32 to vector<16xf32>
        %sub3A_804 = arith.subf %get3A_787, %sub3A_803 : vector<16xf32>
        %mul3A_805 = vector.broadcast %squeeze3A_782 : f32 to vector<16xf32>
        %mul3A_806 = arith.mulf %sub3A_804, %mul3A_805 : vector<16xf32>
        %mul3A_807 = arith.mulf %mul3A_806, %get3A_1 : vector<16xf32>
        %add3A_808 = arith.addf %mul3A_807, %get3A_9 : vector<16xf32>
        %add3A_809 = arith.constant 2 : i32
        %add3A_810 = arith.addi %mul3A_645, %add3A_809 : i32
        %swap3A_811 = arith.index_cast %add3A_810 : i32 to index
        %swap3A_812 = arith.constant 0 : index
        %swap3A_813 = tpu.vector_load %arg8[%swap3A_811, %swap3A_812] {strides = array<i32>} : memref<1024x64xf32, #tpu.memory_space<vmem>>, vector<16xf32>,
        tpu.vector_store %arg8[%swap3A_811, %swap3A_812], %add3A_808 {strides = array<i32>} : memref<1024x64xf32, #tpu.memory_space<vmem>>, vector<16xf32>,
        %sub3A_814 = vector.broadcast %squeeze3A_780 : f32 to vector<16xf32>
        %sub3A_815 = arith.subf %get3A_792, %sub3A_814 : vector<16xf32>
        %mul3A_816 = vector.broadcast %squeeze3A_782 : f32 to vector<16xf32>
        %mul3A_817 = arith.mulf %sub3A_815, %mul3A_816 : vector<16xf32>
        %mul3A_818 = arith.mulf %mul3A_817, %get3A_3 : vector<16xf32>
        %add3A_819 = arith.addf %mul3A_818, %get3A_11 : vector<16xf32>
        %add3A_820 = arith.constant 2 : i32
        %add3A_821 = arith.addi %mul3A_645, %add3A_820 : i32
        %swap3A_822 = arith.index_cast %add3A_821 : i32 to index
        %swap3A_823 = arith.constant 16 : index
        %swap3A_824 = tpu.vector_load %arg8[%swap3A_822, %swap3A_823] {strides = array<i32>} : memref<1024x64xf32, #tpu.memory_space<vmem>>, vector<16xf32>,
        tpu.vector_store %arg8[%swap3A_822, %swap3A_823], %add3A_819 {strides = array<i32>} : memref<1024x64xf32, #tpu.memory_space<vmem>>, vector<16xf32>,
        %sub3A_825 = vector.broadcast %squeeze3A_780 : f32 to vector<16xf32>
        %sub3A_826 = arith.subf %get3A_797, %sub3A_825 : vector<16xf32>
        %mul3A_827 = vector.broadcast %squeeze3A_782 : f32 to vector<16xf32>
        %mul3A_828 = arith.mulf %sub3A_826, %mul3A_827 : vector<16xf32>
        %mul3A_829 = arith.mulf %mul3A_828, %get3A_5 : vector<16xf32>
        %add3A_830 = arith.addf %mul3A_829, %get3A_13 : vector<16xf32>
        %add3A_831 = arith.constant 2 : i32
        %add3A_832 = arith.addi %mul3A_645, %add3A_831 : i32
        %swap3A_833 = arith.index_cast %add3A_832 : i32 to index
        %swap3A_834 = arith.constant 32 : index
        %swap3A_835 = tpu.vector_load %arg8[%swap3A_833, %swap3A_834] {strides = array<i32>} : memref<1024x64xf32, #tpu.memory_space<vmem>>, vector<16xf32>,
        tpu.vector_store %arg8[%swap3A_833, %swap3A_834], %add3A_830 {strides = array<i32>} : memref<1024x64xf32, #tpu.memory_space<vmem>>, vector<16xf32>,
        %sub3A_836 = vector.broadcast %squeeze3A_780 : f32 to vector<16xf32>
        %sub3A_837 = arith.subf %get3A_802, %sub3A_836 : vector<16xf32>
        %mul3A_838 = vector.broadcast %squeeze3A_782 : f32 to vector<16xf32>
        %mul3A_839 = arith.mulf %sub3A_837, %mul3A_838 : vector<16xf32>
        %mul3A_840 = arith.mulf %mul3A_839, %get3A_7 : vector<16xf32>
        %add3A_841 = arith.addf %mul3A_840, %get3A_15 : vector<16xf32>
        %add3A_842 = arith.constant 2 : i32
        %add3A_843 = arith.addi %mul3A_645, %add3A_842 : i32
        %swap3A_844 = arith.index_cast %add3A_843 : i32 to index
        %swap3A_845 = arith.constant 48 : index
        %swap3A_846 = tpu.vector_load %arg8[%swap3A_844, %swap3A_845] {strides = array<i32>} : memref<1024x64xf32, #tpu.memory_space<vmem>>, vector<16xf32>,
        tpu.vector_store %arg8[%swap3A_844, %swap3A_845], %add3A_841 {strides = array<i32>} : memref<1024x64xf32, #tpu.memory_space<vmem>>, vector<16xf32>,
        %slice3A_847 = vector.extract_strided_slice %mul3A_600 {offsets = [3], sizes = [1], strides = [1]} : vector<16xf32> to vector<1xf32>
        %squeeze3A_848 = vector.extract %slice3A_847[0] : f32 from vector<1xf32>
        %slice3A_849 = vector.extract_strided_slice %mul3A_643 {offsets = [3], sizes = [1], strides = [1]} : vector<16xf32> to vector<1xf32>
        %squeeze3A_850 = vector.extract %slice3A_849[0] : f32 from vector<1xf32>
        %add3A_851 = arith.constant 3 : i32
        %add3A_852 = arith.addi %mul3A_645, %add3A_851 : i32
        %get3A_853 = arith.index_cast %add3A_852 : i32 to index
        %get3A_854 = arith.constant 0 : index
        %get3A_855 = tpu.vector_load %arg8[%get3A_853, %get3A_854] {strides = array<i32>} : memref<1024x64xf32, #tpu.memory_space<vmem>>, vector<16xf32>,
        %add3A_856 = arith.constant 3 : i32
        %add3A_857 = arith.addi %mul3A_645, %add3A_856 : i32
        %get3A_858 = arith.index_cast %add3A_857 : i32 to index
        %get3A_859 = arith.constant 16 : index
        %get3A_860 = tpu.vector_load %arg8[%get3A_858, %get3A_859] {strides = array<i32>} : memref<1024x64xf32, #tpu.memory_space<vmem>>, vector<16xf32>,
        %add3A_861 = arith.constant 3 : i32
        %add3A_862 = arith.addi %mul3A_645, %add3A_861 : i32
        %get3A_863 = arith.index_cast %add3A_862 : i32 to index
        %get3A_864 = arith.constant 32 : index
        %get3A_865 = tpu.vector_load %arg8[%get3A_863, %get3A_864] {strides = array<i32>} : memref<1024x64xf32, #tpu.memory_space<vmem>>, vector<16xf32>,
        %add3A_866 = arith.constant 3 : i32
        %add3A_867 = arith.addi %mul3A_645, %add3A_866 : i32
        %get3A_868 = arith.index_cast %add3A_867 : i32 to index
        %get3A_869 = arith.constant 48 : index
        %get3A_870 = tpu.vector_load %arg8[%get3A_868, %get3A_869] {strides = array<i32>} : memref<1024x64xf32, #tpu.memory_space<vmem>>, vector<16xf32>,
        %sub3A_871 = vector.broadcast %squeeze3A_848 : f32 to vector<16xf32>
        %sub3A_872 = arith.subf %get3A_855, %sub3A_871 : vector<16xf32>
        %mul3A_873 = vector.broadcast %squeeze3A_850 : f32 to vector<16xf32>
        %mul3A_874 = arith.mulf %sub3A_872, %mul3A_873 : vector<16xf32>
        %mul3A_875 = arith.mulf %mul3A_874, %get3A_1 : vector<16xf32>
        %add3A_876 = arith.addf %mul3A_875, %get3A_9 : vector<16xf32>
        %add3A_877 = arith.constant 3 : i32
        %add3A_878 = arith.addi %mul3A_645, %add3A_877 : i32
        %swap3A_879 = arith.index_cast %add3A_878 : i32 to index
        %swap3A_880 = arith.constant 0 : index
        %swap3A_881 = tpu.vector_load %arg8[%swap3A_879, %swap3A_880] {strides = array<i32>} : memref<1024x64xf32, #tpu.memory_space<vmem>>, vector<16xf32>,
        tpu.vector_store %arg8[%swap3A_879, %swap3A_880], %add3A_876 {strides = array<i32>} : memref<1024x64xf32, #tpu.memory_space<vmem>>, vector<16xf32>,
        %sub3A_882 = vector.broadcast %squeeze3A_848 : f32 to vector<16xf32>
        %sub3A_883 = arith.subf %get3A_860, %sub3A_882 : vector<16xf32>
        %mul3A_884 = vector.broadcast %squeeze3A_850 : f32 to vector<16xf32>
        %mul3A_885 = arith.mulf %sub3A_883, %mul3A_884 : vector<16xf32>
        %mul3A_886 = arith.mulf %mul3A_885, %get3A_3 : vector<16xf32>
        %add3A_887 = arith.addf %mul3A_886, %get3A_11 : vector<16xf32>
        %add3A_888 = arith.constant 3 : i32
        %add3A_889 = arith.addi %mul3A_645, %add3A_888 : i32
        %swap3A_890 = arith.index_cast %add3A_889 : i32 to index
        %swap3A_891 = arith.constant 16 : index
        %swap3A_892 = tpu.vector_load %arg8[%swap3A_890, %swap3A_891] {strides = array<i32>} : memref<1024x64xf32, #tpu.memory_space<vmem>>, vector<16xf32>,
        tpu.vector_store %arg8[%swap3A_890, %swap3A_891], %add3A_887 {strides = array<i32>} : memref<1024x64xf32, #tpu.memory_space<vmem>>, vector<16xf32>,
        %sub3A_893 = vector.broadcast %squeeze3A_848 : f32 to vector<16xf32>
        %sub3A_894 = arith.subf %get3A_865, %sub3A_893 : vector<16xf32>
        %mul3A_895 = vector.broadcast %squeeze3A_850 : f32 to vector<16xf32>
        %mul3A_896 = arith.mulf %sub3A_894, %mul3A_895 : vector<16xf32>
        %mul3A_897 = arith.mulf %mul3A_896, %get3A_5 : vector<16xf32>
        %add3A_898 = arith.addf %mul3A_897, %get3A_13 : vector<16xf32>
        %add3A_899 = arith.constant 3 : i32
        %add3A_900 = arith.addi %mul3A_645, %add3A_899 : i32
        %swap3A_901 = arith.index_cast %add3A_900 : i32 to index
        %swap3A_902 = arith.constant 32 : index
        %swap3A_903 = tpu.vector_load %arg8[%swap3A_901, %swap3A_902] {strides = array<i32>} : memref<1024x64xf32, #tpu.memory_space<vmem>>, vector<16xf32>,
        tpu.vector_store %arg8[%swap3A_901, %swap3A_902], %add3A_898 {strides = array<i32>} : memref<1024x64xf32, #tpu.memory_space<vmem>>, vector<16xf32>,
        %sub3A_904 = vector.broadcast %squeeze3A_848 : f32 to vector<16xf32>
        %sub3A_905 = arith.subf %get3A_870, %sub3A_904 : vector<16xf32>
        %mul3A_906 = vector.broadcast %squeeze3A_850 : f32 to vector<16xf32>
        %mul3A_907 = arith.mulf %sub3A_905, %mul3A_906 : vector<16xf32>
        %mul3A_908 = arith.mulf %mul3A_907, %get3A_7 : vector<16xf32>
        %add3A_909 = arith.addf %mul3A_908, %get3A_15 : vector<16xf32>
        %add3A_910 = arith.constant 3 : i32
        %add3A_911 = arith.addi %mul3A_645, %add3A_910 : i32
        %swap3A_912 = arith.index_cast %add3A_911 : i32 to index
        %swap3A_913 = arith.constant 48 : index
        %swap3A_914 = tpu.vector_load %arg8[%swap3A_912, %swap3A_913] {strides = array<i32>} : memref<1024x64xf32, #tpu.memory_space<vmem>>, vector<16xf32>,
        tpu.vector_store %arg8[%swap3A_912, %swap3A_913], %add3A_909 {strides = array<i32>} : memref<1024x64xf32, #tpu.memory_space<vmem>>, vector<16xf32>,
        %slice3A_915 = vector.extract_strided_slice %mul3A_600 {offsets = [4], sizes = [1], strides = [1]} : vector<16xf32> to vector<1xf32>
        %squeeze3A_916 = vector.extract %slice3A_915[0] : f32 from vector<1xf32>
        %slice3A_917 = vector.extract_strided_slice %mul3A_643 {offsets = [4], sizes = [1], strides = [1]} : vector<16xf32> to vector<1xf32>
        %squeeze3A_918 = vector.extract %slice3A_917[0] : f32 from vector<1xf32>
        %add3A_919 = arith.constant 4 : i32
        %add3A_920 = arith.addi %mul3A_645, %add3A_919 : i32
        %get3A_921 = arith.index_cast %add3A_920 : i32 to index
        %get3A_922 = arith.constant 0 : index
        %get3A_923 = tpu.vector_load %arg8[%get3A_921, %get3A_922] {strides = array<i32>} : memref<1024x64xf32, #tpu.memory_space<vmem>>, vector<16xf32>,
        %add3A_924 = arith.constant 4 : i32
        %add3A_925 = arith.addi %mul3A_645, %add3A_924 : i32
        %get3A_926 = arith.index_cast %add3A_925 : i32 to index
        %get3A_927 = arith.constant 16 : index
        %get3A_928 = tpu.vector_load %arg8[%get3A_926, %get3A_927] {strides = array<i32>} : memref<1024x64xf32, #tpu.memory_space<vmem>>, vector<16xf32>,
        %add3A_929 = arith.constant 4 : i32
        %add3A_930 = arith.addi %mul3A_645, %add3A_929 : i32
        %get3A_931 = arith.index_cast %add3A_930 : i32 to index
        %get3A_932 = arith.constant 32 : index
        %get3A_933 = tpu.vector_load %arg8[%get3A_931, %get3A_932] {strides = array<i32>} : memref<1024x64xf32, #tpu.memory_space<vmem>>, vector<16xf32>,
        %add3A_934 = arith.constant 4 : i32
        %add3A_935 = arith.addi %mul3A_645, %add3A_934 : i32
        %get3A_936 = arith.index_cast %add3A_935 : i32 to index
        %get3A_937 = arith.constant 48 : index
        %get3A_938 = tpu.vector_load %arg8[%get3A_936, %get3A_937] {strides = array<i32>} : memref<1024x64xf32, #tpu.memory_space<vmem>>, vector<16xf32>,
        %sub3A_939 = vector.broadcast %squeeze3A_916 : f32 to vector<16xf32>
        %sub3A_940 = arith.subf %get3A_923, %sub3A_939 : vector<16xf32>
        %mul3A_941 = vector.broadcast %squeeze3A_918 : f32 to vector<16xf32>
        %mul3A_942 = arith.mulf %sub3A_940, %mul3A_941 : vector<16xf32>
        %mul3A_943 = arith.mulf %mul3A_942, %get3A_1 : vector<16xf32>
        %add3A_944 = arith.addf %mul3A_943, %get3A_9 : vector<16xf32>
        %add3A_945 = arith.constant 4 : i32
        %add3A_946 = arith.addi %mul3A_645, %add3A_945 : i32
        %swap3A_947 = arith.index_cast %add3A_946 : i32 to index
        %swap3A_948 = arith.constant 0 : index
        %swap3A_949 = tpu.vector_load %arg8[%swap3A_947, %swap3A_948] {strides = array<i32>} : memref<1024x64xf32, #tpu.memory_space<vmem>>, vector<16xf32>,
        tpu.vector_store %arg8[%swap3A_947, %swap3A_948], %add3A_944 {strides = array<i32>} : memref<1024x64xf32, #tpu.memory_space<vmem>>, vector<16xf32>,
        %sub3A_950 = vector.broadcast %squeeze3A_916 : f32 to vector<16xf32>
        %sub3A_951 = arith.subf %get3A_928, %sub3A_950 : vector<16xf32>
        %mul3A_952 = vector.broadcast %squeeze3A_918 : f32 to vector<16xf32>
        %mul3A_953 = arith.mulf %sub3A_951, %mul3A_952 : vector<16xf32>
        %mul3A_954 = arith.mulf %mul3A_953, %get3A_3 : vector<16xf32>
        %add3A_955 = arith.addf %mul3A_954, %get3A_11 : vector<16xf32>
        %add3A_956 = arith.constant 4 : i32
        %add3A_957 = arith.addi %mul3A_645, %add3A_956 : i32
        %swap3A_958 = arith.index_cast %add3A_957 : i32 to index
        %swap3A_959 = arith.constant 16 : index
        %swap3A_960 = tpu.vector_load %arg8[%swap3A_958, %swap3A_959] {strides = array<i32>} : memref<1024x64xf32, #tpu.memory_space<vmem>>, vector<16xf32>,
        tpu.vector_store %arg8[%swap3A_958, %swap3A_959], %add3A_955 {strides = array<i32>} : memref<1024x64xf32, #tpu.memory_space<vmem>>, vector<16xf32>,
        %sub3A_961 = vector.broadcast %squeeze3A_916 : f32 to vector<16xf32>
        %sub3A_962 = arith.subf %get3A_933, %sub3A_961 : vector<16xf32>
        %mul3A_963 = vector.broadcast %squeeze3A_918 : f32 to vector<16xf32>
        %mul3A_964 = arith.mulf %sub3A_962, %mul3A_963 : vector<16xf32>
        %mul3A_965 = arith.mulf %mul3A_964, %get3A_5 : vector<16xf32>
        %add3A_966 = arith.addf %mul3A_965, %get3A_13 : vector<16xf32>
        %add3A_967 = arith.constant 4 : i32
        %add3A_968 = arith.addi %mul3A_645, %add3A_967 : i32
        %swap3A_969 = arith.index_cast %add3A_968 : i32 to index
        %swap3A_970 = arith.constant 32 : index
        %swap3A_971 = tpu.vector_load %arg8[%swap3A_969, %swap3A_970] {strides = array<i32>} : memref<1024x64xf32, #tpu.memory_space<vmem>>, vector<16xf32>,
        tpu.vector_store %arg8[%swap3A_969, %swap3A_970], %add3A_966 {strides = array<i32>} : memref<1024x64xf32, #tpu.memory_space<vmem>>, vector<16xf32>,
        %sub3A_972 = vector.broadcast %squeeze3A_916 : f32 to vector<16xf32>
        %sub3A_973 = arith.subf %get3A_938, %sub3A_972 : vector<16xf32>
        %mul3A_974 = vector.broadcast %squeeze3A_918 : f32 to vector<16xf32>
        %mul3A_975 = arith.mulf %sub3A_973, %mul3A_974 : vector<16xf32>
        %mul3A_976 = arith.mulf %mul3A_975, %get3A_7 : vector<16xf32>
        %add3A_977 = arith.addf %mul3A_976, %get3A_15 : vector<16xf32>
        %add3A_978 = arith.constant 4 : i32
        %add3A_979 = arith.addi %mul3A_645, %add3A_978 : i32
        %swap3A_980 = arith.index_cast %add3A_979 : i32 to index
        %swap3A_981 = arith.constant 48 : index
        %swap3A_982 = tpu.vector_load %arg8[%swap3A_980, %swap3A_981] {strides = array<i32>} : memref<1024x64xf32, #tpu.memory_space<vmem>>, vector<16xf32>,
        tpu.vector_store %arg8[%swap3A_980, %swap3A_981], %add3A_977 {strides = array<i32>} : memref<1024x64xf32, #tpu.memory_space<vmem>>, vector<16xf32>,
        %slice3A_983 = vector.extract_strided_slice %mul3A_600 {offsets = [5], sizes = [1], strides = [1]} : vector<16xf32> to vector<1xf32>
        %squeeze3A_984 = vector.extract %slice3A_983[0] : f32 from vector<1xf32>
        %slice3A_985 = vector.extract_strided_slice %mul3A_643 {offsets = [5], sizes = [1], strides = [1]} : vector<16xf32> to vector<1xf32>
        %squeeze3A_986 = vector.extract %slice3A_985[0] : f32 from vector<1xf32>
        %add3A_987 = arith.constant 5 : i32
        %add3A_988 = arith.addi %mul3A_645, %add3A_987 : i32
        %get3A_989 = arith.index_cast %add3A_988 : i32 to index
        %get3A_990 = arith.constant 0 : index
        %get3A_991 = tpu.vector_load %arg8[%get3A_989, %get3A_990] {strides = array<i32>} : memref<1024x64xf32, #tpu.memory_space<vmem>>, vector<16xf32>,
        %add3A_992 = arith.constant 5 : i32
        %add3A_993 = arith.addi %mul3A_645, %add3A_992 : i32
        %get3A_994 = arith.index_cast %add3A_993 : i32 to index
        %get3A_995 = arith.constant 16 : index
        %get3A_996 = tpu.vector_load %arg8[%get3A_994, %get3A_995] {strides = array<i32>} : memref<1024x64xf32, #tpu.memory_space<vmem>>, vector<16xf32>,
        %add3A_997 = arith.constant 5 : i32
        %add3A_998 = arith.addi %mul3A_645, %add3A_997 : i32
        %get3A_999 = arith.index_cast %add3A_998 : i32 to index
        %get3A_1000 = arith.constant 32 : index
        %get3A_1001 = tpu.vector_load %arg8[%get3A_999, %get3A_1000] {strides = array<i32>} : memref<1024x64xf32, #tpu.memory_space<vmem>>, vector<16xf32>,
        %add3A_1002 = arith.constant 5 : i32
        %add3A_1003 = arith.addi %mul3A_645, %add3A_1002 : i32
        %get3A_1004 = arith.index_cast %add3A_1003 : i32 to index
        %get3A_1005 = arith.constant 48 : index
        %get3A_1006 = tpu.vector_load %arg8[%get3A_1004, %get3A_1005] {strides = array<i32>} : memref<1024x64xf32, #tpu.memory_space<vmem>>, vector<16xf32>,
        %sub3A_1007 = vector.broadcast %squeeze3A_984 : f32 to vector<16xf32>
        %sub3A_1008 = arith.subf %get3A_991, %sub3A_1007 : vector<16xf32>
        %mul3A_1009 = vector.broadcast %squeeze3A_986 : f32 to vector<16xf32>
        %mul3A_1010 = arith.mulf %sub3A_1008, %mul3A_1009 : vector<16xf32>
        %mul3A_1011 = arith.mulf %mul3A_1010, %get3A_1 : vector<16xf32>
        %add3A_1012 = arith.addf %mul3A_1011, %get3A_9 : vector<16xf32>
        %add3A_1013 = arith.constant 5 : i32
        %add3A_1014 = arith.addi %mul3A_645, %add3A_1013 : i32
        %swap3A_1015 = arith.index_cast %add3A_1014 : i32 to index
        %swap3A_1016 = arith.constant 0 : index
        %swap3A_1017 = tpu.vector_load %arg8[%swap3A_1015, %swap3A_1016] {strides = array<i32>} : memref<1024x64xf32, #tpu.memory_space<vmem>>, vector<16xf32>,
        tpu.vector_store %arg8[%swap3A_1015, %swap3A_1016], %add3A_1012 {strides = array<i32>} : memref<1024x64xf32, #tpu.memory_space<vmem>>, vector<16xf32>,
        %sub3A_1018 = vector.broadcast %squeeze3A_984 : f32 to vector<16xf32>
        %sub3A_1019 = arith.subf %get3A_996, %sub3A_1018 : vector<16xf32>
        %mul3A_1020 = vector.broadcast %squeeze3A_986 : f32 to vector<16xf32>
        %mul3A_1021 = arith.mulf %sub3A_1019, %mul3A_1020 : vector<16xf32>
        %mul3A_1022 = arith.mulf %mul3A_1021, %get3A_3 : vector<16xf32>
        %add3A_1023 = arith.addf %mul3A_1022, %get3A_11 : vector<16xf32>
        %add3A_1024 = arith.constant 5 : i32
        %add3A_1025 = arith.addi %mul3A_645, %add3A_1024 : i32
        %swap3A_1026 = arith.index_cast %add3A_1025 : i32 to index
        %swap3A_1027 = arith.constant 16 : index
        %swap3A_1028 = tpu.vector_load %arg8[%swap3A_1026, %swap3A_1027] {strides = array<i32>} : memref<1024x64xf32, #tpu.memory_space<vmem>>, vector<16xf32>,
        tpu.vector_store %arg8[%swap3A_1026, %swap3A_1027], %add3A_1023 {strides = array<i32>} : memref<1024x64xf32, #tpu.memory_space<vmem>>, vector<16xf32>,
        %sub3A_1029 = vector.broadcast %squeeze3A_984 : f32 to vector<16xf32>
        %sub3A_1030 = arith.subf %get3A_1001, %sub3A_1029 : vector<16xf32>
        %mul3A_1031 = vector.broadcast %squeeze3A_986 : f32 to vector<16xf32>
        %mul3A_1032 = arith.mulf %sub3A_1030, %mul3A_1031 : vector<16xf32>
        %mul3A_1033 = arith.mulf %mul3A_1032, %get3A_5 : vector<16xf32>
        %add3A_1034 = arith.addf %mul3A_1033, %get3A_13 : vector<16xf32>
        %add3A_1035 = arith.constant 5 : i32
        %add3A_1036 = arith.addi %mul3A_645, %add3A_1035 : i32
        %swap3A_1037 = arith.index_cast %add3A_1036 : i32 to index
        %swap3A_1038 = arith.constant 32 : index
        %swap3A_1039 = tpu.vector_load %arg8[%swap3A_1037, %swap3A_1038] {strides = array<i32>} : memref<1024x64xf32, #tpu.memory_space<vmem>>, vector<16xf32>,
        tpu.vector_store %arg8[%swap3A_1037, %swap3A_1038], %add3A_1034 {strides = array<i32>} : memref<1024x64xf32, #tpu.memory_space<vmem>>, vector<16xf32>,
        %sub3A_1040 = vector.broadcast %squeeze3A_984 : f32 to vector<16xf32>
        %sub3A_1041 = arith.subf %get3A_1006, %sub3A_1040 : vector<16xf32>
        %mul3A_1042 = vector.broadcast %squeeze3A_986 : f32 to vector<16xf32>
        %mul3A_1043 = arith.mulf %sub3A_1041, %mul3A_1042 : vector<16xf32>
        %mul3A_1044 = arith.mulf %mul3A_1043, %get3A_7 : vector<16xf32>
        %add3A_1045 = arith.addf %mul3A_1044, %get3A_15 : vector<16xf32>
        %add3A_1046 = arith.constant 5 : i32
        %add3A_1047 = arith.addi %mul3A_645, %add3A_1046 : i32
        %swap3A_1048 = arith.index_cast %add3A_1047 : i32 to index
        %swap3A_1049 = arith.constant 48 : index
        %swap3A_1050 = tpu.vector_load %arg8[%swap3A_1048, %swap3A_1049] {strides = array<i32>} : memref<1024x64xf32, #tpu.memory_space<vmem>>, vector<16xf32>,
        tpu.vector_store %arg8[%swap3A_1048, %swap3A_1049], %add3A_1045 {strides = array<i32>} : memref<1024x64xf32, #tpu.memory_space<vmem>>, vector<16xf32>,
        %slice3A_1051 = vector.extract_strided_slice %mul3A_600 {offsets = [6], sizes = [1], strides = [1]} : vector<16xf32> to vector<1xf32>
        %squeeze3A_1052 = vector.extract %slice3A_1051[0] : f32 from vector<1xf32>
        %slice3A_1053 = vector.extract_strided_slice %mul3A_643 {offsets = [6], sizes = [1], strides = [1]} : vector<16xf32> to vector<1xf32>
        %squeeze3A_1054 = vector.extract %slice3A_1053[0] : f32 from vector<1xf32>
        %add3A_1055 = arith.constant 6 : i32
        %add3A_1056 = arith.addi %mul3A_645, %add3A_1055 : i32
        %get3A_1057 = arith.index_cast %add3A_1056 : i32 to index
        %get3A_1058 = arith.constant 0 : index
        %get3A_1059 = tpu.vector_load %arg8[%get3A_1057, %get3A_1058] {strides = array<i32>} : memref<1024x64xf32, #tpu.memory_space<vmem>>, vector<16xf32>,
        %add3A_1060 = arith.constant 6 : i32
        %add3A_1061 = arith.addi %mul3A_645, %add3A_1060 : i32
        %get3A_1062 = arith.index_cast %add3A_1061 : i32 to index
        %get3A_1063 = arith.constant 16 : index
        %get3A_1064 = tpu.vector_load %arg8[%get3A_1062, %get3A_1063] {strides = array<i32>} : memref<1024x64xf32, #tpu.memory_space<vmem>>, vector<16xf32>,
        %add3A_1065 = arith.constant 6 : i32
        %add3A_1066 = arith.addi %mul3A_645, %add3A_1065 : i32
        %get3A_1067 = arith.index_cast %add3A_1066 : i32 to index
        %get3A_1068 = arith.constant 32 : index
        %get3A_1069 = tpu.vector_load %arg8[%get3A_1067, %get3A_1068] {strides = array<i32>} : memref<1024x64xf32, #tpu.memory_space<vmem>>, vector<16xf32>,
        %add3A_1070 = arith.constant 6 : i32
        %add3A_1071 = arith.addi %mul3A_645, %add3A_1070 : i32
        %get3A_1072 = arith.index_cast %add3A_1071 : i32 to index
        %get3A_1073 = arith.constant 48 : index
        %get3A_1074 = tpu.vector_load %arg8[%get3A_1072, %get3A_1073] {strides = array<i32>} : memref<1024x64xf32, #tpu.memory_space<vmem>>, vector<16xf32>,
        %sub3A_1075 = vector.broadcast %squeeze3A_1052 : f32 to vector<16xf32>
        %sub3A_1076 = arith.subf %get3A_1059, %sub3A_1075 : vector<16xf32>
        %mul3A_1077 = vector.broadcast %squeeze3A_1054 : f32 to vector<16xf32>
        %mul3A_1078 = arith.mulf %sub3A_1076, %mul3A_1077 : vector<16xf32>
        %mul3A_1079 = arith.mulf %mul3A_1078, %get3A_1 : vector<16xf32>
        %add3A_1080 = arith.addf %mul3A_1079, %get3A_9 : vector<16xf32>
        %add3A_1081 = arith.constant 6 : i32
        %add3A_1082 = arith.addi %mul3A_645, %add3A_1081 : i32
        %swap3A_1083 = arith.index_cast %add3A_1082 : i32 to index
        %swap3A_1084 = arith.constant 0 : index
        %swap3A_1085 = tpu.vector_load %arg8[%swap3A_1083, %swap3A_1084] {strides = array<i32>} : memref<1024x64xf32, #tpu.memory_space<vmem>>, vector<16xf32>,
        tpu.vector_store %arg8[%swap3A_1083, %swap3A_1084], %add3A_1080 {strides = array<i32>} : memref<1024x64xf32, #tpu.memory_space<vmem>>, vector<16xf32>,
        %sub3A_1086 = vector.broadcast %squeeze3A_1052 : f32 to vector<16xf32>
        %sub3A_1087 = arith.subf %get3A_1064, %sub3A_1086 : vector<16xf32>
        %mul3A_1088 = vector.broadcast %squeeze3A_1054 : f32 to vector<16xf32>
        %mul3A_1089 = arith.mulf %sub3A_1087, %mul3A_1088 : vector<16xf32>
        %mul3A_1090 = arith.mulf %mul3A_1089, %get3A_3 : vector<16xf32>
        %add3A_1091 = arith.addf %mul3A_1090, %get3A_11 : vector<16xf32>
        %add3A_1092 = arith.constant 6 : i32
        %add3A_1093 = arith.addi %mul3A_645, %add3A_1092 : i32
        %swap3A_1094 = arith.index_cast %add3A_1093 : i32 to index
        %swap3A_1095 = arith.constant 16 : index
        %swap3A_1096 = tpu.vector_load %arg8[%swap3A_1094, %swap3A_1095] {strides = array<i32>} : memref<1024x64xf32, #tpu.memory_space<vmem>>, vector<16xf32>,
        tpu.vector_store %arg8[%swap3A_1094, %swap3A_1095], %add3A_1091 {strides = array<i32>} : memref<1024x64xf32, #tpu.memory_space<vmem>>, vector<16xf32>,
        %sub3A_1097 = vector.broadcast %squeeze3A_1052 : f32 to vector<16xf32>
        %sub3A_1098 = arith.subf %get3A_1069, %sub3A_1097 : vector<16xf32>
        %mul3A_1099 = vector.broadcast %squeeze3A_1054 : f32 to vector<16xf32>
        %mul3A_1100 = arith.mulf %sub3A_1098, %mul3A_1099 : vector<16xf32>
        %mul3A_1101 = arith.mulf %mul3A_1100, %get3A_5 : vector<16xf32>
        %add3A_1102 = arith.addf %mul3A_1101, %get3A_13 : vector<16xf32>
        %add3A_1103 = arith.constant 6 : i32
        %add3A_1104 = arith.addi %mul3A_645, %add3A_1103 : i32
        %swap3A_1105 = arith.index_cast %add3A_1104 : i32 to index
        %swap3A_1106 = arith.constant 32 : index
        %swap3A_1107 = tpu.vector_load %arg8[%swap3A_1105, %swap3A_1106] {strides = array<i32>} : memref<1024x64xf32, #tpu.memory_space<vmem>>, vector<16xf32>,
        tpu.vector_store %arg8[%swap3A_1105, %swap3A_1106], %add3A_1102 {strides = array<i32>} : memref<1024x64xf32, #tpu.memory_space<vmem>>, vector<16xf32>,
        %sub3A_1108 = vector.broadcast %squeeze3A_1052 : f32 to vector<16xf32>
        %sub3A_1109 = arith.subf %get3A_1074, %sub3A_1108 : vector<16xf32>
        %mul3A_1110 = vector.broadcast %squeeze3A_1054 : f32 to vector<16xf32>
        %mul3A_1111 = arith.mulf %sub3A_1109, %mul3A_1110 : vector<16xf32>
        %mul3A_1112 = arith.mulf %mul3A_1111, %get3A_7 : vector<16xf32>
        %add3A_1113 = arith.addf %mul3A_1112, %get3A_15 : vector<16xf32>
        %add3A_1114 = arith.constant 6 : i32
        %add3A_1115 = arith.addi %mul3A_645, %add3A_1114 : i32
        %swap3A_1116 = arith.index_cast %add3A_1115 : i32 to index
        %swap3A_1117 = arith.constant 48 : index
        %swap3A_1118 = tpu.vector_load %arg8[%swap3A_1116, %swap3A_1117] {strides = array<i32>} : memref<1024x64xf32, #tpu.memory_space<vmem>>, vector<16xf32>,
        tpu.vector_store %arg8[%swap3A_1116, %swap3A_1117], %add3A_1113 {strides = array<i32>} : memref<1024x64xf32, #tpu.memory_space<vmem>>, vector<16xf32>,
        %slice3A_1119 = vector.extract_strided_slice %mul3A_600 {offsets = [7], sizes = [1], strides = [1]} : vector<16xf32> to vector<1xf32>
        %squeeze3A_1120 = vector.extract %slice3A_1119[0] : f32 from vector<1xf32>
        %slice3A_1121 = vector.extract_strided_slice %mul3A_643 {offsets = [7], sizes = [1], strides = [1]} : vector<16xf32> to vector<1xf32>
        %squeeze3A_1122 = vector.extract %slice3A_1121[0] : f32 from vector<1xf32>
        %add3A_1123 = arith.constant 7 : i32
        %add3A_1124 = arith.addi %mul3A_645, %add3A_1123 : i32
        %get3A_1125 = arith.index_cast %add3A_1124 : i32 to index
        %get3A_1126 = arith.constant 0 : index
        %get3A_1127 = tpu.vector_load %arg8[%get3A_1125, %get3A_1126] {strides = array<i32>} : memref<1024x64xf32, #tpu.memory_space<vmem>>, vector<16xf32>,
        %add3A_1128 = arith.constant 7 : i32
        %add3A_1129 = arith.addi %mul3A_645, %add3A_1128 : i32
        %get3A_1130 = arith.index_cast %add3A_1129 : i32 to index
        %get3A_1131 = arith.constant 16 : index
        %get3A_1132 = tpu.vector_load %arg8[%get3A_1130, %get3A_1131] {strides = array<i32>} : memref<1024x64xf32, #tpu.memory_space<vmem>>, vector<16xf32>,
        %add3A_1133 = arith.constant 7 : i32
        %add3A_1134 = arith.addi %mul3A_645, %add3A_1133 : i32
        %get3A_1135 = arith.index_cast %add3A_1134 : i32 to index
        %get3A_1136 = arith.constant 32 : index
        %get3A_1137 = tpu.vector_load %arg8[%get3A_1135, %get3A_1136] {strides = array<i32>} : memref<1024x64xf32, #tpu.memory_space<vmem>>, vector<16xf32>,
        %add3A_1138 = arith.constant 7 : i32
        %add3A_1139 = arith.addi %mul3A_645, %add3A_1138 : i32
        %get3A_1140 = arith.index_cast %add3A_1139 : i32 to index
        %get3A_1141 = arith.constant 48 : index
        %get3A_1142 = tpu.vector_load %arg8[%get3A_1140, %get3A_1141] {strides = array<i32>} : memref<1024x64xf32, #tpu.memory_space<vmem>>, vector<16xf32>,
        %sub3A_1143 = vector.broadcast %squeeze3A_1120 : f32 to vector<16xf32>
        %sub3A_1144 = arith.subf %get3A_1127, %sub3A_1143 : vector<16xf32>
        %mul3A_1145 = vector.broadcast %squeeze3A_1122 : f32 to vector<16xf32>
        %mul3A_1146 = arith.mulf %sub3A_1144, %mul3A_1145 : vector<16xf32>
        %mul3A_1147 = arith.mulf %mul3A_1146, %get3A_1 : vector<16xf32>
        %add3A_1148 = arith.addf %mul3A_1147, %get3A_9 : vector<16xf32>
        %add3A_1149 = arith.constant 7 : i32
        %add3A_1150 = arith.addi %mul3A_645, %add3A_1149 : i32
        %swap3A_1151 = arith.index_cast %add3A_1150 : i32 to index
        %swap3A_1152 = arith.constant 0 : index
        %swap3A_1153 = tpu.vector_load %arg8[%swap3A_1151, %swap3A_1152] {strides = array<i32>} : memref<1024x64xf32, #tpu.memory_space<vmem>>, vector<16xf32>,
        tpu.vector_store %arg8[%swap3A_1151, %swap3A_1152], %add3A_1148 {strides = array<i32>} : memref<1024x64xf32, #tpu.memory_space<vmem>>, vector<16xf32>,
        %sub3A_1154 = vector.broadcast %squeeze3A_1120 : f32 to vector<16xf32>
        %sub3A_1155 = arith.subf %get3A_1132, %sub3A_1154 : vector<16xf32>
        %mul3A_1156 = vector.broadcast %squeeze3A_1122 : f32 to vector<16xf32>
        %mul3A_1157 = arith.mulf %sub3A_1155, %mul3A_1156 : vector<16xf32>
        %mul3A_1158 = arith.mulf %mul3A_1157, %get3A_3 : vector<16xf32>
        %add3A_1159 = arith.addf %mul3A_1158, %get3A_11 : vector<16xf32>
        %add3A_1160 = arith.constant 7 : i32
        %add3A_1161 = arith.addi %mul3A_645, %add3A_1160 : i32
        %swap3A_1162 = arith.index_cast %add3A_1161 : i32 to index
        %swap3A_1163 = arith.constant 16 : index
        %swap3A_1164 = tpu.vector_load %arg8[%swap3A_1162, %swap3A_1163] {strides = array<i32>} : memref<1024x64xf32, #tpu.memory_space<vmem>>, vector<16xf32>,
        tpu.vector_store %arg8[%swap3A_1162, %swap3A_1163], %add3A_1159 {strides = array<i32>} : memref<1024x64xf32, #tpu.memory_space<vmem>>, vector<16xf32>,
        %sub3A_1165 = vector.broadcast %squeeze3A_1120 : f32 to vector<16xf32>
        %sub3A_1166 = arith.subf %get3A_1137, %sub3A_1165 : vector<16xf32>
        %mul3A_1167 = vector.broadcast %squeeze3A_1122 : f32 to vector<16xf32>
        %mul3A_1168 = arith.mulf %sub3A_1166, %mul3A_1167 : vector<16xf32>
        %mul3A_1169 = arith.mulf %mul3A_1168, %get3A_5 : vector<16xf32>
        %add3A_1170 = arith.addf %mul3A_1169, %get3A_13 : vector<16xf32>
        %add3A_1171 = arith.constant 7 : i32
        %add3A_1172 = arith.addi %mul3A_645, %add3A_1171 : i32
        %swap3A_1173 = arith.index_cast %add3A_1172 : i32 to index
        %swap3A_1174 = arith.constant 32 : index
        %swap3A_1175 = tpu.vector_load %arg8[%swap3A_1173, %swap3A_1174] {strides = array<i32>} : memref<1024x64xf32, #tpu.memory_space<vmem>>, vector<16xf32>,
        tpu.vector_store %arg8[%swap3A_1173, %swap3A_1174], %add3A_1170 {strides = array<i32>} : memref<1024x64xf32, #tpu.memory_space<vmem>>, vector<16xf32>,
        %sub3A_1176 = vector.broadcast %squeeze3A_1120 : f32 to vector<16xf32>
        %sub3A_1177 = arith.subf %get3A_1142, %sub3A_1176 : vector<16xf32>
        %mul3A_1178 = vector.broadcast %squeeze3A_1122 : f32 to vector<16xf32>
        %mul3A_1179 = arith.mulf %sub3A_1177, %mul3A_1178 : vector<16xf32>
        %mul3A_1180 = arith.mulf %mul3A_1179, %get3A_7 : vector<16xf32>
        %add3A_1181 = arith.addf %mul3A_1180, %get3A_15 : vector<16xf32>
        %add3A_1182 = arith.constant 7 : i32
        %add3A_1183 = arith.addi %mul3A_645, %add3A_1182 : i32
        %swap3A_1184 = arith.index_cast %add3A_1183 : i32 to index
        %swap3A_1185 = arith.constant 48 : index
        %swap3A_1186 = tpu.vector_load %arg8[%swap3A_1184, %swap3A_1185] {strides = array<i32>} : memref<1024x64xf32, #tpu.memory_space<vmem>>, vector<16xf32>,
        tpu.vector_store %arg8[%swap3A_1184, %swap3A_1185], %add3A_1181 {strides = array<i32>} : memref<1024x64xf32, #tpu.memory_space<vmem>>, vector<16xf32>,
        %slice3A_1187 = vector.extract_strided_slice %mul3A_600 {offsets = [8], sizes = [1], strides = [1]} : vector<16xf32> to vector<1xf32>
        %squeeze3A_1188 = vector.extract %slice3A_1187[0] : f32 from vector<1xf32>
        %slice3A_1189 = vector.extract_strided_slice %mul3A_643 {offsets = [8], sizes = [1], strides = [1]} : vector<16xf32> to vector<1xf32>
        %squeeze3A_1190 = vector.extract %slice3A_1189[0] : f32 from vector<1xf32>
        %add3A_1191 = arith.constant 8 : i32
        %add3A_1192 = arith.addi %mul3A_645, %add3A_1191 : i32
        %get3A_1193 = arith.index_cast %add3A_1192 : i32 to index
        %get3A_1194 = arith.constant 0 : index
        %get3A_1195 = tpu.vector_load %arg8[%get3A_1193, %get3A_1194] {strides = array<i32>} : memref<1024x64xf32, #tpu.memory_space<vmem>>, vector<16xf32>,
        %add3A_1196 = arith.constant 8 : i32
        %add3A_1197 = arith.addi %mul3A_645, %add3A_1196 : i32
        %get3A_1198 = arith.index_cast %add3A_1197 : i32 to index
        %get3A_1199 = arith.constant 16 : index
        %get3A_1200 = tpu.vector_load %arg8[%get3A_1198, %get3A_1199] {strides = array<i32>} : memref<1024x64xf32, #tpu.memory_space<vmem>>, vector<16xf32>,
        %add3A_1201 = arith.constant 8 : i32
        %add3A_1202 = arith.addi %mul3A_645, %add3A_1201 : i32
        %get3A_1203 = arith.index_cast %add3A_1202 : i32 to index
        %get3A_1204 = arith.constant 32 : index
        %get3A_1205 = tpu.vector_load %arg8[%get3A_1203, %get3A_1204] {strides = array<i32>} : memref<1024x64xf32, #tpu.memory_space<vmem>>, vector<16xf32>,
        %add3A_1206 = arith.constant 8 : i32
        %add3A_1207 = arith.addi %mul3A_645, %add3A_1206 : i32
        %get3A_1208 = arith.index_cast %add3A_1207 : i32 to index
        %get3A_1209 = arith.constant 48 : index
        %get3A_1210 = tpu.vector_load %arg8[%get3A_1208, %get3A_1209] {strides = array<i32>} : memref<1024x64xf32, #tpu.memory_space<vmem>>, vector<16xf32>,
        %sub3A_1211 = vector.broadcast %squeeze3A_1188 : f32 to vector<16xf32>
        %sub3A_1212 = arith.subf %get3A_1195, %sub3A_1211 : vector<16xf32>
        %mul3A_1213 = vector.broadcast %squeeze3A_1190 : f32 to vector<16xf32>
        %mul3A_1214 = arith.mulf %sub3A_1212, %mul3A_1213 : vector<16xf32>
        %mul3A_1215 = arith.mulf %mul3A_1214, %get3A_1 : vector<16xf32>
        %add3A_1216 = arith.addf %mul3A_1215, %get3A_9 : vector<16xf32>
        %add3A_1217 = arith.constant 8 : i32
        %add3A_1218 = arith.addi %mul3A_645, %add3A_1217 : i32
        %swap3A_1219 = arith.index_cast %add3A_1218 : i32 to index
        %swap3A_1220 = arith.constant 0 : index
        %swap3A_1221 = tpu.vector_load %arg8[%swap3A_1219, %swap3A_1220] {strides = array<i32>} : memref<1024x64xf32, #tpu.memory_space<vmem>>, vector<16xf32>,
        tpu.vector_store %arg8[%swap3A_1219, %swap3A_1220], %add3A_1216 {strides = array<i32>} : memref<1024x64xf32, #tpu.memory_space<vmem>>, vector<16xf32>,
        %sub3A_1222 = vector.broadcast %squeeze3A_1188 : f32 to vector<16xf32>
        %sub3A_1223 = arith.subf %get3A_1200, %sub3A_1222 : vector<16xf32>
        %mul3A_1224 = vector.broadcast %squeeze3A_1190 : f32 to vector<16xf32>
        %mul3A_1225 = arith.mulf %sub3A_1223, %mul3A_1224 : vector<16xf32>
        %mul3A_1226 = arith.mulf %mul3A_1225, %get3A_3 : vector<16xf32>
        %add3A_1227 = arith.addf %mul3A_1226, %get3A_11 : vector<16xf32>
        %add3A_1228 = arith.constant 8 : i32
        %add3A_1229 = arith.addi %mul3A_645, %add3A_1228 : i32
        %swap3A_1230 = arith.index_cast %add3A_1229 : i32 to index
        %swap3A_1231 = arith.constant 16 : index
        %swap3A_1232 = tpu.vector_load %arg8[%swap3A_1230, %swap3A_1231] {strides = array<i32>} : memref<1024x64xf32, #tpu.memory_space<vmem>>, vector<16xf32>,
        tpu.vector_store %arg8[%swap3A_1230, %swap3A_1231], %add3A_1227 {strides = array<i32>} : memref<1024x64xf32, #tpu.memory_space<vmem>>, vector<16xf32>,
        %sub3A_1233 = vector.broadcast %squeeze3A_1188 : f32 to vector<16xf32>
        %sub3A_1234 = arith.subf %get3A_1205, %sub3A_1233 : vector<16xf32>
        %mul3A_1235 = vector.broadcast %squeeze3A_1190 : f32 to vector<16xf32>
        %mul3A_1236 = arith.mulf %sub3A_1234, %mul3A_1235 : vector<16xf32>
        %mul3A_1237 = arith.mulf %mul3A_1236, %get3A_5 : vector<16xf32>
        %add3A_1238 = arith.addf %mul3A_1237, %get3A_13 : vector<16xf32>
        %add3A_1239 = arith.constant 8 : i32
        %add3A_1240 = arith.addi %mul3A_645, %add3A_1239 : i32
        %swap3A_1241 = arith.index_cast %add3A_1240 : i32 to index
        %swap3A_1242 = arith.constant 32 : index
        %swap3A_1243 = tpu.vector_load %arg8[%swap3A_1241, %swap3A_1242] {strides = array<i32>} : memref<1024x64xf32, #tpu.memory_space<vmem>>, vector<16xf32>,
        tpu.vector_store %arg8[%swap3A_1241, %swap3A_1242], %add3A_1238 {strides = array<i32>} : memref<1024x64xf32, #tpu.memory_space<vmem>>, vector<16xf32>,
        %sub3A_1244 = vector.broadcast %squeeze3A_1188 : f32 to vector<16xf32>
        %sub3A_1245 = arith.subf %get3A_1210, %sub3A_1244 : vector<16xf32>
        %mul3A_1246 = vector.broadcast %squeeze3A_1190 : f32 to vector<16xf32>
        %mul3A_1247 = arith.mulf %sub3A_1245, %mul3A_1246 : vector<16xf32>
        %mul3A_1248 = arith.mulf %mul3A_1247, %get3A_7 : vector<16xf32>
        %add3A_1249 = arith.addf %mul3A_1248, %get3A_15 : vector<16xf32>
        %add3A_1250 = arith.constant 8 : i32
        %add3A_1251 = arith.addi %mul3A_645, %add3A_1250 : i32
        %swap3A_1252 = arith.index_cast %add3A_1251 : i32 to index
        %swap3A_1253 = arith.constant 48 : index
        %swap3A_1254 = tpu.vector_load %arg8[%swap3A_1252, %swap3A_1253] {strides = array<i32>} : memref<1024x64xf32, #tpu.memory_space<vmem>>, vector<16xf32>,
        tpu.vector_store %arg8[%swap3A_1252, %swap3A_1253], %add3A_1249 {strides = array<i32>} : memref<1024x64xf32, #tpu.memory_space<vmem>>, vector<16xf32>,
        %slice3A_1255 = vector.extract_strided_slice %mul3A_600 {offsets = [9], sizes = [1], strides = [1]} : vector<16xf32> to vector<1xf32>
        %squeeze3A_1256 = vector.extract %slice3A_1255[0] : f32 from vector<1xf32>
        %slice3A_1257 = vector.extract_strided_slice %mul3A_643 {offsets = [9], sizes = [1], strides = [1]} : vector<16xf32> to vector<1xf32>
        %squeeze3A_1258 = vector.extract %slice3A_1257[0] : f32 from vector<1xf32>
        %add3A_1259 = arith.constant 9 : i32
        %add3A_1260 = arith.addi %mul3A_645, %add3A_1259 : i32
        %get3A_1261 = arith.index_cast %add3A_1260 : i32 to index
        %get3A_1262 = arith.constant 0 : index
        %get3A_1263 = tpu.vector_load %arg8[%get3A_1261, %get3A_1262] {strides = array<i32>} : memref<1024x64xf32, #tpu.memory_space<vmem>>, vector<16xf32>,
        %add3A_1264 = arith.constant 9 : i32
        %add3A_1265 = arith.addi %mul3A_645, %add3A_1264 : i32
        %get3A_1266 = arith.index_cast %add3A_1265 : i32 to index
        %get3A_1267 = arith.constant 16 : index
        %get3A_1268 = tpu.vector_load %arg8[%get3A_1266, %get3A_1267] {strides = array<i32>} : memref<1024x64xf32, #tpu.memory_space<vmem>>, vector<16xf32>,
        %add3A_1269 = arith.constant 9 : i32
        %add3A_1270 = arith.addi %mul3A_645, %add3A_1269 : i32
        %get3A_1271 = arith.index_cast %add3A_1270 : i32 to index
        %get3A_1272 = arith.constant 32 : index
        %get3A_1273 = tpu.vector_load %arg8[%get3A_1271, %get3A_1272] {strides = array<i32>} : memref<1024x64xf32, #tpu.memory_space<vmem>>, vector<16xf32>,
        %add3A_1274 = arith.constant 9 : i32
        %add3A_1275 = arith.addi %mul3A_645, %add3A_1274 : i32
        %get3A_1276 = arith.index_cast %add3A_1275 : i32 to index
        %get3A_1277 = arith.constant 48 : index
        %get3A_1278 = tpu.vector_load %arg8[%get3A_1276, %get3A_1277] {strides = array<i32>} : memref<1024x64xf32, #tpu.memory_space<vmem>>, vector<16xf32>,
        %sub3A_1279 = vector.broadcast %squeeze3A_1256 : f32 to vector<16xf32>
        %sub3A_1280 = arith.subf %get3A_1263, %sub3A_1279 : vector<16xf32>
        %mul3A_1281 = vector.broadcast %squeeze3A_1258 : f32 to vector<16xf32>
        %mul3A_1282 = arith.mulf %sub3A_1280, %mul3A_1281 : vector<16xf32>
        %mul3A_1283 = arith.mulf %mul3A_1282, %get3A_1 : vector<16xf32>
        %add3A_1284 = arith.addf %mul3A_1283, %get3A_9 : vector<16xf32>
        %add3A_1285 = arith.constant 9 : i32
        %add3A_1286 = arith.addi %mul3A_645, %add3A_1285 : i32
        %swap3A_1287 = arith.index_cast %add3A_1286 : i32 to index
        %swap3A_1288 = arith.constant 0 : index
        %swap3A_1289 = tpu.vector_load %arg8[%swap3A_1287, %swap3A_1288] {strides = array<i32>} : memref<1024x64xf32, #tpu.memory_space<vmem>>, vector<16xf32>,
        tpu.vector_store %arg8[%swap3A_1287, %swap3A_1288], %add3A_1284 {strides = array<i32>} : memref<1024x64xf32, #tpu.memory_space<vmem>>, vector<16xf32>,
        %sub3A_1290 = vector.broadcast %squeeze3A_1256 : f32 to vector<16xf32>
        %sub3A_1291 = arith.subf %get3A_1268, %sub3A_1290 : vector<16xf32>
        %mul3A_1292 = vector.broadcast %squeeze3A_1258 : f32 to vector<16xf32>
        %mul3A_1293 = arith.mulf %sub3A_1291, %mul3A_1292 : vector<16xf32>
        %mul3A_1294 = arith.mulf %mul3A_1293, %get3A_3 : vector<16xf32>
        %add3A_1295 = arith.addf %mul3A_1294, %get3A_11 : vector<16xf32>
        %add3A_1296 = arith.constant 9 : i32
        %add3A_1297 = arith.addi %mul3A_645, %add3A_1296 : i32
        %swap3A_1298 = arith.index_cast %add3A_1297 : i32 to index
        %swap3A_1299 = arith.constant 16 : index
        %swap3A_1300 = tpu.vector_load %arg8[%swap3A_1298, %swap3A_1299] {strides = array<i32>} : memref<1024x64xf32, #tpu.memory_space<vmem>>, vector<16xf32>,
        tpu.vector_store %arg8[%swap3A_1298, %swap3A_1299], %add3A_1295 {strides = array<i32>} : memref<1024x64xf32, #tpu.memory_space<vmem>>, vector<16xf32>,
        %sub3A_1301 = vector.broadcast %squeeze3A_1256 : f32 to vector<16xf32>
        %sub3A_1302 = arith.subf %get3A_1273, %sub3A_1301 : vector<16xf32>
        %mul3A_1303 = vector.broadcast %squeeze3A_1258 : f32 to vector<16xf32>
        %mul3A_1304 = arith.mulf %sub3A_1302, %mul3A_1303 : vector<16xf32>
        %mul3A_1305 = arith.mulf %mul3A_1304, %get3A_5 : vector<16xf32>
        %add3A_1306 = arith.addf %mul3A_1305, %get3A_13 : vector<16xf32>
        %add3A_1307 = arith.constant 9 : i32
        %add3A_1308 = arith.addi %mul3A_645, %add3A_1307 : i32
        %swap3A_1309 = arith.index_cast %add3A_1308 : i32 to index
        %swap3A_1310 = arith.constant 32 : index
        %swap3A_1311 = tpu.vector_load %arg8[%swap3A_1309, %swap3A_1310] {strides = array<i32>} : memref<1024x64xf32, #tpu.memory_space<vmem>>, vector<16xf32>,
        tpu.vector_store %arg8[%swap3A_1309, %swap3A_1310], %add3A_1306 {strides = array<i32>} : memref<1024x64xf32, #tpu.memory_space<vmem>>, vector<16xf32>,
        %sub3A_1312 = vector.broadcast %squeeze3A_1256 : f32 to vector<16xf32>
        %sub3A_1313 = arith.subf %get3A_1278, %sub3A_1312 : vector<16xf32>
        %mul3A_1314 = vector.broadcast %squeeze3A_1258 : f32 to vector<16xf32>
        %mul3A_1315 = arith.mulf %sub3A_1313, %mul3A_1314 : vector<16xf32>
        %mul3A_1316 = arith.mulf %mul3A_1315, %get3A_7 : vector<16xf32>
        %add3A_1317 = arith.addf %mul3A_1316, %get3A_15 : vector<16xf32>
        %add3A_1318 = arith.constant 9 : i32
        %add3A_1319 = arith.addi %mul3A_645, %add3A_1318 : i32
        %swap3A_1320 = arith.index_cast %add3A_1319 : i32 to index
        %swap3A_1321 = arith.constant 48 : index
        %swap3A_1322 = tpu.vector_load %arg8[%swap3A_1320, %swap3A_1321] {strides = array<i32>} : memref<1024x64xf32, #tpu.memory_space<vmem>>, vector<16xf32>,
        tpu.vector_store %arg8[%swap3A_1320, %swap3A_1321], %add3A_1317 {strides = array<i32>} : memref<1024x64xf32, #tpu.memory_space<vmem>>, vector<16xf32>,
        %slice3A_1323 = vector.extract_strided_slice %mul3A_600 {offsets = [10], sizes = [1], strides = [1]} : vector<16xf32> to vector<1xf32>
        %squeeze3A_1324 = vector.extract %slice3A_1323[0] : f32 from vector<1xf32>
        %slice3A_1325 = vector.extract_strided_slice %mul3A_643 {offsets = [10], sizes = [1], strides = [1]} : vector<16xf32> to vector<1xf32>
        %squeeze3A_1326 = vector.extract %slice3A_1325[0] : f32 from vector<1xf32>
        %add3A_1327 = arith.constant 10 : i32
        %add3A_1328 = arith.addi %mul3A_645, %add3A_1327 : i32
        %get3A_1329 = arith.index_cast %add3A_1328 : i32 to index
        %get3A_1330 = arith.constant 0 : index
        %get3A_1331 = tpu.vector_load %arg8[%get3A_1329, %get3A_1330] {strides = array<i32>} : memref<1024x64xf32, #tpu.memory_space<vmem>>, vector<16xf32>,
        %add3A_1332 = arith.constant 10 : i32
        %add3A_1333 = arith.addi %mul3A_645, %add3A_1332 : i32
        %get3A_1334 = arith.index_cast %add3A_1333 : i32 to index
        %get3A_1335 = arith.constant 16 : index
        %get3A_1336 = tpu.vector_load %arg8[%get3A_1334, %get3A_1335] {strides = array<i32>} : memref<1024x64xf32, #tpu.memory_space<vmem>>, vector<16xf32>,
        %add3A_1337 = arith.constant 10 : i32
        %add3A_1338 = arith.addi %mul3A_645, %add3A_1337 : i32
        %get3A_1339 = arith.index_cast %add3A_1338 : i32 to index
        %get3A_1340 = arith.constant 32 : index
        %get3A_1341 = tpu.vector_load %arg8[%get3A_1339, %get3A_1340] {strides = array<i32>} : memref<1024x64xf32, #tpu.memory_space<vmem>>, vector<16xf32>,
        %add3A_1342 = arith.constant 10 : i32
        %add3A_1343 = arith.addi %mul3A_645, %add3A_1342 : i32
        %get3A_1344 = arith.index_cast %add3A_1343 : i32 to index
        %get3A_1345 = arith.constant 48 : index
        %get3A_1346 = tpu.vector_load %arg8[%get3A_1344, %get3A_1345] {strides = array<i32>} : memref<1024x64xf32, #tpu.memory_space<vmem>>, vector<16xf32>,
        %sub3A_1347 = vector.broadcast %squeeze3A_1324 : f32 to vector<16xf32>
        %sub3A_1348 = arith.subf %get3A_1331, %sub3A_1347 : vector<16xf32>
        %mul3A_1349 = vector.broadcast %squeeze3A_1326 : f32 to vector<16xf32>
        %mul3A_1350 = arith.mulf %sub3A_1348, %mul3A_1349 : vector<16xf32>
        %mul3A_1351 = arith.mulf %mul3A_1350, %get3A_1 : vector<16xf32>
        %add3A_1352 = arith.addf %mul3A_1351, %get3A_9 : vector<16xf32>
        %add3A_1353 = arith.constant 10 : i32
        %add3A_1354 = arith.addi %mul3A_645, %add3A_1353 : i32
        %swap3A_1355 = arith.index_cast %add3A_1354 : i32 to index
        %swap3A_1356 = arith.constant 0 : index
        %swap3A_1357 = tpu.vector_load %arg8[%swap3A_1355, %swap3A_1356] {strides = array<i32>} : memref<1024x64xf32, #tpu.memory_space<vmem>>, vector<16xf32>,
        tpu.vector_store %arg8[%swap3A_1355, %swap3A_1356], %add3A_1352 {strides = array<i32>} : memref<1024x64xf32, #tpu.memory_space<vmem>>, vector<16xf32>,
        %sub3A_1358 = vector.broadcast %squeeze3A_1324 : f32 to vector<16xf32>
        %sub3A_1359 = arith.subf %get3A_1336, %sub3A_1358 : vector<16xf32>
        %mul3A_1360 = vector.broadcast %squeeze3A_1326 : f32 to vector<16xf32>
        %mul3A_1361 = arith.mulf %sub3A_1359, %mul3A_1360 : vector<16xf32>
        %mul3A_1362 = arith.mulf %mul3A_1361, %get3A_3 : vector<16xf32>
        %add3A_1363 = arith.addf %mul3A_1362, %get3A_11 : vector<16xf32>
        %add3A_1364 = arith.constant 10 : i32
        %add3A_1365 = arith.addi %mul3A_645, %add3A_1364 : i32
        %swap3A_1366 = arith.index_cast %add3A_1365 : i32 to index
        %swap3A_1367 = arith.constant 16 : index
        %swap3A_1368 = tpu.vector_load %arg8[%swap3A_1366, %swap3A_1367] {strides = array<i32>} : memref<1024x64xf32, #tpu.memory_space<vmem>>, vector<16xf32>,
        tpu.vector_store %arg8[%swap3A_1366, %swap3A_1367], %add3A_1363 {strides = array<i32>} : memref<1024x64xf32, #tpu.memory_space<vmem>>, vector<16xf32>,
        %sub3A_1369 = vector.broadcast %squeeze3A_1324 : f32 to vector<16xf32>
        %sub3A_1370 = arith.subf %get3A_1341, %sub3A_1369 : vector<16xf32>
        %mul3A_1371 = vector.broadcast %squeeze3A_1326 : f32 to vector<16xf32>
        %mul3A_1372 = arith.mulf %sub3A_1370, %mul3A_1371 : vector<16xf32>
        %mul3A_1373 = arith.mulf %mul3A_1372, %get3A_5 : vector<16xf32>
        %add3A_1374 = arith.addf %mul3A_1373, %get3A_13 : vector<16xf32>
        %add3A_1375 = arith.constant 10 : i32
        %add3A_1376 = arith.addi %mul3A_645, %add3A_1375 : i32
        %swap3A_1377 = arith.index_cast %add3A_1376 : i32 to index
        %swap3A_1378 = arith.constant 32 : index
        %swap3A_1379 = tpu.vector_load %arg8[%swap3A_1377, %swap3A_1378] {strides = array<i32>} : memref<1024x64xf32, #tpu.memory_space<vmem>>, vector<16xf32>,
        tpu.vector_store %arg8[%swap3A_1377, %swap3A_1378], %add3A_1374 {strides = array<i32>} : memref<1024x64xf32, #tpu.memory_space<vmem>>, vector<16xf32>,
        %sub3A_1380 = vector.broadcast %squeeze3A_1324 : f32 to vector<16xf32>
        %sub3A_1381 = arith.subf %get3A_1346, %sub3A_1380 : vector<16xf32>
        %mul3A_1382 = vector.broadcast %squeeze3A_1326 : f32 to vector<16xf32>
        %mul3A_1383 = arith.mulf %sub3A_1381, %mul3A_1382 : vector<16xf32>
        %mul3A_1384 = arith.mulf %mul3A_1383, %get3A_7 : vector<16xf32>
        %add3A_1385 = arith.addf %mul3A_1384, %get3A_15 : vector<16xf32>
        %add3A_1386 = arith.constant 10 : i32
        %add3A_1387 = arith.addi %mul3A_645, %add3A_1386 : i32
        %swap3A_1388 = arith.index_cast %add3A_1387 : i32 to index
        %swap3A_1389 = arith.constant 48 : index
        %swap3A_1390 = tpu.vector_load %arg8[%swap3A_1388, %swap3A_1389] {strides = array<i32>} : memref<1024x64xf32, #tpu.memory_space<vmem>>, vector<16xf32>,
        tpu.vector_store %arg8[%swap3A_1388, %swap3A_1389], %add3A_1385 {strides = array<i32>} : memref<1024x64xf32, #tpu.memory_space<vmem>>, vector<16xf32>,
        %slice3A_1391 = vector.extract_strided_slice %mul3A_600 {offsets = [11], sizes = [1], strides = [1]} : vector<16xf32> to vector<1xf32>
        %squeeze3A_1392 = vector.extract %slice3A_1391[0] : f32 from vector<1xf32>
        %slice3A_1393 = vector.extract_strided_slice %mul3A_643 {offsets = [11], sizes = [1], strides = [1]} : vector<16xf32> to vector<1xf32>
        %squeeze3A_1394 = vector.extract %slice3A_1393[0] : f32 from vector<1xf32>
        %add3A_1395 = arith.constant 11 : i32
        %add3A_1396 = arith.addi %mul3A_645, %add3A_1395 : i32
        %get3A_1397 = arith.index_cast %add3A_1396 : i32 to index
        %get3A_1398 = arith.constant 0 : index
        %get3A_1399 = tpu.vector_load %arg8[%get3A_1397, %get3A_1398] {strides = array<i32>} : memref<1024x64xf32, #tpu.memory_space<vmem>>, vector<16xf32>,
        %add3A_1400 = arith.constant 11 : i32
        %add3A_1401 = arith.addi %mul3A_645, %add3A_1400 : i32
        %get3A_1402 = arith.index_cast %add3A_1401 : i32 to index
        %get3A_1403 = arith.constant 16 : index
        %get3A_1404 = tpu.vector_load %arg8[%get3A_1402, %get3A_1403] {strides = array<i32>} : memref<1024x64xf32, #tpu.memory_space<vmem>>, vector<16xf32>,
        %add3A_1405 = arith.constant 11 : i32
        %add3A_1406 = arith.addi %mul3A_645, %add3A_1405 : i32
        %get3A_1407 = arith.index_cast %add3A_1406 : i32 to index
        %get3A_1408 = arith.constant 32 : index
        %get3A_1409 = tpu.vector_load %arg8[%get3A_1407, %get3A_1408] {strides = array<i32>} : memref<1024x64xf32, #tpu.memory_space<vmem>>, vector<16xf32>,
        %add3A_1410 = arith.constant 11 : i32
        %add3A_1411 = arith.addi %mul3A_645, %add3A_1410 : i32
        %get3A_1412 = arith.index_cast %add3A_1411 : i32 to index
        %get3A_1413 = arith.constant 48 : index
        %get3A_1414 = tpu.vector_load %arg8[%get3A_1412, %get3A_1413] {strides = array<i32>} : memref<1024x64xf32, #tpu.memory_space<vmem>>, vector<16xf32>,
        %sub3A_1415 = vector.broadcast %squeeze3A_1392 : f32 to vector<16xf32>
        %sub3A_1416 = arith.subf %get3A_1399, %sub3A_1415 : vector<16xf32>
        %mul3A_1417 = vector.broadcast %squeeze3A_1394 : f32 to vector<16xf32>
        %mul3A_1418 = arith.mulf %sub3A_1416, %mul3A_1417 : vector<16xf32>
        %mul3A_1419 = arith.mulf %mul3A_1418, %get3A_1 : vector<16xf32>
        %add3A_1420 = arith.addf %mul3A_1419, %get3A_9 : vector<16xf32>
        %add3A_1421 = arith.constant 11 : i32
        %add3A_1422 = arith.addi %mul3A_645, %add3A_1421 : i32
        %swap3A_1423 = arith.index_cast %add3A_1422 : i32 to index
        %swap3A_1424 = arith.constant 0 : index
        %swap3A_1425 = tpu.vector_load %arg8[%swap3A_1423, %swap3A_1424] {strides = array<i32>} : memref<1024x64xf32, #tpu.memory_space<vmem>>, vector<16xf32>,
        tpu.vector_store %arg8[%swap3A_1423, %swap3A_1424], %add3A_1420 {strides = array<i32>} : memref<1024x64xf32, #tpu.memory_space<vmem>>, vector<16xf32>,
        %sub3A_1426 = vector.broadcast %squeeze3A_1392 : f32 to vector<16xf32>
        %sub3A_1427 = arith.subf %get3A_1404, %sub3A_1426 : vector<16xf32>
        %mul3A_1428 = vector.broadcast %squeeze3A_1394 : f32 to vector<16xf32>
        %mul3A_1429 = arith.mulf %sub3A_1427, %mul3A_1428 : vector<16xf32>
        %mul3A_1430 = arith.mulf %mul3A_1429, %get3A_3 : vector<16xf32>
        %add3A_1431 = arith.addf %mul3A_1430, %get3A_11 : vector<16xf32>
        %add3A_1432 = arith.constant 11 : i32
        %add3A_1433 = arith.addi %mul3A_645, %add3A_1432 : i32
        %swap3A_1434 = arith.index_cast %add3A_1433 : i32 to index
        %swap3A_1435 = arith.constant 16 : index
        %swap3A_1436 = tpu.vector_load %arg8[%swap3A_1434, %swap3A_1435] {strides = array<i32>} : memref<1024x64xf32, #tpu.memory_space<vmem>>, vector<16xf32>,
        tpu.vector_store %arg8[%swap3A_1434, %swap3A_1435], %add3A_1431 {strides = array<i32>} : memref<1024x64xf32, #tpu.memory_space<vmem>>, vector<16xf32>,
        %sub3A_1437 = vector.broadcast %squeeze3A_1392 : f32 to vector<16xf32>
        %sub3A_1438 = arith.subf %get3A_1409, %sub3A_1437 : vector<16xf32>
        %mul3A_1439 = vector.broadcast %squeeze3A_1394 : f32 to vector<16xf32>
        %mul3A_1440 = arith.mulf %sub3A_1438, %mul3A_1439 : vector<16xf32>
        %mul3A_1441 = arith.mulf %mul3A_1440, %get3A_5 : vector<16xf32>
        %add3A_1442 = arith.addf %mul3A_1441, %get3A_13 : vector<16xf32>
        %add3A_1443 = arith.constant 11 : i32
        %add3A_1444 = arith.addi %mul3A_645, %add3A_1443 : i32
        %swap3A_1445 = arith.index_cast %add3A_1444 : i32 to index
        %swap3A_1446 = arith.constant 32 : index
        %swap3A_1447 = tpu.vector_load %arg8[%swap3A_1445, %swap3A_1446] {strides = array<i32>} : memref<1024x64xf32, #tpu.memory_space<vmem>>, vector<16xf32>,
        tpu.vector_store %arg8[%swap3A_1445, %swap3A_1446], %add3A_1442 {strides = array<i32>} : memref<1024x64xf32, #tpu.memory_space<vmem>>, vector<16xf32>,
        %sub3A_1448 = vector.broadcast %squeeze3A_1392 : f32 to vector<16xf32>
        %sub3A_1449 = arith.subf %get3A_1414, %sub3A_1448 : vector<16xf32>
        %mul3A_1450 = vector.broadcast %squeeze3A_1394 : f32 to vector<16xf32>
        %mul3A_1451 = arith.mulf %sub3A_1449, %mul3A_1450 : vector<16xf32>
        %mul3A_1452 = arith.mulf %mul3A_1451, %get3A_7 : vector<16xf32>
        %add3A_1453 = arith.addf %mul3A_1452, %get3A_15 : vector<16xf32>
        %add3A_1454 = arith.constant 11 : i32
        %add3A_1455 = arith.addi %mul3A_645, %add3A_1454 : i32
        %swap3A_1456 = arith.index_cast %add3A_1455 : i32 to index
        %swap3A_1457 = arith.constant 48 : index
        %swap3A_1458 = tpu.vector_load %arg8[%swap3A_1456, %swap3A_1457] {strides = array<i32>} : memref<1024x64xf32, #tpu.memory_space<vmem>>, vector<16xf32>,
        tpu.vector_store %arg8[%swap3A_1456, %swap3A_1457], %add3A_1453 {strides = array<i32>} : memref<1024x64xf32, #tpu.memory_space<vmem>>, vector<16xf32>,
        %slice3A_1459 = vector.extract_strided_slice %mul3A_600 {offsets = [12], sizes = [1], strides = [1]} : vector<16xf32> to vector<1xf32>
        %squeeze3A_1460 = vector.extract %slice3A_1459[0] : f32 from vector<1xf32>
        %slice3A_1461 = vector.extract_strided_slice %mul3A_643 {offsets = [12], sizes = [1], strides = [1]} : vector<16xf32> to vector<1xf32>
        %squeeze3A_1462 = vector.extract %slice3A_1461[0] : f32 from vector<1xf32>
        %add3A_1463 = arith.constant 12 : i32
        %add3A_1464 = arith.addi %mul3A_645, %add3A_1463 : i32
        %get3A_1465 = arith.index_cast %add3A_1464 : i32 to index
        %get3A_1466 = arith.constant 0 : index
        %get3A_1467 = tpu.vector_load %arg8[%get3A_1465, %get3A_1466] {strides = array<i32>} : memref<1024x64xf32, #tpu.memory_space<vmem>>, vector<16xf32>,
        %add3A_1468 = arith.constant 12 : i32
        %add3A_1469 = arith.addi %mul3A_645, %add3A_1468 : i32
        %get3A_1470 = arith.index_cast %add3A_1469 : i32 to index
        %get3A_1471 = arith.constant 16 : index
        %get3A_1472 = tpu.vector_load %arg8[%get3A_1470, %get3A_1471] {strides = array<i32>} : memref<1024x64xf32, #tpu.memory_space<vmem>>, vector<16xf32>,
        %add3A_1473 = arith.constant 12 : i32
        %add3A_1474 = arith.addi %mul3A_645, %add3A_1473 : i32
        %get3A_1475 = arith.index_cast %add3A_1474 : i32 to index
        %get3A_1476 = arith.constant 32 : index
        %get3A_1477 = tpu.vector_load %arg8[%get3A_1475, %get3A_1476] {strides = array<i32>} : memref<1024x64xf32, #tpu.memory_space<vmem>>, vector<16xf32>,
        %add3A_1478 = arith.constant 12 : i32
        %add3A_1479 = arith.addi %mul3A_645, %add3A_1478 : i32
        %get3A_1480 = arith.index_cast %add3A_1479 : i32 to index
        %get3A_1481 = arith.constant 48 : index
        %get3A_1482 = tpu.vector_load %arg8[%get3A_1480, %get3A_1481] {strides = array<i32>} : memref<1024x64xf32, #tpu.memory_space<vmem>>, vector<16xf32>,
        %sub3A_1483 = vector.broadcast %squeeze3A_1460 : f32 to vector<16xf32>
        %sub3A_1484 = arith.subf %get3A_1467, %sub3A_1483 : vector<16xf32>
        %mul3A_1485 = vector.broadcast %squeeze3A_1462 : f32 to vector<16xf32>
        %mul3A_1486 = arith.mulf %sub3A_1484, %mul3A_1485 : vector<16xf32>
        %mul3A_1487 = arith.mulf %mul3A_1486, %get3A_1 : vector<16xf32>
        %add3A_1488 = arith.addf %mul3A_1487, %get3A_9 : vector<16xf32>
        %add3A_1489 = arith.constant 12 : i32
        %add3A_1490 = arith.addi %mul3A_645, %add3A_1489 : i32
        %swap3A_1491 = arith.index_cast %add3A_1490 : i32 to index
        %swap3A_1492 = arith.constant 0 : index
        %swap3A_1493 = tpu.vector_load %arg8[%swap3A_1491, %swap3A_1492] {strides = array<i32>} : memref<1024x64xf32, #tpu.memory_space<vmem>>, vector<16xf32>,
        tpu.vector_store %arg8[%swap3A_1491, %swap3A_1492], %add3A_1488 {strides = array<i32>} : memref<1024x64xf32, #tpu.memory_space<vmem>>, vector<16xf32>,
        %sub3A_1494 = vector.broadcast %squeeze3A_1460 : f32 to vector<16xf32>
        %sub3A_1495 = arith.subf %get3A_1472, %sub3A_1494 : vector<16xf32>
        %mul3A_1496 = vector.broadcast %squeeze3A_1462 : f32 to vector<16xf32>
        %mul3A_1497 = arith.mulf %sub3A_1495, %mul3A_1496 : vector<16xf32>
        %mul3A_1498 = arith.mulf %mul3A_1497, %get3A_3 : vector<16xf32>
        %add3A_1499 = arith.addf %mul3A_1498, %get3A_11 : vector<16xf32>
        %add3A_1500 = arith.constant 12 : i32
        %add3A_1501 = arith.addi %mul3A_645, %add3A_1500 : i32
        %swap3A_1502 = arith.index_cast %add3A_1501 : i32 to index
        %swap3A_1503 = arith.constant 16 : index
        %swap3A_1504 = tpu.vector_load %arg8[%swap3A_1502, %swap3A_1503] {strides = array<i32>} : memref<1024x64xf32, #tpu.memory_space<vmem>>, vector<16xf32>,
        tpu.vector_store %arg8[%swap3A_1502, %swap3A_1503], %add3A_1499 {strides = array<i32>} : memref<1024x64xf32, #tpu.memory_space<vmem>>, vector<16xf32>,
        %sub3A_1505 = vector.broadcast %squeeze3A_1460 : f32 to vector<16xf32>
        %sub3A_1506 = arith.subf %get3A_1477, %sub3A_1505 : vector<16xf32>
        %mul3A_1507 = vector.broadcast %squeeze3A_1462 : f32 to vector<16xf32>
        %mul3A_1508 = arith.mulf %sub3A_1506, %mul3A_1507 : vector<16xf32>
        %mul3A_1509 = arith.mulf %mul3A_1508, %get3A_5 : vector<16xf32>
        %add3A_1510 = arith.addf %mul3A_1509, %get3A_13 : vector<16xf32>
        %add3A_1511 = arith.constant 12 : i32
        %add3A_1512 = arith.addi %mul3A_645, %add3A_1511 : i32
        %swap3A_1513 = arith.index_cast %add3A_1512 : i32 to index
        %swap3A_1514 = arith.constant 32 : index
        %swap3A_1515 = tpu.vector_load %arg8[%swap3A_1513, %swap3A_1514] {strides = array<i32>} : memref<1024x64xf32, #tpu.memory_space<vmem>>, vector<16xf32>,
        tpu.vector_store %arg8[%swap3A_1513, %swap3A_1514], %add3A_1510 {strides = array<i32>} : memref<1024x64xf32, #tpu.memory_space<vmem>>, vector<16xf32>,
        %sub3A_1516 = vector.broadcast %squeeze3A_1460 : f32 to vector<16xf32>
        %sub3A_1517 = arith.subf %get3A_1482, %sub3A_1516 : vector<16xf32>
        %mul3A_1518 = vector.broadcast %squeeze3A_1462 : f32 to vector<16xf32>
        %mul3A_1519 = arith.mulf %sub3A_1517, %mul3A_1518 : vector<16xf32>
        %mul3A_1520 = arith.mulf %mul3A_1519, %get3A_7 : vector<16xf32>
        %add3A_1521 = arith.addf %mul3A_1520, %get3A_15 : vector<16xf32>
        %add3A_1522 = arith.constant 12 : i32
        %add3A_1523 = arith.addi %mul3A_645, %add3A_1522 : i32
        %swap3A_1524 = arith.index_cast %add3A_1523 : i32 to index
        %swap3A_1525 = arith.constant 48 : index
        %swap3A_1526 = tpu.vector_load %arg8[%swap3A_1524, %swap3A_1525] {strides = array<i32>} : memref<1024x64xf32, #tpu.memory_space<vmem>>, vector<16xf32>,
        tpu.vector_store %arg8[%swap3A_1524, %swap3A_1525], %add3A_1521 {strides = array<i32>} : memref<1024x64xf32, #tpu.memory_space<vmem>>, vector<16xf32>,
        %slice3A_1527 = vector.extract_strided_slice %mul3A_600 {offsets = [13], sizes = [1], strides = [1]} : vector<16xf32> to vector<1xf32>
        %squeeze3A_1528 = vector.extract %slice3A_1527[0] : f32 from vector<1xf32>
        %slice3A_1529 = vector.extract_strided_slice %mul3A_643 {offsets = [13], sizes = [1], strides = [1]} : vector<16xf32> to vector<1xf32>
        %squeeze3A_1530 = vector.extract %slice3A_1529[0] : f32 from vector<1xf32>
        %add3A_1531 = arith.constant 13 : i32
        %add3A_1532 = arith.addi %mul3A_645, %add3A_1531 : i32
        %get3A_1533 = arith.index_cast %add3A_1532 : i32 to index
        %get3A_1534 = arith.constant 0 : index
        %get3A_1535 = tpu.vector_load %arg8[%get3A_1533, %get3A_1534] {strides = array<i32>} : memref<1024x64xf32, #tpu.memory_space<vmem>>, vector<16xf32>,
        %add3A_1536 = arith.constant 13 : i32
        %add3A_1537 = arith.addi %mul3A_645, %add3A_1536 : i32
        %get3A_1538 = arith.index_cast %add3A_1537 : i32 to index
        %get3A_1539 = arith.constant 16 : index
        %get3A_1540 = tpu.vector_load %arg8[%get3A_1538, %get3A_1539] {strides = array<i32>} : memref<1024x64xf32, #tpu.memory_space<vmem>>, vector<16xf32>,
        %add3A_1541 = arith.constant 13 : i32
        %add3A_1542 = arith.addi %mul3A_645, %add3A_1541 : i32
        %get3A_1543 = arith.index_cast %add3A_1542 : i32 to index
        %get3A_1544 = arith.constant 32 : index
        %get3A_1545 = tpu.vector_load %arg8[%get3A_1543, %get3A_1544] {strides = array<i32>} : memref<1024x64xf32, #tpu.memory_space<vmem>>, vector<16xf32>,
        %add3A_1546 = arith.constant 13 : i32
        %add3A_1547 = arith.addi %mul3A_645, %add3A_1546 : i32
        %get3A_1548 = arith.index_cast %add3A_1547 : i32 to index
        %get3A_1549 = arith.constant 48 : index
        %get3A_1550 = tpu.vector_load %arg8[%get3A_1548, %get3A_1549] {strides = array<i32>} : memref<1024x64xf32, #tpu.memory_space<vmem>>, vector<16xf32>,
        %sub3A_1551 = vector.broadcast %squeeze3A_1528 : f32 to vector<16xf32>
        %sub3A_1552 = arith.subf %get3A_1535, %sub3A_1551 : vector<16xf32>
        %mul3A_1553 = vector.broadcast %squeeze3A_1530 : f32 to vector<16xf32>
        %mul3A_1554 = arith.mulf %sub3A_1552, %mul3A_1553 : vector<16xf32>
        %mul3A_1555 = arith.mulf %mul3A_1554, %get3A_1 : vector<16xf32>
        %add3A_1556 = arith.addf %mul3A_1555, %get3A_9 : vector<16xf32>
        %add3A_1557 = arith.constant 13 : i32
        %add3A_1558 = arith.addi %mul3A_645, %add3A_1557 : i32
        %swap3A_1559 = arith.index_cast %add3A_1558 : i32 to index
        %swap3A_1560 = arith.constant 0 : index
        %swap3A_1561 = tpu.vector_load %arg8[%swap3A_1559, %swap3A_1560] {strides = array<i32>} : memref<1024x64xf32, #tpu.memory_space<vmem>>, vector<16xf32>,
        tpu.vector_store %arg8[%swap3A_1559, %swap3A_1560], %add3A_1556 {strides = array<i32>} : memref<1024x64xf32, #tpu.memory_space<vmem>>, vector<16xf32>,
        %sub3A_1562 = vector.broadcast %squeeze3A_1528 : f32 to vector<16xf32>
        %sub3A_1563 = arith.subf %get3A_1540, %sub3A_1562 : vector<16xf32>
        %mul3A_1564 = vector.broadcast %squeeze3A_1530 : f32 to vector<16xf32>
        %mul3A_1565 = arith.mulf %sub3A_1563, %mul3A_1564 : vector<16xf32>
        %mul3A_1566 = arith.mulf %mul3A_1565, %get3A_3 : vector<16xf32>
        %add3A_1567 = arith.addf %mul3A_1566, %get3A_11 : vector<16xf32>
        %add3A_1568 = arith.constant 13 : i32
        %add3A_1569 = arith.addi %mul3A_645, %add3A_1568 : i32
        %swap3A_1570 = arith.index_cast %add3A_1569 : i32 to index
        %swap3A_1571 = arith.constant 16 : index
        %swap3A_1572 = tpu.vector_load %arg8[%swap3A_1570, %swap3A_1571] {strides = array<i32>} : memref<1024x64xf32, #tpu.memory_space<vmem>>, vector<16xf32>,
        tpu.vector_store %arg8[%swap3A_1570, %swap3A_1571], %add3A_1567 {strides = array<i32>} : memref<1024x64xf32, #tpu.memory_space<vmem>>, vector<16xf32>,
        %sub3A_1573 = vector.broadcast %squeeze3A_1528 : f32 to vector<16xf32>
        %sub3A_1574 = arith.subf %get3A_1545, %sub3A_1573 : vector<16xf32>
        %mul3A_1575 = vector.broadcast %squeeze3A_1530 : f32 to vector<16xf32>
        %mul3A_1576 = arith.mulf %sub3A_1574, %mul3A_1575 : vector<16xf32>
        %mul3A_1577 = arith.mulf %mul3A_1576, %get3A_5 : vector<16xf32>
        %add3A_1578 = arith.addf %mul3A_1577, %get3A_13 : vector<16xf32>
        %add3A_1579 = arith.constant 13 : i32
        %add3A_1580 = arith.addi %mul3A_645, %add3A_1579 : i32
        %swap3A_1581 = arith.index_cast %add3A_1580 : i32 to index
        %swap3A_1582 = arith.constant 32 : index
        %swap3A_1583 = tpu.vector_load %arg8[%swap3A_1581, %swap3A_1582] {strides = array<i32>} : memref<1024x64xf32, #tpu.memory_space<vmem>>, vector<16xf32>,
        tpu.vector_store %arg8[%swap3A_1581, %swap3A_1582], %add3A_1578 {strides = array<i32>} : memref<1024x64xf32, #tpu.memory_space<vmem>>, vector<16xf32>,
        %sub3A_1584 = vector.broadcast %squeeze3A_1528 : f32 to vector<16xf32>
        %sub3A_1585 = arith.subf %get3A_1550, %sub3A_1584 : vector<16xf32>
        %mul3A_1586 = vector.broadcast %squeeze3A_1530 : f32 to vector<16xf32>
        %mul3A_1587 = arith.mulf %sub3A_1585, %mul3A_1586 : vector<16xf32>
        %mul3A_1588 = arith.mulf %mul3A_1587, %get3A_7 : vector<16xf32>
        %add3A_1589 = arith.addf %mul3A_1588, %get3A_15 : vector<16xf32>
        %add3A_1590 = arith.constant 13 : i32
        %add3A_1591 = arith.addi %mul3A_645, %add3A_1590 : i32
        %swap3A_1592 = arith.index_cast %add3A_1591 : i32 to index
        %swap3A_1593 = arith.constant 48 : index
        %swap3A_1594 = tpu.vector_load %arg8[%swap3A_1592, %swap3A_1593] {strides = array<i32>} : memref<1024x64xf32, #tpu.memory_space<vmem>>, vector<16xf32>,
        tpu.vector_store %arg8[%swap3A_1592, %swap3A_1593], %add3A_1589 {strides = array<i32>} : memref<1024x64xf32, #tpu.memory_space<vmem>>, vector<16xf32>,
        %slice3A_1595 = vector.extract_strided_slice %mul3A_600 {offsets = [14], sizes = [1], strides = [1]} : vector<16xf32> to vector<1xf32>
        %squeeze3A_1596 = vector.extract %slice3A_1595[0] : f32 from vector<1xf32>
        %slice3A_1597 = vector.extract_strided_slice %mul3A_643 {offsets = [14], sizes = [1], strides = [1]} : vector<16xf32> to vector<1xf32>
        %squeeze3A_1598 = vector.extract %slice3A_1597[0] : f32 from vector<1xf32>
        %add3A_1599 = arith.constant 14 : i32
        %add3A_1600 = arith.addi %mul3A_645, %add3A_1599 : i32
        %get3A_1601 = arith.index_cast %add3A_1600 : i32 to index
        %get3A_1602 = arith.constant 0 : index
        %get3A_1603 = tpu.vector_load %arg8[%get3A_1601, %get3A_1602] {strides = array<i32>} : memref<1024x64xf32, #tpu.memory_space<vmem>>, vector<16xf32>,
        %add3A_1604 = arith.constant 14 : i32
        %add3A_1605 = arith.addi %mul3A_645, %add3A_1604 : i32
        %get3A_1606 = arith.index_cast %add3A_1605 : i32 to index
        %get3A_1607 = arith.constant 16 : index
        %get3A_1608 = tpu.vector_load %arg8[%get3A_1606, %get3A_1607] {strides = array<i32>} : memref<1024x64xf32, #tpu.memory_space<vmem>>, vector<16xf32>,
        %add3A_1609 = arith.constant 14 : i32
        %add3A_1610 = arith.addi %mul3A_645, %add3A_1609 : i32
        %get3A_1611 = arith.index_cast %add3A_1610 : i32 to index
        %get3A_1612 = arith.constant 32 : index
        %get3A_1613 = tpu.vector_load %arg8[%get3A_1611, %get3A_1612] {strides = array<i32>} : memref<1024x64xf32, #tpu.memory_space<vmem>>, vector<16xf32>,
        %add3A_1614 = arith.constant 14 : i32
        %add3A_1615 = arith.addi %mul3A_645, %add3A_1614 : i32
        %get3A_1616 = arith.index_cast %add3A_1615 : i32 to index
        %get3A_1617 = arith.constant 48 : index
        %get3A_1618 = tpu.vector_load %arg8[%get3A_1616, %get3A_1617] {strides = array<i32>} : memref<1024x64xf32, #tpu.memory_space<vmem>>, vector<16xf32>,
        %sub3A_1619 = vector.broadcast %squeeze3A_1596 : f32 to vector<16xf32>
        %sub3A_1620 = arith.subf %get3A_1603, %sub3A_1619 : vector<16xf32>
        %mul3A_1621 = vector.broadcast %squeeze3A_1598 : f32 to vector<16xf32>
        %mul3A_1622 = arith.mulf %sub3A_1620, %mul3A_1621 : vector<16xf32>
        %mul3A_1623 = arith.mulf %mul3A_1622, %get3A_1 : vector<16xf32>
        %add3A_1624 = arith.addf %mul3A_1623, %get3A_9 : vector<16xf32>
        %add3A_1625 = arith.constant 14 : i32
        %add3A_1626 = arith.addi %mul3A_645, %add3A_1625 : i32
        %swap3A_1627 = arith.index_cast %add3A_1626 : i32 to index
        %swap3A_1628 = arith.constant 0 : index
        %swap3A_1629 = tpu.vector_load %arg8[%swap3A_1627, %swap3A_1628] {strides = array<i32>} : memref<1024x64xf32, #tpu.memory_space<vmem>>, vector<16xf32>,
        tpu.vector_store %arg8[%swap3A_1627, %swap3A_1628], %add3A_1624 {strides = array<i32>} : memref<1024x64xf32, #tpu.memory_space<vmem>>, vector<16xf32>,
        %sub3A_1630 = vector.broadcast %squeeze3A_1596 : f32 to vector<16xf32>
        %sub3A_1631 = arith.subf %get3A_1608, %sub3A_1630 : vector<16xf32>
        %mul3A_1632 = vector.broadcast %squeeze3A_1598 : f32 to vector<16xf32>
        %mul3A_1633 = arith.mulf %sub3A_1631, %mul3A_1632 : vector<16xf32>
        %mul3A_1634 = arith.mulf %mul3A_1633, %get3A_3 : vector<16xf32>
        %add3A_1635 = arith.addf %mul3A_1634, %get3A_11 : vector<16xf32>
        %add3A_1636 = arith.constant 14 : i32
        %add3A_1637 = arith.addi %mul3A_645, %add3A_1636 : i32
        %swap3A_1638 = arith.index_cast %add3A_1637 : i32 to index
        %swap3A_1639 = arith.constant 16 : index
        %swap3A_1640 = tpu.vector_load %arg8[%swap3A_1638, %swap3A_1639] {strides = array<i32>} : memref<1024x64xf32, #tpu.memory_space<vmem>>, vector<16xf32>,
        tpu.vector_store %arg8[%swap3A_1638, %swap3A_1639], %add3A_1635 {strides = array<i32>} : memref<1024x64xf32, #tpu.memory_space<vmem>>, vector<16xf32>,
        %sub3A_1641 = vector.broadcast %squeeze3A_1596 : f32 to vector<16xf32>
        %sub3A_1642 = arith.subf %get3A_1613, %sub3A_1641 : vector<16xf32>
        %mul3A_1643 = vector.broadcast %squeeze3A_1598 : f32 to vector<16xf32>
        %mul3A_1644 = arith.mulf %sub3A_1642, %mul3A_1643 : vector<16xf32>
        %mul3A_1645 = arith.mulf %mul3A_1644, %get3A_5 : vector<16xf32>
        %add3A_1646 = arith.addf %mul3A_1645, %get3A_13 : vector<16xf32>
        %add3A_1647 = arith.constant 14 : i32
        %add3A_1648 = arith.addi %mul3A_645, %add3A_1647 : i32
        %swap3A_1649 = arith.index_cast %add3A_1648 : i32 to index
        %swap3A_1650 = arith.constant 32 : index
        %swap3A_1651 = tpu.vector_load %arg8[%swap3A_1649, %swap3A_1650] {strides = array<i32>} : memref<1024x64xf32, #tpu.memory_space<vmem>>, vector<16xf32>,
        tpu.vector_store %arg8[%swap3A_1649, %swap3A_1650], %add3A_1646 {strides = array<i32>} : memref<1024x64xf32, #tpu.memory_space<vmem>>, vector<16xf32>,
        %sub3A_1652 = vector.broadcast %squeeze3A_1596 : f32 to vector<16xf32>
        %sub3A_1653 = arith.subf %get3A_1618, %sub3A_1652 : vector<16xf32>
        %mul3A_1654 = vector.broadcast %squeeze3A_1598 : f32 to vector<16xf32>
        %mul3A_1655 = arith.mulf %sub3A_1653, %mul3A_1654 : vector<16xf32>
        %mul3A_1656 = arith.mulf %mul3A_1655, %get3A_7 : vector<16xf32>
        %add3A_1657 = arith.addf %mul3A_1656, %get3A_15 : vector<16xf32>
        %add3A_1658 = arith.constant 14 : i32
        %add3A_1659 = arith.addi %mul3A_645, %add3A_1658 : i32
        %swap3A_1660 = arith.index_cast %add3A_1659 : i32 to index
        %swap3A_1661 = arith.constant 48 : index
        %swap3A_1662 = tpu.vector_load %arg8[%swap3A_1660, %swap3A_1661] {strides = array<i32>} : memref<1024x64xf32, #tpu.memory_space<vmem>>, vector<16xf32>,
        tpu.vector_store %arg8[%swap3A_1660, %swap3A_1661], %add3A_1657 {strides = array<i32>} : memref<1024x64xf32, #tpu.memory_space<vmem>>, vector<16xf32>,
        %slice3A_1663 = vector.extract_strided_slice %mul3A_600 {offsets = [15], sizes = [1], strides = [1]} : vector<16xf32> to vector<1xf32>
        %squeeze3A_1664 = vector.extract %slice3A_1663[0] : f32 from vector<1xf32>
        %slice3A_1665 = vector.extract_strided_slice %mul3A_643 {offsets = [15], sizes = [1], strides = [1]} : vector<16xf32> to vector<1xf32>
        %squeeze3A_1666 = vector.extract %slice3A_1665[0] : f32 from vector<1xf32>
        %add3A_1667 = arith.constant 15 : i32
        %add3A_1668 = arith.addi %mul3A_645, %add3A_1667 : i32
        %get3A_1669 = arith.index_cast %add3A_1668 : i32 to index
        %get3A_1670 = arith.constant 0 : index
        %get3A_1671 = tpu.vector_load %arg8[%get3A_1669, %get3A_1670] {strides = array<i32>} : memref<1024x64xf32, #tpu.memory_space<vmem>>, vector<16xf32>,
        %add3A_1672 = arith.constant 15 : i32
        %add3A_1673 = arith.addi %mul3A_645, %add3A_1672 : i32
        %get3A_1674 = arith.index_cast %add3A_1673 : i32 to index
        %get3A_1675 = arith.constant 16 : index
        %get3A_1676 = tpu.vector_load %arg8[%get3A_1674, %get3A_1675] {strides = array<i32>} : memref<1024x64xf32, #tpu.memory_space<vmem>>, vector<16xf32>,
        %add3A_1677 = arith.constant 15 : i32
        %add3A_1678 = arith.addi %mul3A_645, %add3A_1677 : i32
        %get3A_1679 = arith.index_cast %add3A_1678 : i32 to index
        %get3A_1680 = arith.constant 32 : index
        %get3A_1681 = tpu.vector_load %arg8[%get3A_1679, %get3A_1680] {strides = array<i32>} : memref<1024x64xf32, #tpu.memory_space<vmem>>, vector<16xf32>,
        %add3A_1682 = arith.constant 15 : i32
        %add3A_1683 = arith.addi %mul3A_645, %add3A_1682 : i32
        %get3A_1684 = arith.index_cast %add3A_1683 : i32 to index
        %get3A_1685 = arith.constant 48 : index
        %get3A_1686 = tpu.vector_load %arg8[%get3A_1684, %get3A_1685] {strides = array<i32>} : memref<1024x64xf32, #tpu.memory_space<vmem>>, vector<16xf32>,
        %sub3A_1687 = vector.broadcast %squeeze3A_1664 : f32 to vector<16xf32>
        %sub3A_1688 = arith.subf %get3A_1671, %sub3A_1687 : vector<16xf32>
        %mul3A_1689 = vector.broadcast %squeeze3A_1666 : f32 to vector<16xf32>
        %mul3A_1690 = arith.mulf %sub3A_1688, %mul3A_1689 : vector<16xf32>
        %mul3A_1691 = arith.mulf %mul3A_1690, %get3A_1 : vector<16xf32>
        %add3A_1692 = arith.addf %mul3A_1691, %get3A_9 : vector<16xf32>
        %add3A_1693 = arith.constant 15 : i32
        %add3A_1694 = arith.addi %mul3A_645, %add3A_1693 : i32
        %swap3A_1695 = arith.index_cast %add3A_1694 : i32 to index
        %swap3A_1696 = arith.constant 0 : index
        %swap3A_1697 = tpu.vector_load %arg8[%swap3A_1695, %swap3A_1696] {strides = array<i32>} : memref<1024x64xf32, #tpu.memory_space<vmem>>, vector<16xf32>,
        tpu.vector_store %arg8[%swap3A_1695, %swap3A_1696], %add3A_1692 {strides = array<i32>} : memref<1024x64xf32, #tpu.memory_space<vmem>>, vector<16xf32>,
        %sub3A_1698 = vector.broadcast %squeeze3A_1664 : f32 to vector<16xf32>
        %sub3A_1699 = arith.subf %get3A_1676, %sub3A_1698 : vector<16xf32>
        %mul3A_1700 = vector.broadcast %squeeze3A_1666 : f32 to vector<16xf32>
        %mul3A_1701 = arith.mulf %sub3A_1699, %mul3A_1700 : vector<16xf32>
        %mul3A_1702 = arith.mulf %mul3A_1701, %get3A_3 : vector<16xf32>
        %add3A_1703 = arith.addf %mul3A_1702, %get3A_11 : vector<16xf32>
        %add3A_1704 = arith.constant 15 : i32
        %add3A_1705 = arith.addi %mul3A_645, %add3A_1704 : i32
        %swap3A_1706 = arith.index_cast %add3A_1705 : i32 to index
        %swap3A_1707 = arith.constant 16 : index
        %swap3A_1708 = tpu.vector_load %arg8[%swap3A_1706, %swap3A_1707] {strides = array<i32>} : memref<1024x64xf32, #tpu.memory_space<vmem>>, vector<16xf32>,
        tpu.vector_store %arg8[%swap3A_1706, %swap3A_1707], %add3A_1703 {strides = array<i32>} : memref<1024x64xf32, #tpu.memory_space<vmem>>, vector<16xf32>,
        %sub3A_1709 = vector.broadcast %squeeze3A_1664 : f32 to vector<16xf32>
        %sub3A_1710 = arith.subf %get3A_1681, %sub3A_1709 : vector<16xf32>
        %mul3A_1711 = vector.broadcast %squeeze3A_1666 : f32 to vector<16xf32>
        %mul3A_1712 = arith.mulf %sub3A_1710, %mul3A_1711 : vector<16xf32>
        %mul3A_1713 = arith.mulf %mul3A_1712, %get3A_5 : vector<16xf32>
        %add3A_1714 = arith.addf %mul3A_1713, %get3A_13 : vector<16xf32>
        %add3A_1715 = arith.constant 15 : i32
        %add3A_1716 = arith.addi %mul3A_645, %add3A_1715 : i32
        %swap3A_1717 = arith.index_cast %add3A_1716 : i32 to index
        %swap3A_1718 = arith.constant 32 : index
        %swap3A_1719 = tpu.vector_load %arg8[%swap3A_1717, %swap3A_1718] {strides = array<i32>} : memref<1024x64xf32, #tpu.memory_space<vmem>>, vector<16xf32>,
        tpu.vector_store %arg8[%swap3A_1717, %swap3A_1718], %add3A_1714 {strides = array<i32>} : memref<1024x64xf32, #tpu.memory_space<vmem>>, vector<16xf32>,
        %sub3A_1720 = vector.broadcast %squeeze3A_1664 : f32 to vector<16xf32>
        %sub3A_1721 = arith.subf %get3A_1686, %sub3A_1720 : vector<16xf32>
        %mul3A_1722 = vector.broadcast %squeeze3A_1666 : f32 to vector<16xf32>
        %mul3A_1723 = arith.mulf %sub3A_1721, %mul3A_1722 : vector<16xf32>
        %mul3A_1724 = arith.mulf %mul3A_1723, %get3A_7 : vector<16xf32>
        %add3A_1725 = arith.addf %mul3A_1724, %get3A_15 : vector<16xf32>
        %add3A_1726 = arith.constant 15 : i32
        %add3A_1727 = arith.addi %mul3A_645, %add3A_1726 : i32
        %swap3A_1728 = arith.index_cast %add3A_1727 : i32 to index
        %swap3A_1729 = arith.constant 48 : index
        %swap3A_1730 = tpu.vector_load %arg8[%swap3A_1728, %swap3A_1729] {strides = array<i32>} : memref<1024x64xf32, #tpu.memory_space<vmem>>, vector<16xf32>,
        tpu.vector_store %arg8[%swap3A_1728, %swap3A_1729], %add3A_1725 {strides = array<i32>} : memref<1024x64xf32, #tpu.memory_space<vmem>>, vector<16xf32>,
      }
      %scan3A_206 = arith.constant 64 : i32
      "tpu.region"() ({
        %run_scoped3A = tpu.sem_alloc : memref<!tpu.dma_semaphore, #tpu.memory_space<semaphore_mem>>
        %dma_start3A_207 = arith.constant 0 : i32
        %dma_start3A_208 = tpu.memref_slice %arg6[%add3A_26, %dma_start3A_207] : memref<819200x64xf32, #tpu.memory_space<hbm>> -> memref<1024x64xf32, #tpu.memory_space<hbm>>
        %dma_start3A_209 = arith.constant 0 : i32
        %dma_start3A_210 = tpu.memref_slice %arg6[%add3A_26, %dma_start3A_209] : memref<819200x64xf32, #tpu.memory_space<hbm>> -> memref<1024x64xf32, #tpu.memory_space<hbm>>
        tpu.enqueue_dma source(%arg8 : memref<1024x64xf32, #tpu.memory_space<vmem>>) target(%dma_start3A_210 : memref<1024x64xf32, #tpu.memory_space<hbm>>) target_semaphore(%run_scoped3A : memref<!tpu.dma_semaphore, #tpu.memory_space<semaphore_mem>>)
        %dma_wait3A_211 = arith.constant 0 : i32
        %dma_wait3A_212 = tpu.memref_slice %arg6[%add3A_26, %dma_wait3A_211] : memref<819200x64xf32, #tpu.memory_space<hbm>> -> memref<1024x64xf32, #tpu.memory_space<hbm>>
        %dma_wait3A_213 = arith.constant 0 : i32
        %dma_wait3A_214 = tpu.memref_slice %arg6[%add3A_26, %dma_wait3A_213] : memref<819200x64xf32, #tpu.memory_space<hbm>> -> memref<1024x64xf32, #tpu.memory_space<hbm>>
        tpu.wait_dma2 semaphore(%run_scoped3A : memref<!tpu.dma_semaphore, #tpu.memory_space<semaphore_mem>>) src(%arg8 : memref<1024x64xf32, #tpu.memory_space<vmem>>) dst(%dma_wait3A_214 : memref<1024x64xf32, #tpu.memory_space<hbm>>)
        tpu.yield
      }) : () -> ()
    }
    %scan3A_20 = arith.constant 25 : i32
    return
  }
}

</mosaic_0001>

<sc_bundles>
// kernel: _sc_fused.3.cloned.1.call-start
scs
__scs_entry_jumppad:
0x0: {  	(pc) =	sbr.rel $0x88, $3  }
0x1: {  	(tag) =	ssettag $0x0;
	lr =	simm.s32 $0x1  }
0x2: {  	[smem:$0x3F9D] =	sst lr;
	_ =	strace $0xD0000000  }
0x3: {  	_ = 	snop  }
0x4: {  	_ = 	snop  }
0x5: {  	_ = 	snop  }
0x6: {  	_ = 	snop  }
0x7: {  	_ = 	snop  }
__scs_overlays_trampoline_lowered:
0x8: {  	[smem:$0x3FAC] =	sst s0  }
0x9: {  	[smem:$0x3FAD] =	sst s1  }
0xa: {  	[smem:$0x3FAE] =	sst s2  }
0xb: {  	[smem:$0x3FAF] =	sst s3  }
0xc: {  	[smem:$0x3FB0] =	sst s4  }
0xd: {  	[smem:$0x3FB1] =	sst s5  }
0xe: {  	[smem:$0x3FB2] =	sst s6  }
0xf: {  	[smem:$0x3FB3] =	sst s7  }
0x10: {  	[smem:$0x3FB4] =	sst s8  }
0x11: {  	[smem:$0x3FB5] =	sst s9;
	s0 =	simm.s32 @!p0 $0x0  }
0x12: {  	s1 =	sld [smem:$0x3F9B];
	s0 =	simm.s32 @p0 $0x1  }
0x13: {  	[smem:$0x3FB6] =	sst s0;
	s0 =	simm.s32 @!p1 $0x0  }
0x14: {  	s2 =	sld [smem:$0x3F9A];
	s0 =	simm.s32 @p1 $0x1  }
0x15: {  	[smem:$0x3FB7] =	sst s0;
	s0 =	simm.s32 @!p2 $0x0  }
0x16: {  	s3 =	sld [smem:$0x3FDB];
	s0 =	simm.s32 @p2 $0x1  }
0x17: {  	s4 =	simm.s32 $0x1BF5;
	[smem:$0x3FB9] =	sst s0  }
0x18: {  	s0 =	sld [smem:$0x3F9C];
	_ =	swait.ge [sflag:s4], $0x0  }
0x19: {  	s7 =	sld [smem:$0x3F9D]  }
0x1a: {  	s8 =	sadd.s32 $0xFFFFE003, lr  }
0x1b: {  	s9 =	sadd.s32 $0xFFFFFEF7, lr;
	s5 =	simm.s32 $0xFFFFFFFF;
	p2 =	slt.u32 s8, $0xFFFFF086  }
0x1c: {  	p1 =	slt.u32 s9, $0xF7A;
	s5 =	simm.s32 @!p2 $0x0  }
0x1d: {  	s5 =	simm.s32 @p1 $0x1;
	p0 =	seq.s32 s7, s2  }
0x1e: {  	s7 =	smul.u32 @!p0 $0xF7A, s2;
	p2 =	seq.s32 @!p0 s5, $0x0  }
0x1f: {  	s9 =	smul.u32 $0xF7A, s1;
	s8 =	simm.s32 @!p0 $0x1BF5;
	p2 =	por !p2, p0  }
0x20: {  	[sflag:s8] =	ssyncset.s32 @!p0 $0xFFFFF086;
	s6 =	sadd.s32 @!p0 s3, s7;
	s7 =	simm.s32 @!p0 $0x108  }
0x21: {  	s3 =	sadd.s32 s3, s9;
	s6 =	sadd.s32 @!p0 $0x88, s6;
	s7 =	simm.s32 @p2 $0x1082  }
0x22: {  	[simem:s7], [sflag:s8] =	dma.local @!p0 [hbm:s6], $0xF7A  }
0x23: {  	s9 =	sor.u32 $0xD0000000, s2;
	s6 =	simm.s32 $0x108;
	_ =	swait.ge @!p0 [sflag:s8], $0x0  }
0x24: {  	s3 =	sadd.s32 $0x88, s3;
	s6 =	simm.s32 @!p1 $0x1082;
	[sflag:s4] =	ssyncset.s32 $0xFFFFF086  }
0x25: {  	[simem:s6], [sflag:s4] =	dma.local [hbm:s3], $0xF7A  }
0x26: {  	[smem:$0x3F9D] =	sst s1;
	(tag) =	ssettag s2;
	_ =	strace s9  }
0x27: {  	s1 =	sld [smem:$0x3FAD]  }
0x28: {  	s2 =	sld [smem:$0x3FAE]  }
0x29: {  	s4 =	sld [smem:$0x3FB0]  }
0x2a: {  	p0 =	seq.s32 s5, $0x0;
	s5 =	sld [smem:$0x3FB1]  }
0x2b: {  	s6 =	sld [smem:$0x3FB2]  }
0x2c: {  	s7 =	sld [smem:$0x3FB3]  }
0x2d: {  	s3 =	simm.s32 $0x108;
	s8 =	sld [smem:$0x3FB4]  }
0x2e: {  	s3 =	simm.s32 @!p0 $0x1082;
	s9 =	sld [smem:$0x3FB5]  }
0x2f: {  	lr =	sadd.s32 s0, s3;
	s0 =	sld [smem:$0x3FAC]  }
0x30: {  	s3 =	sld [smem:$0x3FAF]  }
0x31: {  	[smem:$0x3FB8] =	sst s10  }
0x32: {  	s10 =	sld [smem:$0x3FB6];
	_ =	sdelay $0x3  }
0x33: {  	p0 =	seq.s32 s10, $0x1;
	s10 =	sld [smem:$0x3FB8];
	_ =	sdelay $0x3  }
0x34: {  	[smem:$0x3FB8] =	sst s10  }
0x35: {  	s10 =	sld [smem:$0x3FB7];
	_ =	sdelay $0x3  }
0x36: {  	p1 =	seq.s32 s10, $0x1;
	s10 =	sld [smem:$0x3FB8];
	_ =	sdelay $0x3  }
0x37: {  	[smem:$0x3FB8] =	sst s10  }
0x38: {  	s10 =	sld [smem:$0x3FB9]  }
0x39: {  	_ = 	snop;
	(pc) =	sbr.ind lr, $3  }
0x3a: {  	_ = 	snop  }
0x3b: {  	_ = 	snop  }
0x3c: {  	p2 =	seq.s32 s10, $0x1;
	s10 =	sld [smem:$0x3FB8]  }
0x3d: {  	_ =	shalt  }
0x3e: {  	_ =	shalt  }
0x3f: {  	_ =	shalt  }
0x40: {  	_ =	shalt  }
0x41: {  	_ =	shalt  }
0x42: {  	_ =	shalt  }
0x43: {  	_ =	shalt  }
0x44: {  	_ =	shalt  }
0x45: {  	_ =	shalt  }
0x46: {  	_ =	shalt  }
0x47: {  	_ =	shalt  }
0x48: {  	_ =	shalt  }
0x49: {  	_ =	shalt  }
0x4a: {  	_ =	shalt  }
0x4b: {  	_ =	shalt  }
0x4c: {  	_ =	shalt  }
0x4d: {  	_ =	shalt  }
0x4e: {  	_ =	shalt  }
0x4f: {  	_ =	shalt  }
0x50: {  	_ =	shalt  }
0x51: {  	_ =	shalt  }
0x52: {  	_ =	shalt  }
0x53: {  	_ =	shalt  }
0x54: {  	_ =	shalt  }
0x55: {  	_ =	shalt  }
0x56: {  	_ =	shalt  }
0x57: {  	_ =	shalt  }
0x58: {  	_ =	shalt  }
0x59: {  	_ =	shalt  }
0x5a: {  	_ =	shalt  }
0x5b: {  	_ =	shalt  }
0x5c: {  	_ =	shalt  }
0x5d: {  	_ =	shalt  }
0x5e: {  	_ =	shalt  }
0x5f: {  	_ =	shalt  }
0x60: {  	_ =	shalt  }
0x61: {  	_ =	shalt  }
0x62: {  	_ =	shalt  }
0x63: {  	_ =	shalt  }
0x64: {  	_ =	shalt  }
0x65: {  	_ =	shalt  }
0x66: {  	_ =	shalt  }
0x67: {  	_ =	shalt  }
0x68: {  	_ =	shalt  }
0x69: {  	_ =	shalt  }
0x6a: {  	_ =	shalt  }
0x6b: {  	_ =	shalt  }
0x6c: {  	_ =	shalt  }
0x6d: {  	_ =	shalt  }
0x6e: {  	_ =	shalt  }
0x6f: {  	_ =	shalt  }
0x70: {  	_ =	shalt  }
0x71: {  	_ =	shalt  }
0x72: {  	_ =	shalt  }
0x73: {  	_ =	shalt  }
0x74: {  	_ =	shalt  }
0x75: {  	_ =	shalt  }
0x76: {  	_ =	shalt  }
0x77: {  	_ =	shalt  }
0x78: {  	_ =	shalt  }
0x79: {  	_ =	shalt  }
0x7a: {  	_ =	shalt  }
0x7b: {  	_ =	shalt  }
0x7c: {  	_ =	shalt  }
0x7d: {  	_ =	shalt  }
0x7e: {  	_ =	shalt  }
0x7f: {  	_ =	shalt  }
0x80: {  	_ =	shalt  }
0x81: {  	_ =	shalt  }
0x82: {  	_ =	shalt  }
0x83: {  	_ =	shalt  }
0x84: {  	_ =	shalt  }
0x85: {  	_ =	shalt  }
0x86: {  	_ =	shalt  }
0x87: {  	_ =	shalt  }
.Lfunc_end0:
.L_simem_size_0:
called_computation.1_lowered:
.L_overlay_start_0:
0x88: {  	s2 =	sld [smem:$0x3FD9]  }
0x89: {  	s3 =	sld [smem:$0x3FFE];
	_ =	sdelay $0x1  }
0x8a: {  	s1 =	srdreg.scid  }
0x8b: {  	s0 =	sand.u32 $0x1, s1  }
0x8c: {  	s17 =	sshll.u32 s0, $0xA;
	s2 =	sadd.s32 s3, s2  }
0x8d: {  	s2 =	sadd.s32 s2, s17  }
0x8e: {  	[smem:$0x3FC4] =	sst s2  }
0x8f: {  	_ = 	snop  }
0x90: {  	s2 =	sld [smem:$0x3FC8]  }
0x91: {  	s18 =	sld [smem:$0x3FC7]  }
0x92: {  	s4 =	sld [smem:$0x3FC6]  }
0x93: {  	s5 =	sld [smem:$0x3FD0];
	(tm) =	ssettm $0x1  }
0x94: {  	s6 =	sld [smem:$0x3FFB];
	_ =	sdelay $0x3  }
0x95: {  	_ =	strace s6  }
0x96: {  	s6 =	sld [smem:$0x3FFC];
	_ =	sdelay $0x3  }
0x97: {  	_ =	strace s6  }
0x98: {  	s6 =	sld [smem:$0x3FFD];
	_ =	sdelay $0x3  }
0x99: {  	_ =	strace s6  }
0x9a: {  	_ =	strace $0x8FFFFFFF  }
0x9b: {  	s19 =	sld [smem:$0x3FDB];
	_ =	sdelay $0x1  }
0x9c: {  	s7 =	simm.s32 $_scs_section_size  }
0x9d: {  	s8 =	simm.s32 $_size__tile_overlayer_lowered;
	s9 =	simm.s32 $_tile_overlayer_lowered  }
0x9e: {  	s22 =	simm.s32 $0x1BFF;
	s21 =	sshll.u32 s9, $0x1;
	s6 =	sadd.s32 s7, s19  }
0x9f: {  	s10 =	simm.s32 $0x0;
	s20 =	sshll.u32 s8, $0x1;
	s8 =	sadd.s32 s21, s6  }
0xa0: {  	[timem:s10], [sflag:s22] =	dma.local [hbm:s8], s20  }
0xa1: {  	_ =	swait.ge [sflag:s22], s20  }
0xa2: {  	s7 =	ssub.s32 $0x0, s20;
	[sflag:s22] =	ssyncset.done $0x0  }
0xa3: {  	[sflag:s22] =	ssyncadd.s32 s7;
	_ =	sdelay $0x1  }
0xa4: {  	s23 =	simm.s32 $0x1B8B  }
0xa5: {  	_ =	swait.ge [sflag:s23], $0x1  }
0xa6: {  	[sflag:s23] =	ssyncset.done $0x0  }
0xa7: {  	s25 =	simm.s32 $0x1B8E;
	s24 =	sld [smem:$0x3FFE];
	[sflag:s23] =	ssyncadd.s32 $0xFFFFFFFF  }
0xa8: {  	s26 =	simm.s32 $execute0_lowered;
	[smem:$0x3FD2] =	sst s25  }
0xa9: {  	s8 =	sshll.u32 s26, $0x1;
	_ =	strace $0x80000046;
	[dreg:$0x1] =	wrdreg $0xFFFFFFFF  }
0xaa: {  	s28 =	simm.s32 $_size_execute0_lowered;
	s6 =	sadd.s32 s6, s8;
	[dreg:$0x0] =	wrdreg $0x0  }
0xab: {  	s8 =	sshll.u32 s28, $0x1;
	[dreg:$0x2] =	wrdreg s6  }
0xac: {  	[dreg:$0x3] =	wrdreg s8  }
0xad: {  	[dreg:$0x4] =	wrdreg $0xC0  }
0xae: {  	_ =	task [dreg:s10], $0x5FFFF  }
0xaf: {  	[dreg:$0x1] =	wrdreg $0xFFFFFFFF  }
0xb0: {  	[dreg:$0x0] =	wrdreg $0x60  }
0xb1: {  	[dreg:$0x2] =	wrdreg s24  }
0xb2: {  	[dreg:$0x3] =	wrdreg s2  }
0xb3: {  	[dreg:$0x4] =	wrdreg s18  }
0xb4: {  	[dreg:$0x5] =	wrdreg s4  }
0xb5: {  	[dreg:$0x6] =	wrdreg s5  }
0xb6: {  	[dreg:$0x7] =	wrdreg $0x9  }
0xb7: {  	_ =	task.clear_ibuf [dreg:s10], $0x8FFFF;
	_ =	strace $0x90000046  }
0xb8: {  	s29 =	simm.s32 $0x9;
	_ =	strace $0x80000048  }
0xb9: {  	_ =	swait.ge [sflag:s29], $0x1  }
0xba: {  	[sflag:s29] =	ssyncadd.s32 $0xFFFFFFFF  }
0xbb: {  	_ =	strace $0x90000048  }
0xbc: {  	_ =	sfence  }
0xbd: {  	s30 =	sld [smem:$0x0];
	_ =	sdelay $0x2  }
0xbe: {  	s31 =	sshll.u32 s1, $0xD;
	s1 =	sshrl.u32 s1, $0x2  }
0xbf: {  	s3 =	sand.u32 $0x4000, s31;
	s1 =	sadd.s32 s1, s30  }
0xc0: {  	s0 =	sor.u32 s3, s0;
	s1 =	sshll.u32 s1, $0x11  }
0xc1: {  	s0 =	sor.u32 s1, s0  }
0xc2: {  	s0 =	sadd.s32 $0x8F2B, s0  }
0xc3: {  	[sflag:s0] =	ssyncadd.remote.s32 $0x1  }
0xc4: {  	_ =	sfence.sel $0xFFFF  }
0xc5: {  	[dreg:$0x0] =	wrdreg $0xFFFFFFFF;
	(pc) =	sbr.abs _section_cstart, $3  }
0xc6: {  	[dreg:$0x1] =	wrdreg $0xFFFFFFFF  }
0xc7: {  	_ =	task.clear_ibuf [dreg:s10], $0x2FFFF;
	_ =	strace $0x9FFFFFFF  }
0xc8: {  	(tm) =	ssettm $0x7FFFFFFF  }
0xc9: {  	_ =	shalt  }
tec
execute0_lowered:
.L_overlay_start_1:
0x0: {  	(tag) =	ssettag $0x1  }
0x1: {  	s0 =	rddreg [dreg:$0x0]  }
0x2: {  	s1 =	rddreg [dreg:$0x1]  }
0x3: {  	s3 =	rddreg [dreg:$0x3]  }
0x4: {  	s5 =	rddreg [dreg:$0x4];
	s2 =	srdreg.scid  }
0x5: {  	s6 =	simm.s32 $0x0;
	s7 =	stileid.u32;
	s10 =	simm.s32 $0x10400  }
0x6: {  	s11 =	simm.s32 $0x2;
	s12 =	simm.s32 $0x10440;
	s13 =	simm.s32 $0x80  }
0x7: {  	s14 =	simm.s32 $0x400;
	s15 =	simm.s32 $0x2400;
	s16 =	simm.s32 $0x100  }
0x8: {  	s17 =	simm.s32 $0x4400;
	s18 =	simm.s32 $0x180;
	s19 =	simm.s32 $0x6400  }
0x9: {  	s20 =	simm.s32 $0x200;
	s21 =	simm.s32 $0x8400;
	s22 =	simm.s32 $0x280  }
0xa: {  	s23 =	simm.s32 $0xA400;
	s24 =	simm.s32 $0x300;
	s25 =	simm.s32 $0xC400  }
0xb: {  	s26 =	simm.s32 $0x380;
	s28 =	simm.s32 $0xE400;
	s2 =	sand.u32 $0x1, s2  }
0xc: {  	s29 =	simm.s32 $0x1;
	s30 =	simm.s32 $0x0;
	s4 =	ssub.s32 $0x2, s2  }
0xd: {  	[smem:$0x7FF] =	sst s6;
	s7 =	sshll.u32 s7, $0x1;
	s8 =	sshrl.u32 s4, $0x1  }
0xe: {  	v0 =	vlaneseq.u32;
	_ =	strace $0x80000047;
	s2 =	sor.u32 s2, s7;
	s31 =	ssub.s32 s4, s8  }
0xf: {  	v0 =	vmul.u32 $0x40, v0;
	s7 =	sadd.s32 $0x800, s0;
	s8 =	smul.u32 $0x6400, s2;
	s9 =	smax.u32 s31, $0x1  }
.LBB2_1:
0x10: {  	s0 =	rddreg [dreg:$0x2]  }
0x11: {  	[tilespmem:s10], [sflag:$0x2] =	stream.linear.gather [hbm4b:s0+s6], $0x40, $0x38;
	[tilespmem:$0x10480] =	vst v63  }
0x12: {  	_ =	swait.ge [sflag:s11], $0x40  }
0x13: {  	[sflag:s11] =	ssyncset.done $0x0  }
0x14: {  	[sflag:s11] =	ssyncadd.s32 $0xFFFFFFC0  }
0x15: {  	[tilespmem:s12], [sflag:$0x2] =	stream.linear.gather [hbm4b:s3+s6], $0x40, $0x38;
	[tilespmem:$0x10480] =	vst v63  }
0x16: {  	_ =	swait.ge [sflag:s11], $0x40  }
0x17: {  	[sflag:s11] =	ssyncset.done $0x0  }
0x18: {  	[sflag:s11] =	ssyncadd.s32 $0xFFFFFFC0  }
0x19: {  	v1 =	vld [tilespmem:$0x10400]  }
0x1a: {  	v2 =	vld [tilespmem:$0x10410]  }
0x1b: {  	v3 =	vld [tilespmem:$0x10420]  }
0x1c: {  	v4 =	vld [tilespmem:$0x10430]  }
0x1d: {  	v5 =	vld [tilespmem:$0x10440]  }
0x1e: {  	v6 =	vld [tilespmem:$0x10450]  }
0x1f: {  	v7 =	vld [tilespmem:$0x10460]  }
0x20: {  	s31 =	simm.s32 $0x0;
	v8 =	vld [tilespmem:$0x10470]  }
.LBB2_2:
0x21: {  	s0 =	sshll.u32 s31, $0xA  }
0x22: {  	s0 =	sadd.s32 s8, s0  }
0x23: {  	s2 =	sshrl.u32 s0, $0x3  }
0x24: {  	s4 =	simm.s32 $0x0;
	s2 =	sadd.s32 s1, s2  }
0x25: {  	[tilespmem:s4], [sflag:$0x2] =	stream.linear.gather [hbm4b:s2+s4], $0x400, $0x38;
	[tilespmem:$0x10480] =	vst v63  }
0x26: {  	_ =	swait.ge [sflag:s11], $0x400  }
0x27: {  	[sflag:s11] =	ssyncset.done $0x0  }
0x28: {  	[sflag:s11] =	ssyncadd.s32 $0xFFFFFC00  }
0x29: {  	[tilespmem:s14], [sflag:$0x1] =	stream.indirect.gather [hbm4b:s7+s13], $0x40, s4, s13, $0xb8;
	[tilespmem:$0x10480] =	vst v63  }
0x2a: {  	_ = 	snop  }
0x2b: {  	[tilespmem:s15], [sflag:$0x1] =	stream.indirect.gather [hbm4b:s7+s13], $0x40, s13, s13, $0xb8;
	[tilespmem:$0x10480] =	vst v63  }
0x2c: {  	_ = 	snop  }
0x2d: {  	[tilespmem:s17], [sflag:$0x1] =	stream.indirect.gather [hbm4b:s7+s13], $0x40, s16, s13, $0xb8;
	[tilespmem:$0x10480] =	vst v63  }
0x2e: {  	_ = 	snop  }
0x2f: {  	[tilespmem:s19], [sflag:$0x1] =	stream.indirect.gather [hbm4b:s7+s13], $0x40, s18, s13, $0xb8;
	[tilespmem:$0x10480] =	vst v63  }
0x30: {  	_ = 	snop  }
0x31: {  	[tilespmem:s21], [sflag:$0x1] =	stream.indirect.gather [hbm4b:s7+s13], $0x40, s20, s13, $0xb8;
	[tilespmem:$0x10480] =	vst v63  }
0x32: {  	_ = 	snop  }
0x33: {  	[tilespmem:s23], [sflag:$0x1] =	stream.indirect.gather [hbm4b:s7+s13], $0x40, s22, s13, $0xb8;
	[tilespmem:$0x10480] =	vst v63  }
0x34: {  	_ = 	snop  }
0x35: {  	[tilespmem:s25], [sflag:$0x1] =	stream.indirect.gather [hbm4b:s7+s13], $0x40, s24, s13, $0xb8;
	[tilespmem:$0x10480] =	vst v63  }
0x36: {  	_ = 	snop  }
0x37: {  	[tilespmem:s28], [sflag:$0x1] =	stream.indirect.gather [hbm4b:s7+s13], $0x40, s26, s13, $0xb8;
	[tilespmem:$0x10480] =	vst v63  }
0x38: {  	_ =	swait.ge [sflag:s29], $0x2000  }
0x39: {  	[sflag:s29] =	ssyncset.done $0x0  }
0x3a: {  	[sflag:s29] =	ssyncadd.s32 $0xFFFFE000  }
0x3b: {  	_ =	swait.ge [sflag:s29], $0x2000  }
0x3c: {  	[sflag:s29] =	ssyncset.done $0x0  }
0x3d: {  	[sflag:s29] =	ssyncadd.s32 $0xFFFFE000  }
0x3e: {  	_ =	swait.ge [sflag:s29], $0x2000  }
0x3f: {  	[sflag:s29] =	ssyncset.done $0x0  }
0x40: {  	[sflag:s29] =	ssyncadd.s32 $0xFFFFE000  }
0x41: {  	_ =	swait.ge [sflag:s29], $0x2000  }
0x42: {  	[sflag:s29] =	ssyncset.done $0x0  }
0x43: {  	[sflag:s29] =	ssyncadd.s32 $0xFFFFE000  }
0x44: {  	_ =	swait.ge [sflag:s29], $0x2000  }
0x45: {  	[sflag:s29] =	ssyncset.done $0x0  }
0x46: {  	[sflag:s29] =	ssyncadd.s32 $0xFFFFE000  }
0x47: {  	_ =	swait.ge [sflag:s29], $0x2000  }
0x48: {  	[sflag:s29] =	ssyncset.done $0x0  }
0x49: {  	[sflag:s29] =	ssyncadd.s32 $0xFFFFE000  }
0x4a: {  	_ =	swait.ge [sflag:s29], $0x2000  }
0x4b: {  	[sflag:s29] =	ssyncset.done $0x0  }
0x4c: {  	[sflag:s29] =	ssyncadd.s32 $0xFFFFE000  }
0x4d: {  	_ =	swait.ge [sflag:s29], $0x2000  }
0x4e: {  	[sflag:s29] =	ssyncset.done $0x0  }
0x4f: {  	s2 =	simm.s32 $0x600;
	[sflag:s29] =	ssyncadd.s32 $0xFFFFE000  }
.LBB2_3:
0x50: {  	v9 =	vmov s4  }
0x51: {  	v9 =	vshll.u32 v9, $0x6  }
0x52: {  	v9 =	vor.u32 v0, v9  }
0x53: {  	v10 =	vor.u32 $0x1, v9;
	_ =	sdelay $0x1  }
0x54: {  	v11 =	vor.u32 $0x2, v9;
	_ =	sdelay $0x1  }
0x55: {  	v13 =	vor.u32 $0x3, v9;
	v12 =	vld.idx.msk [tilespmem:v9+s14+$0x0], $0xffff  }
0x56: {  	v10 =	vld.idx.msk [tilespmem:v10+s14+$0x0], $0xffff  }
0x57: {  	v14 =	vor.u32 $0x4, v9  }
0x58: {  	v11 =	vld.idx.msk [tilespmem:v11+s14+$0x0], $0xffff  }
0x59: {  	v15 =	vor.u32 $0x5, v9  }
0x5a: {  	v13 =	vld.idx.msk [tilespmem:v13+s14+$0x0], $0xffff;
	v16 =	vadd.f32 $0.0e+00, v12  }
0x5b: {  	v18 =	vor.u32 $0x6, v9;
	v12 =	vmul.f32 v12, v12;
	v17 =	vmul.f32 v10, v10  }
0x5c: {  	v14 =	vld.idx.msk [tilespmem:v14+s14+$0x0], $0xffff;
	v10 =	vadd.f32 v10, v16  }
0x5d: {  	v39 =	vor.u32 $0x7, v9;
	v38 =	vmul.f32 v11, v11;
	v12 =	vadd.f32 v17, v12  }
0x5e: {  	v10 =	vadd.f32 v11, v10;
	v11 =	vld.idx.msk [tilespmem:v15+s14+$0x0], $0xffff  }
0x5f: {  	v41 =	vor.u32 $0x8, v9;
	v40 =	vmul.f32 v13, v13;
	v12 =	vadd.f32 v38, v12  }
0x60: {  	v42 =	vld.idx.msk [tilespmem:v18+s14+$0x0], $0xffff;
	v10 =	vadd.f32 v13, v10  }
0x61: {  	v44 =	vor.u32 $0x9, v9;
	v43 =	vmul.f32 v14, v14;
	v12 =	vadd.f32 v40, v12  }
0x62: {  	v45 =	vld.idx.msk [tilespmem:v39+s14+$0x0], $0xffff;
	v10 =	vadd.f32 v14, v10  }
0x63: {  	v47 =	vor.u32 $0xA, v9;
	v12 =	vadd.f32 v43, v12;
	v46 =	vmul.f32 v11, v11  }
0x64: {  	v10 =	vadd.f32 v11, v10;
	v11 =	vld.idx.msk [tilespmem:v41+s14+$0x0], $0xffff  }
0x65: {  	v49 =	vor.u32 $0xB, v9;
	v48 =	vmul.f32 v42, v42;
	v12 =	vadd.f32 v46, v12  }
0x66: {  	v50 =	vld.idx.msk [tilespmem:v44+s14+$0x0], $0xffff;
	v10 =	vadd.f32 v42, v10  }
0x67: {  	v52 =	vor.u32 $0xC, v9;
	v51 =	vmul.f32 v45, v45;
	v12 =	vadd.f32 v48, v12  }
0x68: {  	v53 =	vld.idx.msk [tilespmem:v47+s14+$0x0], $0xffff;
	v10 =	vadd.f32 v45, v10  }
0x69: {  	v55 =	vor.u32 $0xD, v9;
	v12 =	vadd.f32 v51, v12;
	v54 =	vmul.f32 v11, v11  }
0x6a: {  	v10 =	vadd.f32 v11, v10;
	v11 =	vld.idx.msk [tilespmem:v49+s14+$0x0], $0xffff  }
0x6b: {  	v57 =	vor.u32 $0xE, v9;
	v56 =	vmul.f32 v50, v50;
	v12 =	vadd.f32 v54, v12  }
0x6c: {  	v58 =	vld.idx.msk [tilespmem:v52+s14+$0x0], $0xffff;
	v10 =	vadd.f32 v50, v10  }
0x6d: {  	v60 =	vor.u32 $0xF, v9;
	v59 =	vmul.f32 v53, v53;
	v12 =	vadd.f32 v56, v12  }
0x6e: {  	v61 =	vld.idx.msk [tilespmem:v55+s14+$0x0], $0xffff;
	v10 =	vadd.f32 v53, v10  }
0x6f: {  	v63 =	vor.u32 $0x10, v9;
	v12 =	vadd.f32 v59, v12;
	v62 =	vmul.f32 v11, v11  }
0x70: {  	v10 =	vadd.f32 v11, v10;
	v11 =	vld.idx.msk [tilespmem:v57+s14+$0x0], $0xffff  }
0x71: {  	v22 =	vor.u32 $0x11, v9;
	v21 =	vmul.f32 v58, v58;
	v12 =	vadd.f32 v62, v12  }
0x72: {  	v23 =	vld.idx.msk [tilespmem:v60+s14+$0x0], $0xffff;
	v10 =	vadd.f32 v58, v10  }
0x73: {  	v25 =	vor.u32 $0x12, v9;
	v24 =	vmul.f32 v61, v61;
	v12 =	vadd.f32 v21, v12  }
0x74: {  	v26 =	vld.idx.msk [tilespmem:v63+s14+$0x0], $0xffff;
	v10 =	vadd.f32 v61, v10  }
0x75: {  	v28 =	vor.u32 $0x13, v9;
	v12 =	vadd.f32 v24, v12;
	v27 =	vmul.f32 v11, v11  }
0x76: {  	v10 =	vadd.f32 v11, v10;
	v11 =	vld.idx.msk [tilespmem:v22+s14+$0x0], $0xffff  }
0x77: {  	v30 =	vor.u32 $0x14, v9;
	v29 =	vmul.f32 v23, v23;
	v12 =	vadd.f32 v27, v12  }
0x78: {  	v31 =	vld.idx.msk [tilespmem:v25+s14+$0x0], $0xffff;
	v10 =	vadd.f32 v23, v10  }
0x79: {  	v33 =	vor.u32 $0x15, v9;
	v32 =	vmul.f32 v26, v26;
	v12 =	vadd.f32 v29, v12  }
0x7a: {  	v34 =	vld.idx.msk [tilespmem:v28+s14+$0x0], $0xffff;
	v10 =	vadd.f32 v26, v10  }
0x7b: {  	v36 =	vor.u32 $0x16, v9;
	v12 =	vadd.f32 v32, v12;
	v35 =	vmul.f32 v11, v11  }
0x7c: {  	v10 =	vadd.f32 v11, v10;
	v11 =	vld.idx.msk [tilespmem:v30+s14+$0x0], $0xffff  }
0x7d: {  	v37 =	vmul.f32 v31, v31;
	v38 =	vor.u32 $0x17, v9;
	v12 =	vadd.f32 v35, v12  }
0x7e: {  	v39 =	vld.idx.msk [tilespmem:v33+s14+$0x0], $0xffff;
	v10 =	vadd.f32 v31, v10  }
0x7f: {  	v40 =	vmul.f32 v34, v34;
	v41 =	vor.u32 $0x18, v9;
	v12 =	vadd.f32 v37, v12  }
0x80: {  	v42 =	vld.idx.msk [tilespmem:v36+s14+$0x0], $0xffff;
	v10 =	vadd.f32 v34, v10  }
0x81: {  	v44 =	vor.u32 $0x19, v9;
	v12 =	vadd.f32 v40, v12;
	v43 =	vmul.f32 v11, v11  }
0x82: {  	v10 =	vadd.f32 v11, v10;
	v11 =	vld.idx.msk [tilespmem:v38+s14+$0x0], $0xffff  }
0x83: {  	v46 =	vor.u32 $0x1A, v9;
	v45 =	vmul.f32 v39, v39;
	v12 =	vadd.f32 v43, v12  }
0x84: {  	v47 =	vld.idx.msk [tilespmem:v41+s14+$0x0], $0xffff;
	v10 =	vadd.f32 v39, v10  }
0x85: {  	v49 =	vor.u32 $0x1B, v9;
	v48 =	vmul.f32 v42, v42;
	v12 =	vadd.f32 v45, v12  }
0x86: {  	v50 =	vld.idx.msk [tilespmem:v44+s14+$0x0], $0xffff;
	v10 =	vadd.f32 v42, v10  }
0x87: {  	v52 =	vor.u32 $0x1C, v9;
	v12 =	vadd.f32 v48, v12;
	v51 =	vmul.f32 v11, v11  }
0x88: {  	v10 =	vadd.f32 v11, v10;
	v11 =	vld.idx.msk [tilespmem:v46+s14+$0x0], $0xffff  }
0x89: {  	v54 =	vor.u32 $0x1D, v9;
	v53 =	vmul.f32 v47, v47;
	v12 =	vadd.f32 v51, v12  }
0x8a: {  	v55 =	vld.idx.msk [tilespmem:v49+s14+$0x0], $0xffff;
	v10 =	vadd.f32 v47, v10  }
0x8b: {  	v57 =	vor.u32 $0x1E, v9;
	v56 =	vmul.f32 v50, v50;
	v12 =	vadd.f32 v53, v12  }
0x8c: {  	v58 =	vld.idx.msk [tilespmem:v52+s14+$0x0], $0xffff;
	v10 =	vadd.f32 v50, v10  }
0x8d: {  	v60 =	vor.u32 $0x1F, v9;
	v12 =	vadd.f32 v56, v12;
	v59 =	vmul.f32 v11, v11  }
0x8e: {  	v10 =	vadd.f32 v11, v10;
	v11 =	vld.idx.msk [tilespmem:v54+s14+$0x0], $0xffff  }
0x8f: {  	v62 =	vor.u32 $0x20, v9;
	v61 =	vmul.f32 v55, v55;
	v12 =	vadd.f32 v59, v12  }
0x90: {  	v63 =	vld.idx.msk [tilespmem:v57+s14+$0x0], $0xffff;
	v10 =	vadd.f32 v55, v10  }
0x91: {  	v22 =	vor.u32 $0x21, v9;
	v21 =	vmul.f32 v58, v58;
	v12 =	vadd.f32 v61, v12  }
0x92: {  	v23 =	vld.idx.msk [tilespmem:v60+s14+$0x0], $0xffff;
	v10 =	vadd.f32 v58, v10  }
0x93: {  	v25 =	vor.u32 $0x22, v9;
	v12 =	vadd.f32 v21, v12;
	v24 =	vmul.f32 v11, v11  }
0x94: {  	v10 =	vadd.f32 v11, v10;
	v11 =	vld.idx.msk [tilespmem:v62+s14+$0x0], $0xffff  }
0x95: {  	v27 =	vor.u32 $0x23, v9;
	v26 =	vmul.f32 v63, v63;
	v12 =	vadd.f32 v24, v12  }
0x96: {  	v28 =	vld.idx.msk [tilespmem:v22+s14+$0x0], $0xffff;
	v10 =	vadd.f32 v63, v10  }
0x97: {  	v30 =	vor.u32 $0x24, v9;
	v29 =	vmul.f32 v23, v23;
	v12 =	vadd.f32 v26, v12  }
0x98: {  	v31 =	vld.idx.msk [tilespmem:v25+s14+$0x0], $0xffff;
	v10 =	vadd.f32 v23, v10  }
0x99: {  	v33 =	vor.u32 $0x25, v9;
	v12 =	vadd.f32 v29, v12;
	v32 =	vmul.f32 v11, v11  }
0x9a: {  	v10 =	vadd.f32 v11, v10;
	v11 =	vld.idx.msk [tilespmem:v27+s14+$0x0], $0xffff  }
0x9b: {  	v35 =	vor.u32 $0x26, v9;
	v34 =	vmul.f32 v28, v28;
	v12 =	vadd.f32 v32, v12  }
0x9c: {  	v36 =	vld.idx.msk [tilespmem:v30+s14+$0x0], $0xffff;
	v10 =	vadd.f32 v28, v10  }
0x9d: {  	v38 =	vor.u32 $0x27, v9;
	v37 =	vmul.f32 v31, v31;
	v12 =	vadd.f32 v34, v12  }
0x9e: {  	v39 =	vld.idx.msk [tilespmem:v33+s14+$0x0], $0xffff;
	v10 =	vadd.f32 v31, v10  }
0x9f: {  	v41 =	vor.u32 $0x28, v9;
	v12 =	vadd.f32 v37, v12;
	v40 =	vmul.f32 v11, v11  }
0xa0: {  	v10 =	vadd.f32 v11, v10;
	v11 =	vld.idx.msk [tilespmem:v35+s14+$0x0], $0xffff  }
0xa1: {  	v43 =	vor.u32 $0x29, v9;
	v42 =	vmul.f32 v36, v36;
	v12 =	vadd.f32 v40, v12  }
0xa2: {  	v44 =	vld.idx.msk [tilespmem:v38+s14+$0x0], $0xffff;
	v10 =	vadd.f32 v36, v10  }
0xa3: {  	v46 =	vor.u32 $0x2A, v9;
	v45 =	vmul.f32 v39, v39;
	v12 =	vadd.f32 v42, v12  }
0xa4: {  	v47 =	vld.idx.msk [tilespmem:v41+s14+$0x0], $0xffff;
	v10 =	vadd.f32 v39, v10  }
0xa5: {  	v49 =	vor.u32 $0x2B, v9;
	v12 =	vadd.f32 v45, v12;
	v48 =	vmul.f32 v11, v11  }
0xa6: {  	v10 =	vadd.f32 v11, v10;
	v11 =	vld.idx.msk [tilespmem:v43+s14+$0x0], $0xffff  }
0xa7: {  	v51 =	vor.u32 $0x2C, v9;
	v50 =	vmul.f32 v44, v44;
	v12 =	vadd.f32 v48, v12  }
0xa8: {  	v52 =	vld.idx.msk [tilespmem:v46+s14+$0x0], $0xffff;
	v10 =	vadd.f32 v44, v10  }
0xa9: {  	v54 =	vor.u32 $0x2D, v9;
	v53 =	vmul.f32 v47, v47;
	v12 =	vadd.f32 v50, v12  }
0xaa: {  	v55 =	vld.idx.msk [tilespmem:v49+s14+$0x0], $0xffff;
	v10 =	vadd.f32 v47, v10  }
0xab: {  	v57 =	vor.u32 $0x2E, v9;
	v12 =	vadd.f32 v53, v12;
	v56 =	vmul.f32 v11, v11  }
0xac: {  	v10 =	vadd.f32 v11, v10;
	v11 =	vld.idx.msk [tilespmem:v51+s14+$0x0], $0xffff  }
0xad: {  	v59 =	vor.u32 $0x2F, v9;
	v58 =	vmul.f32 v52, v52;
	v12 =	vadd.f32 v56, v12  }
0xae: {  	v60 =	vld.idx.msk [tilespmem:v54+s14+$0x0], $0xffff;
	v10 =	vadd.f32 v52, v10  }
0xaf: {  	v62 =	vor.u32 $0x30, v9;
	v61 =	vmul.f32 v55, v55;
	v12 =	vadd.f32 v58, v12  }
0xb0: {  	v63 =	vld.idx.msk [tilespmem:v57+s14+$0x0], $0xffff;
	v10 =	vadd.f32 v55, v10  }
0xb1: {  	v22 =	vor.u32 $0x31, v9;
	v12 =	vadd.f32 v61, v12;
	v21 =	vmul.f32 v11, v11  }
0xb2: {  	v10 =	vadd.f32 v11, v10;
	v11 =	vld.idx.msk [tilespmem:v59+s14+$0x0], $0xffff  }
0xb3: {  	v24 =	vor.u32 $0x32, v9;
	v23 =	vmul.f32 v60, v60;
	v12 =	vadd.f32 v21, v12  }
0xb4: {  	v25 =	vld.idx.msk [tilespmem:v62+s14+$0x0], $0xffff;
	v10 =	vadd.f32 v60, v10  }
0xb5: {  	v27 =	vor.u32 $0x33, v9;
	v26 =	vmul.f32 v63, v63;
	v12 =	vadd.f32 v23, v12  }
0xb6: {  	v28 =	vld.idx.msk [tilespmem:v22+s14+$0x0], $0xffff;
	v10 =	vadd.f32 v63, v10  }
0xb7: {  	v30 =	vor.u32 $0x34, v9;
	v12 =	vadd.f32 v26, v12;
	v29 =	vmul.f32 v11, v11  }
0xb8: {  	v10 =	vadd.f32 v11, v10;
	v11 =	vld.idx.msk [tilespmem:v24+s14+$0x0], $0xffff  }
0xb9: {  	v32 =	vor.u32 $0x35, v9;
	v31 =	vmul.f32 v25, v25;
	v12 =	vadd.f32 v29, v12  }
0xba: {  	v33 =	vld.idx.msk [tilespmem:v27+s14+$0x0], $0xffff;
	v10 =	vadd.f32 v25, v10  }
0xbb: {  	v35 =	vor.u32 $0x36, v9;
	v34 =	vmul.f32 v28, v28;
	v12 =	vadd.f32 v31, v12  }
0xbc: {  	v36 =	vld.idx.msk [tilespmem:v30+s14+$0x0], $0xffff;
	v10 =	vadd.f32 v28, v10  }
0xbd: {  	v38 =	vor.u32 $0x37, v9;
	v12 =	vadd.f32 v34, v12;
	v37 =	vmul.f32 v11, v11  }
0xbe: {  	v10 =	vadd.f32 v11, v10;
	v11 =	vld.idx.msk [tilespmem:v32+s14+$0x0], $0xffff  }
0xbf: {  	v39 =	vmul.f32 v33, v33;
	v12 =	vadd.f32 v37, v12  }
0xc0: {  	v40 =	vor.u32 $0x38, v9;
	v41 =	vld.idx.msk [tilespmem:v35+s14+$0x0], $0xffff;
	v10 =	vadd.f32 v33, v10  }
0xc1: {  	v42 =	vmul.f32 v36, v36;
	v12 =	vadd.f32 v39, v12  }
0xc2: {  	v43 =	vor.u32 $0x39, v9;
	v44 =	vld.idx.msk [tilespmem:v38+s14+$0x0], $0xffff;
	v10 =	vadd.f32 v36, v10  }
0xc3: {  	v46 =	vor.u32 $0x3A, v9;
	v12 =	vadd.f32 v42, v12;
	v45 =	vmul.f32 v11, v11  }
0xc4: {  	v10 =	vadd.f32 v11, v10  }
0xc5: {  	v47 =	vmul.f32 v41, v41;
	v11 =	vld.idx.msk [tilespmem:v40+s14+$0x0], $0xffff;
	v12 =	vadd.f32 v45, v12  }
0xc6: {  	v49 =	vor.u32 $0x3B, v9;
	v10 =	vadd.f32 v41, v10  }
0xc7: {  	v48 =	vld.idx.msk [tilespmem:v43+s14+$0x0], $0xffff;
	v50 =	vmul.f32 v44, v44;
	v12 =	vadd.f32 v47, v12  }
0xc8: {  	v16 =	vld.idx.msk [tilespmem:v46+s14+$0x0], $0xffff;
	v51 =	vor.u32 $0x3C, v9;
	v10 =	vadd.f32 v44, v10  }
0xc9: {  	v12 =	vadd.f32 v50, v12  }
0xca: {  	v52 =	vmul.f32 v11, v11;
	v10 =	vadd.f32 v11, v10;
	v11 =	vor.u32 $0x3D, v9  }
0xcb: {  	v54 =	vor.u32 $0x3E, v9;
	v17 =	vld.idx.msk [tilespmem:v49+s14+$0x0], $0xffff  }
0xcc: {  	v53 =	vmul.f32 v48, v48;
	v12 =	vadd.f32 v52, v12;
	v10 =	vadd.f32 v48, v10  }
0xcd: {  	v55 =	vmul.f32 v16, v16;
	v14 =	vld.idx.msk [tilespmem:v51+s14+$0x0], $0xffff  }
0xce: {  	v9 =	vor.u32 $0x3F, v9;
	v12 =	vadd.f32 v53, v12;
	v10 =	vadd.f32 v16, v10  }
0xcf: {  	v11 =	vld.idx.msk [tilespmem:v11+s14+$0x0], $0xffff  }
0xd0: {  	v56 =	vmul.f32 v17, v17;
	v12 =	vadd.f32 v55, v12;
	v10 =	vadd.f32 v17, v10  }
0xd1: {  	v13 =	vld.idx.msk [tilespmem:v54+s14+$0x0], $0xffff  }
0xd2: {  	v12 =	vadd.f32 v56, v12;
	v10 =	vadd.f32 v14, v10;
	v14 =	vmul.f32 v14, v14  }
0xd3: {  	v9 =	vld.idx.msk [tilespmem:v9+s14+$0x0], $0xffff  }
0xd4: {  	v12 =	vadd.f32 v14, v12;
	v10 =	vadd.f32 v11, v10;
	v11 =	vmul.f32 v11, v11;
	_ =	sdelay $0x1  }
0xd5: {  	v57 =	vmul.f32 v13, v13;
	v11 =	vadd.f32 v11, v12;
	v10 =	vadd.f32 v13, v10;
	_ =	sdelay $0x1  }
0xd6: {  	v11 =	vadd.f32 v57, v11;
	v10 =	vadd.f32 v9, v10;
	v9 =	vmul.f32 v9, v9;
	_ =	sdelay $0x1  }
0xd7: {  	v11 =	vadd.f32 v9, v11;
	v9 =	vmul.f32 $1.562500000e-02, v10;
	_ =	sdelay $0x1  }
0xd8: {  	v10 =	vmul.f32 $1.562500000e-02, v11;
	v11 =	vmul.f32 v9, v9;
	_ =	sdelay $0x1  }
0xd9: {  	v10 =	vsub.f32 v10, v11;
	_ =	sdelay $0x1  }
0xda: {  	v10 =	vmax.f32 v10, $0.0e+00  }
0xdb: {  	v10 =	vadd.f32 $9.999999960e-13, v10;
	_ =	sdelay $0x1  }
0xdc: {  	v11 =	vshra.s32 v10, $0x1;
	v10 =	vmul.f32 $5.000000000e-01, v10  }
0xdd: {  	v11 =	vsub.s32 $0x5F3759DF, v11  }
0xde: {  	v58 =	vmul.f32 v11, v10;
	_ =	sdelay $0x1  }
0xdf: {  	v12 =	vmul.f32 v11, v58;
	_ =	sdelay $0x1  }
0xe0: {  	v12 =	vsub.f32 $1.500000000e+00, v12;
	_ =	sdelay $0x1  }
0xe1: {  	v11 =	vmul.f32 v11, v12;
	_ =	sdelay $0x1  }
0xe2: {  	v12 =	vmul.f32 v11, v10;
	_ =	sdelay $0x1  }
0xe3: {  	v12 =	vmul.f32 v12, v11;
	_ =	sdelay $0x1  }
0xe4: {  	v12 =	vsub.f32 $1.500000000e+00, v12;
	_ =	sdelay $0x1  }
0xe5: {  	v11 =	vmul.f32 v12, v11;
	_ =	sdelay $0x1  }
0xe6: {  	v10 =	vmul.f32 v11, v10;
	_ =	sdelay $0x1  }
0xe7: {  	v10 =	vmul.f32 v10, v11;
	_ =	sdelay $0x1  }
0xe8: {  	v10 =	vsub.f32 $1.500000000e+00, v10;
	_ =	sdelay $0x1  }
0xe9: {  	v10 =	vmul.f32 v10, v11;
	v11 =	vld [tilespmem:s2+$0xFFFFFE30];
	_ =	sdelay $0x2  }
0xea: {  	v62 =	vbroadcast v9, $0x0;
	_ =	sdelay $0x1  }
0xeb: {  	v63 =	vbroadcast v10, $0x0;
	v11 =	vsub.f32 v11, v62;
	_ =	sdelay $0x1  }
0xec: {  	v60 =	vld [tilespmem:s2+$0xFFFFFE10];
	v11 =	vmul.f32 v63, v11;
	_ =	sdelay $0x1  }
0xed: {  	v11 =	vmul.f32 v11, v4;
	_ =	sdelay $0x1  }
0xee: {  	v11 =	vadd.f32 v11, v8  }
0xef: {  	v13 =	vsub.f32 v60, v62  }
0xf0: {  	[tilespmem:s2+$0xFFFFFE30] =	vst v11;
	v11 =	vld [tilespmem:s2+$0xFFFFFE40]  }
0xf1: {  	v13 =	vmul.f32 v63, v13  }
0xf2: {  	v22 =	vld [tilespmem:s2+$0xFFFFFE60]  }
0xf3: {  	v24 =	vbroadcast v9, $0x1;
	v13 =	vmul.f32 v13, v2;
	_ =	sdelay $0x1  }
0xf4: {  	v25 =	vbroadcast v10, $0x1;
	v13 =	vadd.f32 v13, v6;
	v11 =	vsub.f32 v11, v24;
	_ =	sdelay $0x1  }
0xf5: {  	[tilespmem:s2+$0xFFFFFE10] =	vst v13;
	v13 =	vsub.f32 v22, v24;
	v11 =	vmul.f32 v25, v11;
	_ =	sdelay $0x1  }
0xf6: {  	v13 =	vmul.f32 v25, v13;
	v11 =	vmul.f32 v11, v1;
	_ =	sdelay $0x1  }
0xf7: {  	v13 =	vmul.f32 v13, v3;
	v11 =	vadd.f32 v11, v5;
	_ =	sdelay $0x1  }
0xf8: {  	[tilespmem:s2+$0xFFFFFE40] =	vst v11;
	v11 =	vadd.f32 v13, v7;
	_ =	sdelay $0x1  }
0xf9: {  	[tilespmem:s2+$0xFFFFFE60] =	vst v11;
	v11 =	vld [tilespmem:s2+$0xFFFFFE80];
	_ =	sdelay $0x1  }
0xfa: {  	v28 =	vld [tilespmem:s2+$0xFFFFFEA0]  }
0xfb: {  	v30 =	vbroadcast v9, $0x2;
	_ =	sdelay $0x1  }
0xfc: {  	v31 =	vbroadcast v10, $0x2;
	v11 =	vsub.f32 v11, v30;
	_ =	sdelay $0x1  }
0xfd: {  	v13 =	vsub.f32 v28, v30;
	v11 =	vmul.f32 v31, v11;
	_ =	sdelay $0x1  }
0xfe: {  	v13 =	vmul.f32 v31, v13;
	v11 =	vmul.f32 v11, v1;
	_ =	sdelay $0x1  }
0xff: {  	v13 =	vmul.f32 v13, v3;
	v11 =	vadd.f32 v11, v5;
	_ =	sdelay $0x1  }
0x100: {  	[tilespmem:s2+$0xFFFFFE80] =	vst v11;
	v11 =	vadd.f32 v13, v7;
	_ =	sdelay $0x1  }
0x101: {  	[tilespmem:s2+$0xFFFFFEA0] =	vst v11;
	v11 =	vld [tilespmem:s2+$0xFFFFFEC0];
	_ =	sdelay $0x1  }
0x102: {  	v34 =	vld [tilespmem:s2+$0xFFFFFEE0]  }
0x103: {  	v36 =	vbroadcast v9, $0x3;
	_ =	sdelay $0x1  }
0x104: {  	v37 =	vbroadcast v10, $0x3;
	v11 =	vsub.f32 v11, v36;
	_ =	sdelay $0x1  }
0x105: {  	v13 =	vsub.f32 v34, v36;
	v11 =	vmul.f32 v11, v37;
	_ =	sdelay $0x1  }
0x106: {  	v13 =	vmul.f32 v13, v37;
	v11 =	vmul.f32 v11, v1;
	_ =	sdelay $0x1  }
0x107: {  	v13 =	vmul.f32 v13, v3;
	v11 =	vadd.f32 v11, v5;
	_ =	sdelay $0x1  }
0x108: {  	[tilespmem:s2+$0xFFFFFEC0] =	vst v11;
	v11 =	vadd.f32 v13, v7;
	_ =	sdelay $0x1  }
0x109: {  	[tilespmem:s2+$0xFFFFFEE0] =	vst v11;
	v11 =	vld [tilespmem:s2+$0xFFFFFF00];
	_ =	sdelay $0x1  }
0x10a: {  	v40 =	vld [tilespmem:s2+$0xFFFFFF20]  }
0x10b: {  	v42 =	vbroadcast v9, $0x4;
	_ =	sdelay $0x1  }
0x10c: {  	v43 =	vbroadcast v10, $0x4;
	v11 =	vsub.f32 v11, v42;
	_ =	sdelay $0x1  }
0x10d: {  	v13 =	vsub.f32 v40, v42;
	v11 =	vmul.f32 v11, v43;
	_ =	sdelay $0x1  }
0x10e: {  	v13 =	vmul.f32 v13, v43;
	v11 =	vmul.f32 v11, v1;
	_ =	sdelay $0x1  }
0x10f: {  	v13 =	vmul.f32 v13, v3;
	v11 =	vadd.f32 v11, v5;
	_ =	sdelay $0x1  }
0x110: {  	[tilespmem:s2+$0xFFFFFF00] =	vst v11;
	v11 =	vadd.f32 v13, v7;
	_ =	sdelay $0x1  }
0x111: {  	[tilespmem:s2+$0xFFFFFF20] =	vst v11;
	v11 =	vld [tilespmem:s2+$0xFFFFFF40];
	_ =	sdelay $0x1  }
0x112: {  	v46 =	vld [tilespmem:s2+$0xFFFFFF60]  }
0x113: {  	v48 =	vbroadcast v9, $0x5;
	_ =	sdelay $0x1  }
0x114: {  	v49 =	vbroadcast v10, $0x5;
	v11 =	vsub.f32 v11, v48;
	_ =	sdelay $0x1  }
0x115: {  	v13 =	vsub.f32 v46, v48;
	v11 =	vmul.f32 v11, v49;
	_ =	sdelay $0x1  }
0x116: {  	v13 =	vmul.f32 v13, v49;
	v11 =	vmul.f32 v11, v1;
	_ =	sdelay $0x1  }
0x117: {  	v13 =	vmul.f32 v13, v3;
	v11 =	vadd.f32 v11, v5;
	_ =	sdelay $0x1  }
0x118: {  	[tilespmem:s2+$0xFFFFFF40] =	vst v11;
	v11 =	vadd.f32 v13, v7;
	_ =	sdelay $0x1  }
0x119: {  	[tilespmem:s2+$0xFFFFFF60] =	vst v11;
	v11 =	vld [tilespmem:s2+$0xFFFFFF80];
	_ =	sdelay $0x1  }
0x11a: {  	v52 =	vld [tilespmem:s2+$0xFFFFFFA0]  }
0x11b: {  	v54 =	vbroadcast v9, $0x6;
	_ =	sdelay $0x1  }
0x11c: {  	v55 =	vbroadcast v10, $0x6;
	v11 =	vsub.f32 v11, v54;
	_ =	sdelay $0x1  }
0x11d: {  	v13 =	vsub.f32 v52, v54;
	v11 =	vmul.f32 v11, v55;
	_ =	sdelay $0x1  }
0x11e: {  	v13 =	vmul.f32 v13, v55;
	v11 =	vmul.f32 v11, v1;
	_ =	sdelay $0x1  }
0x11f: {  	v13 =	vmul.f32 v13, v3;
	v11 =	vadd.f32 v11, v5  }
0x120: {  	v59 =	vld [tilespmem:s2+$0xFFFFFE00]  }
0x121: {  	[tilespmem:s2+$0xFFFFFF80] =	vst v11;
	v11 =	vadd.f32 v13, v7  }
0x122: {  	v61 =	vld [tilespmem:s2+$0xFFFFFE20]  }
0x123: {  	[tilespmem:s2+$0xFFFFFFA0] =	vst v11;
	v11 =	vld [tilespmem:s2+$0xFFFFFFC0];
	_ =	sdelay $0x1  }
0x124: {  	v58 =	vld [tilespmem:s2+$0xFFFFFFE0];
	v12 =	vsub.f32 v59, v62  }
0x125: {  	v60 =	vbroadcast v9, $0x7  }
0x126: {  	v12 =	vmul.f32 v63, v12  }
0x127: {  	v21 =	vld [tilespmem:s2+$0xFFFFFE50];
	v14 =	vsub.f32 v61, v62;
	v61 =	vbroadcast v10, $0x7;
	v11 =	vsub.f32 v11, v60  }
0x128: {  	v12 =	vmul.f32 v12, v1  }
0x129: {  	v13 =	vsub.f32 v58, v60;
	v11 =	vmul.f32 v11, v61  }
0x12a: {  	v12 =	vadd.f32 v12, v5  }
0x12b: {  	v13 =	vmul.f32 v13, v61;
	v11 =	vmul.f32 v11, v1  }
0x12c: {  	[tilespmem:s2+$0xFFFFFE00] =	vst v12;
	v12 =	vsub.f32 v21, v24  }
0x12d: {  	v14 =	vmul.f32 v63, v14;
	v13 =	vmul.f32 v13, v3;
	v11 =	vadd.f32 v11, v5  }
0x12e: {  	v12 =	vmul.f32 v25, v12  }
0x12f: {  	v27 =	vld [tilespmem:s2+$0xFFFFFE90];
	v14 =	vmul.f32 v14, v3;
	[tilespmem:s2+$0xFFFFFFC0] =	vst v11;
	v11 =	vadd.f32 v13, v7  }
0x130: {  	v23 =	vld [tilespmem:s2+$0xFFFFFE70];
	v12 =	vmul.f32 v12, v2  }
0x131: {  	v20 =	vadd.f32 v14, v7;
	[tilespmem:s2+$0xFFFFFFE0] =	vst v11;
	v11 =	vld [tilespmem:s2+$0x0]  }
0x132: {  	v12 =	vadd.f32 v12, v6  }
0x133: {  	[tilespmem:s2+$0xFFFFFE20] =	vst v20;
	v20 =	vld [tilespmem:s2+$0x20]  }
0x134: {  	v22 =	vbroadcast v9, $0x8;
	[tilespmem:s2+$0xFFFFFE50] =	vst v12;
	v12 =	vsub.f32 v27, v30  }
0x135: {  	v14 =	vsub.f32 v23, v24  }
0x136: {  	v23 =	vbroadcast v10, $0x8;
	v12 =	vmul.f32 v31, v12;
	v11 =	vsub.f32 v11, v22  }
0x137: {  	v33 =	vld [tilespmem:s2+$0xFFFFFED0]  }
0x138: {  	v12 =	vmul.f32 v12, v2;
	v13 =	vsub.f32 v20, v22;
	v11 =	vmul.f32 v11, v23;
	_ =	sdelay $0x1  }
0x139: {  	v12 =	vadd.f32 v12, v6;
	v13 =	vmul.f32 v13, v23;
	v11 =	vmul.f32 v11, v1  }
0x13a: {  	v14 =	vmul.f32 v25, v14  }
0x13b: {  	[tilespmem:s2+$0xFFFFFE90] =	vst v12;
	v12 =	vsub.f32 v33, v36;
	v13 =	vmul.f32 v13, v3;
	v11 =	vadd.f32 v11, v5;
	_ =	sdelay $0x1  }
0x13c: {  	v29 =	vld [tilespmem:s2+$0xFFFFFEB0];
	v14 =	vmul.f32 v14, v4;
	v12 =	vmul.f32 v12, v37;
	[tilespmem:s2+$0x0] =	vst v11;
	v11 =	vadd.f32 v13, v7  }
0x13d: {  	v39 =	vld [tilespmem:s2+$0xFFFFFF10]  }
0x13e: {  	v26 =	vadd.f32 v14, v8;
	v12 =	vmul.f32 v12, v2;
	[tilespmem:s2+$0x20] =	vst v11;
	v11 =	vld [tilespmem:s2+$0x40];
	_ =	sdelay $0x1  }
0x13f: {  	[tilespmem:s2+$0xFFFFFE70] =	vst v26;
	v26 =	vld [tilespmem:s2+$0x60];
	v12 =	vadd.f32 v12, v6  }
0x140: {  	v28 =	vbroadcast v9, $0x9  }
0x141: {  	[tilespmem:s2+$0xFFFFFED0] =	vst v12;
	v12 =	vsub.f32 v39, v42  }
0x142: {  	v14 =	vsub.f32 v29, v30;
	v29 =	vbroadcast v10, $0x9;
	v11 =	vsub.f32 v11, v28  }
0x143: {  	v12 =	vmul.f32 v12, v43  }
0x144: {  	v13 =	vsub.f32 v26, v28;
	v11 =	vmul.f32 v11, v29  }
0x145: {  	v45 =	vld [tilespmem:s2+$0xFFFFFF50];
	v12 =	vmul.f32 v12, v2  }
0x146: {  	v13 =	vmul.f32 v13, v29;
	v11 =	vmul.f32 v11, v1  }
0x147: {  	v12 =	vadd.f32 v12, v6  }
0x148: {  	v14 =	vmul.f32 v31, v14;
	v13 =	vmul.f32 v13, v3;
	v11 =	vadd.f32 v11, v5  }
0x149: {  	[tilespmem:s2+$0xFFFFFF10] =	vst v12  }
0x14a: {  	v14 =	vmul.f32 v14, v4;
	v12 =	vsub.f32 v45, v48;
	[tilespmem:s2+$0x40] =	vst v11;
	v11 =	vadd.f32 v13, v7  }
0x14b: {  	v35 =	vld [tilespmem:s2+$0xFFFFFEF0]  }
0x14c: {  	v32 =	vadd.f32 v14, v8;
	v12 =	vmul.f32 v12, v49;
	[tilespmem:s2+$0x60] =	vst v11;
	v11 =	vld [tilespmem:s2+$0x80]  }
0x14d: {  	v51 =	vld [tilespmem:s2+$0xFFFFFF90]  }
0x14e: {  	[tilespmem:s2+$0xFFFFFEB0] =	vst v32;
	v32 =	vld [tilespmem:s2+$0xA0];
	v12 =	vmul.f32 v12, v2  }
0x14f: {  	v34 =	vbroadcast v9, $0xA  }
0x150: {  	v12 =	vadd.f32 v12, v6  }
0x151: {  	v14 =	vsub.f32 v35, v36;
	v35 =	vbroadcast v10, $0xA;
	v11 =	vsub.f32 v11, v34  }
0x152: {  	[tilespmem:s2+$0xFFFFFF50] =	vst v12;
	v12 =	vsub.f32 v51, v54  }
0x153: {  	v13 =	vsub.f32 v32, v34;
	v11 =	vmul.f32 v11, v35  }
0x154: {  	v12 =	vmul.f32 v12, v55  }
0x155: {  	v41 =	vld [tilespmem:s2+$0xFFFFFF30];
	v13 =	vmul.f32 v13, v35;
	v11 =	vmul.f32 v11, v1  }
0x156: {  	v57 =	vld [tilespmem:s2+$0xFFFFFFD0];
	v14 =	vmul.f32 v14, v37;
	v12 =	vmul.f32 v12, v2  }
0x157: {  	v13 =	vmul.f32 v13, v3;
	v11 =	vadd.f32 v11, v5  }
0x158: {  	v14 =	vmul.f32 v14, v4;
	v12 =	vadd.f32 v12, v6  }
0x159: {  	[tilespmem:s2+$0x80] =	vst v11;
	v11 =	vadd.f32 v13, v7  }
0x15a: {  	v38 =	vadd.f32 v14, v8;
	v14 =	vsub.f32 v41, v42;
	[tilespmem:s2+$0xFFFFFF90] =	vst v12  }
0x15b: {  	v12 =	vsub.f32 v57, v60;
	[tilespmem:s2+$0xA0] =	vst v11;
	v11 =	vld [tilespmem:s2+$0xC0]  }
0x15c: {  	v47 =	vld [tilespmem:s2+$0xFFFFFF70];
	v14 =	vmul.f32 v14, v43  }
0x15d: {  	[tilespmem:s2+$0xFFFFFEF0] =	vst v38;
	v38 =	vld [tilespmem:s2+$0xE0];
	v12 =	vmul.f32 v12, v61  }
0x15e: {  	v63 =	vld [tilespmem:s2+$0x10];
	v14 =	vmul.f32 v14, v4;
	v40 =	vbroadcast v9, $0xB  }
0x15f: {  	v12 =	vmul.f32 v12, v2  }
0x160: {  	v41 =	vbroadcast v10, $0xB;
	v44 =	vadd.f32 v14, v8;
	v11 =	vsub.f32 v11, v40  }
0x161: {  	v14 =	vsub.f32 v47, v48;
	v12 =	vadd.f32 v12, v6  }
0x162: {  	v13 =	vsub.f32 v38, v40;
	v11 =	vmul.f32 v11, v41  }
0x163: {  	v53 =	vld [tilespmem:s2+$0xFFFFFFB0];
	v14 =	vmul.f32 v14, v49;
	[tilespmem:s2+$0xFFFFFFD0] =	vst v12;
	v12 =	vsub.f32 v63, v22  }
0x164: {  	v13 =	vmul.f32 v13, v41;
	v11 =	vmul.f32 v11, v1  }
0x165: {  	v14 =	vmul.f32 v14, v4;
	v12 =	vmul.f32 v12, v23  }
0x166: {  	v25 =	vld [tilespmem:s2+$0x50];
	v13 =	vmul.f32 v13, v3;
	v11 =	vadd.f32 v11, v5  }
0x167: {  	v50 =	vadd.f32 v14, v8;
	v12 =	vmul.f32 v12, v2  }
0x168: {  	v14 =	vsub.f32 v53, v54;
	[tilespmem:s2+$0xC0] =	vst v11;
	v11 =	vadd.f32 v13, v7  }
0x169: {  	v59 =	vld [tilespmem:s2+$0xFFFFFFF0];
	v12 =	vadd.f32 v12, v6  }
0x16a: {  	v14 =	vmul.f32 v14, v55;
	[tilespmem:s2+$0xE0] =	vst v11;
	v11 =	vld [tilespmem:s2+$0x100]  }
0x16b: {  	[tilespmem:s2+$0x10] =	vst v12;
	v12 =	vsub.f32 v25, v28  }
0x16c: {  	[tilespmem:s2+$0xFFFFFF30] =	vst v44;
	v44 =	vld [tilespmem:s2+$0x120];
	v14 =	vmul.f32 v14, v4  }
0x16d: {  	v46 =	vbroadcast v9, $0xC;
	v12 =	vmul.f32 v12, v29  }
0x16e: {  	v31 =	vld [tilespmem:s2+$0x90];
	v56 =	vadd.f32 v14, v8;
	v14 =	vsub.f32 v59, v60  }
0x16f: {  	v21 =	vld [tilespmem:s2+$0x30];
	v47 =	vbroadcast v10, $0xC;
	v12 =	vmul.f32 v12, v2;
	v11 =	vsub.f32 v11, v46  }
0x170: {  	v14 =	vmul.f32 v14, v61  }
0x171: {  	v12 =	vadd.f32 v12, v6;
	v13 =	vsub.f32 v44, v46;
	v11 =	vmul.f32 v11, v47  }
0x172: {  	v14 =	vmul.f32 v14, v4  }
0x173: {  	[tilespmem:s2+$0x50] =	vst v12;
	v12 =	vsub.f32 v31, v34;
	v13 =	vmul.f32 v13, v47;
	v11 =	vmul.f32 v11, v1  }
0x174: {  	v62 =	vadd.f32 v14, v8;
	v14 =	vsub.f32 v21, v22  }
0x175: {  	v27 =	vld [tilespmem:s2+$0x70];
	v12 =	vmul.f32 v12, v35;
	v13 =	vmul.f32 v13, v3;
	v11 =	vadd.f32 v11, v5  }
0x176: {  	v37 =	vld [tilespmem:s2+$0xD0];
	v14 =	vmul.f32 v14, v23  }
0x177: {  	v12 =	vmul.f32 v12, v2;
	[tilespmem:s2+$0x100] =	vst v11;
	v11 =	vadd.f32 v13, v7  }
0x178: {  	v14 =	vmul.f32 v14, v4  }
0x179: {  	v12 =	vadd.f32 v12, v6;
	[tilespmem:s2+$0x120] =	vst v11;
	v11 =	vld [tilespmem:s2+$0x140]  }
0x17a: {  	[tilespmem:s2+$0xFFFFFF70] =	vst v50;
	v24 =	vadd.f32 v14, v8  }
0x17b: {  	v50 =	vld [tilespmem:s2+$0x160];
	v14 =	vsub.f32 v27, v28;
	[tilespmem:s2+$0x90] =	vst v12;
	v12 =	vsub.f32 v37, v40  }
0x17c: {  	v52 =	vbroadcast v9, $0xD  }
0x17d: {  	v33 =	vld [tilespmem:s2+$0xB0];
	v14 =	vmul.f32 v14, v29;
	v12 =	vmul.f32 v12, v41  }
0x17e: {  	v53 =	vbroadcast v10, $0xD;
	v43 =	vld [tilespmem:s2+$0x110];
	v11 =	vsub.f32 v11, v52  }
0x17f: {  	v14 =	vmul.f32 v14, v4;
	v12 =	vmul.f32 v12, v2  }
0x180: {  	v13 =	vsub.f32 v50, v52;
	v11 =	vmul.f32 v11, v53  }
0x181: {  	v30 =	vadd.f32 v14, v8;
	v12 =	vadd.f32 v12, v6  }
0x182: {  	v14 =	vsub.f32 v33, v34;
	v13 =	vmul.f32 v13, v53;
	v11 =	vmul.f32 v11, v1  }
0x183: {  	v39 =	vld [tilespmem:s2+$0xF0];
	[tilespmem:s2+$0xD0] =	vst v12;
	v12 =	vsub.f32 v43, v46  }
0x184: {  	v14 =	vmul.f32 v14, v35;
	v13 =	vmul.f32 v13, v3;
	v11 =	vadd.f32 v11, v5  }
0x185: {  	v12 =	vmul.f32 v12, v47  }
0x186: {  	v14 =	vmul.f32 v14, v4;
	v49 =	vld [tilespmem:s2+$0x150];
	[tilespmem:s2+$0x140] =	vst v11;
	v11 =	vadd.f32 v13, v7  }
0x187: {  	v12 =	vmul.f32 v12, v2  }
0x188: {  	v36 =	vadd.f32 v14, v8;
	v14 =	vsub.f32 v39, v40;
	[tilespmem:s2+$0x160] =	vst v11;
	v11 =	vld [tilespmem:s2+$0x180]  }
0x189: {  	v45 =	vld [tilespmem:s2+$0x130];
	v12 =	vadd.f32 v12, v6  }
0x18a: {  	[tilespmem:s2+$0xFFFFFFB0] =	vst v56;
	v56 =	vld [tilespmem:s2+$0x1A0];
	v14 =	vmul.f32 v14, v41  }
0x18b: {  	v58 =	vbroadcast v9, $0xE;
	[tilespmem:s2+$0x110] =	vst v12;
	v12 =	vsub.f32 v49, v52  }
0x18c: {  	v14 =	vmul.f32 v14, v4  }
0x18d: {  	v59 =	vbroadcast v10, $0xE;
	v12 =	vmul.f32 v12, v53;
	v11 =	vsub.f32 v11, v58  }
0x18e: {  	v42 =	vadd.f32 v14, v8;
	v14 =	vsub.f32 v45, v46;
	v55 =	vld [tilespmem:s2+$0x190]  }
0x18f: {  	v51 =	vld [tilespmem:s2+$0x170];
	v12 =	vmul.f32 v12, v2;
	v13 =	vsub.f32 v56, v58;
	v11 =	vmul.f32 v11, v59  }
0x190: {  	v14 =	vmul.f32 v14, v47  }
0x191: {  	v12 =	vadd.f32 v12, v6;
	v13 =	vmul.f32 v13, v59;
	v11 =	vmul.f32 v11, v1  }
0x192: {  	v14 =	vmul.f32 v14, v4  }
0x193: {  	[tilespmem:s2+$0x150] =	vst v12;
	v12 =	vsub.f32 v55, v58;
	v13 =	vmul.f32 v13, v3;
	v11 =	vadd.f32 v11, v5  }
0x194: {  	[tilespmem:s2+$0xFFFFFFF0] =	vst v62;
	v62 =	vld [tilespmem:s2+$0x1E0];
	v48 =	vadd.f32 v14, v8;
	v14 =	vsub.f32 v51, v52  }
0x195: {  	v57 =	vld [tilespmem:s2+$0x1B0];
	v12 =	vmul.f32 v12, v59;
	[tilespmem:s2+$0x180] =	vst v11;
	v11 =	vadd.f32 v13, v7  }
0x196: {  	v14 =	vmul.f32 v14, v53;
	v61 =	vld [tilespmem:s2+$0x1D0]  }
0x197: {  	v12 =	vmul.f32 v12, v2;
	[tilespmem:s2+$0x1A0] =	vst v11;
	v11 =	vld [tilespmem:s2+$0x1C0]  }
0x198: {  	v63 =	vld [tilespmem:s2+$0x1F0];
	v14 =	vmul.f32 v14, v4  }
0x199: {  	v9 =	vbroadcast v9, $0xF;
	v12 =	vadd.f32 v12, v6  }
0x19a: {  	v54 =	vadd.f32 v14, v8;
	v14 =	vsub.f32 v57, v58  }
0x19b: {  	v10 =	vbroadcast v10, $0xF;
	[tilespmem:s2+$0x190] =	vst v12;
	v12 =	vsub.f32 v61, v9  }
0x19c: {  	[tilespmem:s2+$0x30] =	vst v24;
	v14 =	vmul.f32 v14, v59;
	v11 =	vsub.f32 v11, v9  }
0x19d: {  	[tilespmem:s2+$0x70] =	vst v30;
	v12 =	vmul.f32 v12, v10;
	v13 =	vsub.f32 v62, v9;
	v9 =	vsub.f32 v63, v9  }
0x19e: {  	[tilespmem:s2+$0xB0] =	vst v36;
	v14 =	vmul.f32 v14, v4;
	v11 =	vmul.f32 v11, v10  }
0x19f: {  	[tilespmem:s2+$0xF0] =	vst v42;
	v12 =	vmul.f32 v12, v2;
	v9 =	vmul.f32 v9, v10  }
0x1a0: {  	[tilespmem:s2+$0x130] =	vst v48;
	v60 =	vadd.f32 v14, v8;
	v13 =	vmul.f32 v13, v10;
	v11 =	vmul.f32 v11, v1  }
0x1a1: {  	p0 =	sne.s32 s4, $0x3F0;
	[tilespmem:s2+$0x170] =	vst v54;
	v12 =	vadd.f32 v12, v6;
	v9 =	vmul.f32 v9, v4  }
.Ltmp0:
0x1a2: {  	[tilespmem:s2+$0x1B0] =	vst v60;
	v10 =	vadd.f32 v11, v5;
	v11 =	vmul.f32 v13, v3;
	(pc) =	sbr.rel @p0 .LBB2_3-.Ltmp0, $4  }
0x1a3: {  	[tilespmem:s2+$0x1D0] =	vst v12;
	v9 =	vadd.f32 v9, v8  }
0x1a4: {  	[tilespmem:s2+$0x1C0] =	vst v10;
	v10 =	vadd.f32 v11, v7  }
0x1a5: {  	[tilespmem:s2+$0x1F0] =	vst v9  }
0x1a6: {  	s4 =	sadd.s32 $0x10, s4;
	[tilespmem:s2+$0x1E0] =	vst v10;
	s2 =	sadd.s32 $0x400, s2  }
0x1a7: {  	s31 =	sadd.s32 $0x1, s31  }
0x1a8: {  	s0 =	sshll.u32 s0, $0x3;
	p0 =	sne.s32 s31, $0x19  }
.Ltmp1:
0x1a9: {  	s0 =	sadd.s32 s5, s0;
	(pc) =	sbr.rel @p0 .LBB2_2-.Ltmp1, $4  }
0x1aa: {  	[hbm4b:s0+s6] =	stream.linear.scatter [tilespmem:s14], [sflag:$0x2], $0x10000, $0x38;
	[tilespmem:$0x10480] =	vst v63  }
0x1ab: {  	_ =	swait.ge [sflag:s11], $0x10000  }
0x1ac: {  	[sflag:s11] =	ssyncset.done $0x0  }
0x1ad: {  	[sflag:s11] =	ssyncadd.s32 $0xFFFF0000  }
0x1ae: {  	s30 =	sadd.s32 $0x1, s30  }
0x1af: {  	p0 =	sne.s32 s30, s9  }
.Ltmp2:
0x1b0: {  	_ = 	snop;
	(pc) =	sbr.rel @p0 .LBB2_1-.Ltmp2, $1  }
0x1b1: {  	_ =	sdelay $0x3  }
0x1b2: {  	_ =	sfence.sel $0x180000  }
0x1b3: {  	[bflag:$0x0] =	sbarrier.arrive $0xFFFF  }
0x1b4: {  	_ =	strace $0x90000047  }
0x1b5: {  	s0 =	stileid.u32;
	[bflag:$0x2] =	sbarrier.arrive $0xFFFF  }
0x1b6: {  	p0 =	sne.s32 s0, $0x0;
	s0 =	rddreg [dreg:$0x5]  }
0x1b7: {  	s0 =	sadd.s32 @!p0 $0x100000, s0  }
0x1b8: {  	[sflag:s0] =	ssyncadd.tile.s32 @!p0 $0x1;
	_ =	shalt  }
.Lfunc_end2:
_tile_overlayer_lowered:
.L_overlay_start_2:
0x1b9: {  	(tag) =	ssettag $0x2  }
0x1ba: {  	s0 =	rddreg [dreg:$0x0];
	s2 =	stileid.u32  }
0x1bb: {  	s1 =	rddreg [dreg:$0x1];
	p0 =	sne.s32 s2, $0x0  }
0x1bc: {  	s3 =	rddreg [dreg:$0x2];
	[bflag:$0x3] =	sbarrier.arrive $0xFFFF;
	s2 =	simm.s32 @!p0 $0x1C02  }
0x1bd: {  	[timem:s3], [sflag:s2] =	dma.local @!p0 [hbm:s0], s1  }
0x1be: {  	s0 =	simm.s32 @!p0 $0x2  }
0x1bf: {  	_ =	swait.ge @!p0 [sflag:s0], s1  }
0x1c0: {  	s1 =	ssub.s32 @!p0 $0x0, s1;
	[sflag:s0] =	ssyncset.done @!p0 $0x0  }
0x1c1: {  	[sflag:s0] =	ssyncadd.s32 @!p0 s1  }
0x1c2: {  	[bflag:$0x3] =	sbarrier.arrive $0xFFFF  }
0x1c3: {  	_ =	shalt  }

// kernel: sparse-core-data-format-call.cloned.1.call-start
scs
called_computation_lowered:
.L_overlay_start_0:
0x0: {  	s2 =	sld [smem:$0x3FD9]  }
0x1: {  	s3 =	sld [smem:$0x3FFE];
	_ =	sdelay $0x1  }
0x2: {  	s1 =	srdreg.scid  }
0x3: {  	s0 =	sand.u32 $0x1, s1  }
0x4: {  	s18 =	sshll.u32 s0, $0xA;
	s2 =	sadd.s32 s3, s2  }
0x5: {  	s2 =	sadd.s32 s2, s18  }
0x6: {  	[smem:$0x3FC4] =	sst s2  }
0x7: {  	_ = 	snop  }
0x8: {  	s2 =	sld [smem:$0x3FD0];
	(tm) =	ssettm $0x1  }
0x9: {  	s19 =	sld [smem:$0x3FFB];
	_ =	sdelay $0x3  }
0xa: {  	_ =	strace s19  }
0xb: {  	s3 =	sld [smem:$0x3FFC];
	_ =	sdelay $0x3  }
0xc: {  	_ =	strace s3  }
0xd: {  	s3 =	sld [smem:$0x3FFD];
	_ =	sdelay $0x3  }
0xe: {  	_ =	strace s3  }
0xf: {  	_ =	strace $0x8FFFFFFF  }
0x10: {  	s20 =	sld [smem:$0x3FDB];
	_ =	sdelay $0x1  }
0x11: {  	s4 =	simm.s32 $_scs_section_size  }
0x12: {  	s5 =	simm.s32 $_size__tile_overlayer_lowered;
	s6 =	simm.s32 $_tile_overlayer_lowered  }
0x13: {  	s23 =	simm.s32 $0x1BFF;
	s22 =	sshll.u32 s6, $0x1;
	s3 =	sadd.s32 s4, s20  }
0x14: {  	s7 =	simm.s32 $0x0;
	s21 =	sshll.u32 s5, $0x1;
	s5 =	sadd.s32 s22, s3  }
0x15: {  	[timem:s7], [sflag:s23] =	dma.local [hbm:s5], s21  }
0x16: {  	_ =	swait.ge [sflag:s23], s21  }
0x17: {  	s4 =	ssub.s32 $0x0, s21;
	[sflag:s23] =	ssyncset.done $0x0  }
0x18: {  	[sflag:s23] =	ssyncadd.s32 s4;
	_ =	sdelay $0x1  }
0x19: {  	s24 =	simm.s32 $0x1B8B  }
0x1a: {  	_ =	swait.ge [sflag:s24], $0x1  }
0x1b: {  	[sflag:s24] =	ssyncset.done $0x0  }
0x1c: {  	s26 =	simm.s32 $0x1B8E;
	s25 =	sld [smem:$0x3FFE];
	[sflag:s24] =	ssyncadd.s32 $0xFFFFFFFF  }
0x1d: {  	s27 =	simm.s32 $execute0_lowered;
	[smem:$0x3FD2] =	sst s26  }
0x1e: {  	s5 =	sshll.u32 s27, $0x1;
	_ =	strace $0x80000049;
	[dreg:$0x1] =	wrdreg $0xFFFFFFFF  }
0x1f: {  	s28 =	simm.s32 $_size_execute0_lowered;
	s3 =	sadd.s32 s3, s5;
	[dreg:$0x0] =	wrdreg $0x0  }
0x20: {  	s5 =	sshll.u32 s28, $0x1;
	[dreg:$0x2] =	wrdreg s3  }
0x21: {  	[dreg:$0x3] =	wrdreg s5  }
0x22: {  	[dreg:$0x4] =	wrdreg $0xC0  }
0x23: {  	_ =	task [dreg:s7], $0x5FFFF  }
0x24: {  	[dreg:$0x1] =	wrdreg $0xFFFFFFFF  }
0x25: {  	[dreg:$0x0] =	wrdreg $0x60  }
0x26: {  	[dreg:$0x2] =	wrdreg s25  }
0x27: {  	[dreg:$0x3] =	wrdreg s2  }
0x28: {  	[dreg:$0x4] =	wrdreg $0x9  }
0x29: {  	_ =	task.clear_ibuf [dreg:s7], $0x5FFFF;
	_ =	strace $0x90000049  }
0x2a: {  	s29 =	simm.s32 $0x9;
	_ =	strace $0x8000004B  }
0x2b: {  	_ =	swait.ge [sflag:s29], $0x1  }
0x2c: {  	[sflag:s29] =	ssyncadd.s32 $0xFFFFFFFF  }
0x2d: {  	_ =	strace $0x9000004B  }
0x2e: {  	_ =	sfence  }
0x2f: {  	s30 =	sld [smem:$0x0];
	_ =	sdelay $0x2  }
0x30: {  	s31 =	sshll.u32 s1, $0xD;
	s1 =	sshrl.u32 s1, $0x2  }
0x31: {  	s3 =	sand.u32 $0x4000, s31;
	s1 =	sadd.s32 s1, s30  }
0x32: {  	s0 =	sor.u32 s3, s0;
	s1 =	sshll.u32 s1, $0x11  }
0x33: {  	s0 =	sor.u32 s1, s0  }
0x34: {  	s0 =	sadd.s32 $0x8F2B, s0  }
0x35: {  	[sflag:s0] =	ssyncadd.remote.s32 $0x1  }
0x36: {  	_ =	sfence.sel $0xFFFF  }
0x37: {  	[dreg:$0x0] =	wrdreg $0xFFFFFFFF;
	(pc) =	sbr.abs _section_cstart, $3  }
0x38: {  	[dreg:$0x1] =	wrdreg $0xFFFFFFFF  }
0x39: {  	_ =	task.clear_ibuf [dreg:s7], $0x2FFFF;
	_ =	strace $0x9FFFFFFF  }
0x3a: {  	(tm) =	ssettm $0x7FFFFFFF  }
0x3b: {  	_ =	shalt  }
tec
execute0_lowered:
.L_overlay_start_1:
0x0: {  	(tag) =	ssettag $0x1  }
0x1: {  	s0 =	srdreg.scid  }
0x2: {  	s1 =	sshll.u32 s0, $0x4  }
0x3: {  	s4 =	rddreg [dreg:$0x0];
	s0 =	stileid.u32;
	s1 =	sand.u32 $0x10, s1  }
0x4: {  	s2 =	rddreg [dreg:$0x1];
	s7 =	simm.s32 $0x1;
	s1 =	sor.u32 s0, s1  }
0x5: {  	s8 =	simm.s32 $0x2;
	s11 =	simm.s32 $0x0;
	s3 =	sshll.u32 s1, $0x7  }
0x6: {  	s10 =	simm.s32 $0x0;
	s4 =	sadd.s32 $0x800, s4;
	s6 =	ssub.s32 $0xC8000, s3  }
.Ltmp0:
0x7: {  	s1 =	rddreg [dreg:$0x2];
	s5 =	sand.u32 $0xF80, s6;
	(pc) =	sbr.rel .LBB1_1-.Ltmp0, $4  }
0x8: {  	_ =	strace $0x8000004A;
	s9 =	smov.u32 s3;
	p0 =	sne.s32 s5, $0x0  }
0x9: {  	s6 =	sshrl.u32 s6, $0xC;
	s5 =	simm.s32 $0x1;
	s7 =	simm.s32 @!p0 $0x0  }
0xa: {  	[sflag:s5] =	ssyncpa.u1 $0x0;
	p0 =	por $0x0, $0x0;
	s6 =	sadd.s32 s7, s6  }
0xb: {  	[sflag:s8] =	ssyncpa.u1 $0x0;
	s8 =	simm.s32 $0x640000;
	s7 =	sadd.s32 $0x1, s6  }
.LBB1_4:
0xc: {  	s14 =	sshll.u32 s11, $0x3  }
0xd: {  	s30 =	sand.u32 $0x7F, s11;
	s15 =	sand.u32 $0xFFFFFC00, s14  }
0xe: {  	s11 =	sor.u32 s30, s15  }
0xf: {  	s15 =	smulhi.u32 $0x51EB851F, s11  }
0x10: {  	s14 =	smulhi.u32 $0x51EB851F, s14  }
0x11: {  	s15 =	sshrl.u32 s15, $0x12  }
0x12: {  	s14 =	sshrl.u32 s14, $0x12;
	s15 =	smul.u32 $0xC8000, s15  }
0x13: {  	s14 =	sand.u32 $0x3F, s14  }
0x14: {  	s14 =	smul.u32 $0x19000, s14;
	s11 =	ssub.s32 s11, s15  }
0x15: {  	[tilespmem:s13+$0x810 ss:$0x81] =	vst.msk $0xffff, v2;
	s15 =	sand.u32 $0x7, s11  }
0x16: {  	[tilespmem:s13+$0x1020 ss:$0x81] =	vst.msk $0xffff, v0;
	s14 =	sadd.s32 s2, s14;
	s11 =	sshrl.u32 s11, $0x3;
	s15 =	sshll.u32 s15, $0x12  }
0x17: {  	[tilespmem:s13+$0x0 ss:$0x81] =	vst.msk $0xffff, v1;
	s11 =	sadd.s32 s11, s14;
	s31 =	sor.u32 $0x400, s15  }
0x18: {  	[hbm4b:s11+s31] =	stream.strided.scatter [tilespmem:s12], [sflag:$0x2], $0x2000, s8, s31, $0x20;
	[tilespmem:$0x8080] =	vst v63  }
.LBB1_5:
0x19: {  	s13 =	sadd.s32 $0x1000, s9  }
0x1a: {  	p2 =	sgt.s32 s13, $0xC7FFF  }
0x1b: {  	s13 =	smov.u32 @p2 s3;
	p2 =	sne.s32 s10, s7  }
.Ltmp1:
0x1c: {  	p1 =	slt.u32 s10, $0x2;
	(pc) =	sbr.rel @!p2 .LBB1_6-.Ltmp1, $4  }
0x1d: {  	s12 =	simm.s32 @!p1 $0x2  }
0x1e: {  	s14 =	sadd.s32 $0x1, s10;
	_ =	swait.ge @!p1 [sflag:s12], $0x2000  }
0x1f: {  	s11 =	smov.u32 s9;
	p0 =	por !p0, !p0;
	[sflag:s12] =	ssyncset.done @!p1 $0x0  }
0x20: {  	s10 =	smov.u32 s14;
	s9 =	smov.u32 s13;
	[sflag:s12] =	ssyncadd.s32 @!p1 $0xFFFFE000  }
.LBB1_1:
0x21: {  	p1 =	sge.u32 s10, s6  }
0x22: {  	s12 =	sand.u32 @!p1 $0x1FFFFFF, s9  }
0x23: {  	s13 =	smulhi.u32 @!p1 $0x147AE15, s12;
	_ =	sdelay $0x1  }
0x24: {  	s13 =	sshrl.u32 @!p1 s13, $0xC  }
0x25: {  	s13 =	smul.u32 @!p1 $0xC8000, s13;
	_ =	sdelay $0x1  }
0x26: {  	s31 =	sadd.s32 $0xFFFFFFFF, s10;
	s14 =	sxor.u32 @!p1 $0xFFFFFFFF, s10;
	s12 =	ssub.s32 @!p1 s12, s13  }
0x27: {  	s15 =	simm.s32 @!p1 $0x80;
	s14 =	sshll.u32 @!p1 s14, $0xD;
	s12 =	sshll.u32 @!p1 s12, $0x4  }
0x28: {  	s13 =	sand.u32 @!p1 $0x2000, s14;
	s14 =	simm.s32 @!p1 $0x40;
	s12 =	sadd.s32 @!p1 s4, s12  }
0x29: {  	[tilespmem:s13], [sflag:$0x1] =	stream.strided.gather @!p1 [hbm4b:s12+s14], $0x2000, s15, s14, $0x38;
	[tilespmem:$0x8080] =	vst v63  }
0x2a: {  	p1 =	sge.u32 s31, s6  }
.Ltmp2:
0x2b: {  	_ = 	snop;
	(pc) =	sbr.rel @p1 .LBB1_5-.Ltmp2, $1  }
0x2c: {  	_ =	sdelay $0x3  }
0x2d: {  	s12 =	simm.s32 $0x1  }
0x2e: {  	_ =	swait.ge [sflag:s5], $0x2000;
	s12 =	simm.s32 @!p0 $0x0  }
0x2f: {  	[sflag:s5] =	ssyncset.done $0x0;
	s13 =	sshll.u32 s12, $0xD  }
0x30: {  	[sflag:s5] =	ssyncadd.s32 $0xFFFFE000;
	s16 =	sor.u32 $0x20, s13  }
0x31: {  	s12 =	smul.u32 $0x8100, s12;
	v3 =	vld [tilespmem:s16+$0x10]  }
0x32: {  	s30 =	sand.u32 $0x1, s10;
	v2 =	vld [tilespmem:s16+$0xFFFFFFF0]  }
0x33: {  	s13 =	smul.u32 $0x8100, s30;
	s12 =	sshrl.u32 s12, $0x2;
	v0 =	vld [tilespmem:s16+$0x0]  }
0x34: {  	v1 =	vld [tilespmem:s16+$0xFFFFFFE0];
	s14 =	sor.u32 $0x4000, s12  }
0x35: {  	s31 =	sshrl.u32 s13, $0x2;
	s13 =	sadd.s32 $0x0, s14  }
0x36: {  	s15 =	simm.s32 $0x4;
	s16 =	sadd.s32 $0x40, s16;
	s12 =	sor.u32 $0x4000, s31;
	[tilespmem:s13+$0x1830 ss:$0x81] =	vst.msk $0xffff, v3  }
.LBB1_3:
0x37: {  	v3 =	vld [tilespmem:s16+$0x10];
	p1 =	sne.s32 s15, $0x1FC;
	[tilespmem:s13+$0x810 ss:$0x81] =	vst.msk $0xffff, v2;
	s17 =	smov.u32 s15;
	s15 =	sadd.s32 $0x4, s15  }
.Ltmp3:
0x38: {  	v2 =	vld [tilespmem:s16+$0xFFFFFFF0];
	[tilespmem:s13+$0x1020 ss:$0x81] =	vst.msk $0xffff, v0;
	(pc) =	sbr.rel @p1 .LBB1_3-.Ltmp3, $4  }
0x39: {  	v0 =	vld [tilespmem:s16+$0x0];
	[tilespmem:s13+$0x0 ss:$0x81] =	vst.msk $0xffff, v1  }
0x3a: {  	s13 =	sshra.s32 s17, $0x2;
	v1 =	vld [tilespmem:s16+$0xFFFFFFE0]  }
0x3b: {  	s13 =	sadd.s32 s13, s14  }
0x3c: {  	s16 =	sadd.s32 $0x40, s16;
	[tilespmem:s13+$0x1830 ss:$0x81] =	vst.msk $0xffff, v3  }
.Ltmp4:
0x3d: {  	_ = 	snop;
	(pc) =	sbr.rel .LBB1_4-.Ltmp4, $1  }
0x3e: {  	_ =	sdelay $0x3  }
.LBB1_6:
0x3f: {  	_ =	sfence.sel $0x180000  }
0x40: {  	s2 =	simm.s32 $0x1;
	[bflag:$0x0] =	sbarrier.arrive $0xFFFF  }
0x41: {  	s31 =	simm.s32 $0x2;
	[sflag:s2] =	ssyncpa.u1 $0x1  }
0x42: {  	[sflag:s31] =	ssyncpa.u1 $0x1  }
0x43: {  	p0 =	sne.s32 s0, $0x0;
	_ =	strace $0x9000004A  }
0x44: {  	s0 =	sadd.s32 @!p0 $0x100000, s1;
	[bflag:$0x2] =	sbarrier.arrive $0xFFFF  }
0x45: {  	[sflag:s0] =	ssyncadd.tile.s32 @!p0 $0x1;
	_ =	shalt  }
.Lfunc_end1:
_tile_overlayer_lowered:
.L_overlay_start_2:
0x46: {  	(tag) =	ssettag $0x2  }
0x47: {  	s0 =	rddreg [dreg:$0x0];
	s2 =	stileid.u32  }
0x48: {  	s1 =	rddreg [dreg:$0x1];
	p0 =	sne.s32 s2, $0x0  }
0x49: {  	s3 =	rddreg [dreg:$0x2];
	[bflag:$0x3] =	sbarrier.arrive $0xFFFF;
	s2 =	simm.s32 @!p0 $0x1C01  }
0x4a: {  	[timem:s3], [sflag:s2] =	dma.local @!p0 [hbm:s0], s1  }
0x4b: {  	s0 =	simm.s32 @!p0 $0x1  }
0x4c: {  	_ =	swait.ge @!p0 [sflag:s0], s1  }
0x4d: {  	s1 =	ssub.s32 @!p0 $0x0, s1;
	[sflag:s0] =	ssyncset.done @!p0 $0x0  }
0x4e: {  	[sflag:s0] =	ssyncadd.s32 @!p0 s1  }
0x4f: {  	[bflag:$0x3] =	sbarrier.arrive $0xFFFF  }
0x50: {  	_ =	shalt  }

</sc_bundles>
